<compile_context>
chip_gen: v7x
topology: tpu7x:2x2x1
jax: 0.10.2.dev20260603
libtpu: 0.0.44.dev20260713+nightly
codegen_flags: <defaults>
</compile_context>

<pallas_src>
import functools

import jax
import jax.numpy as jnp
from jax import lax
from jax.experimental import pallas as pl
from jax.experimental.pallas import tpu as pltpu
from jax.experimental.pallas import tpu_sc as plsc

_F = 8192
_K = 8
_B = 1024
_CD = 64

_ROWS = 128


_DEPTH = 4
_LANES = 128
_BIGI = 2 ** 30


def _extract8(vals, idxs):
    cols = []
    m = None
    for _ in range(_K):
        m = jnp.min(vals, axis=1, keepdims=True)
        cand = jnp.where(vals == m, idxs, jnp.int32(_BIGI))
        sel = jnp.min(cand, axis=1, keepdims=True)
        cols.append(sel)
        vals = jnp.where(idxs == sel, jnp.float32(jnp.inf), vals)
    return jnp.concatenate(cols, axis=1), m


def _norms_body(crd_ref, out_ref):
    a = crd_ref[...]
    out_ref[...] = jnp.sum(a * a, axis=1, keepdims=True)


def _norms(crd, interpret=False):
    return pl.pallas_call(
        _norms_body,
        out_shape=jax.ShapeDtypeStruct((_F, 1), jnp.float32),
        interpret=interpret,
    )(crd)


def _nbr_body(crd_ref, crdT_ref, ncol_ref, nrow_ref, idx_ref):
    a = crd_ref[...]
    bT = crdT_ref[...]
    na = ncol_ref[...]
    nb = nrow_ref[...]
    d = jnp.dot(a, bT, preferred_element_type=jnp.float32)
    d = -2.0 * d + nb
    d = d + na
    d = jnp.sqrt(jnp.maximum(d, 0.0))
    r = d.shape[0]

    lane = lax.broadcasted_iota(jnp.int32, (r, _LANES), 1)
    ms = [jnp.full((r, _LANES), jnp.float32(jnp.inf))] * _DEPTH
    is_ = [jnp.full((r, _LANES), _BIGI, jnp.int32)] * _DEPTH
    for c in range(_F // _LANES):
        cv = lax.slice(d, (0, c * _LANES), (r, (c + 1) * _LANES))
        ci = lane + jnp.int32(c * _LANES)
        for lvl in range(_DEPTH):
            lt = cv < ms[lvl]
            nm = jnp.where(lt, cv, ms[lvl])
            ni = jnp.where(lt, ci, is_[lvl])
            if lvl + 1 < _DEPTH:
                cv = jnp.where(lt, ms[lvl], cv)
                ci = jnp.where(lt, is_[lvl], ci)
            ms[lvl] = nm
            is_[lvl] = ni

    pool = jnp.concatenate(ms, axis=1)
    pidx = jnp.concatenate(is_, axis=1)
    fast_idx, v8 = _extract8(pool, pidx)

    viol = jnp.any(ms[_DEPTH - 1] <= v8)

    @pl.when(jnp.logical_not(viol))
    def _():
        idx_ref[...] = fast_idx

    @pl.when(viol)
    def _():
        colid = lax.broadcasted_iota(jnp.int32, d.shape, 1)
        slow_idx, _unused = _extract8(d, colid)
        idx_ref[...] = slow_idx


def _neighbor_topk(crd, crdT, interpret=False):
    ncol = _norms(crd, interpret=interpret)
    nrow = ncol.reshape(1, _F)
    return pl.pallas_call(
        _nbr_body,
        grid=(_F // _ROWS,),
        in_specs=[
            pl.BlockSpec((_ROWS, _CD), lambda i: (i, 0)),
            pl.BlockSpec((_CD, _F), lambda i: (0, 0)),
            pl.BlockSpec((_ROWS, 1), lambda i: (i, 0)),
            pl.BlockSpec((1, _F), lambda i: (0, 0)),
        ],
        out_specs=pl.BlockSpec((_ROWS, _K), lambda i: (i, 0)),
        out_shape=jax.ShapeDtypeStruct((_F, _K), jnp.int32),
        interpret=interpret,
    )(crd, crdT, ncol, nrow)


def _tr3_out_body(in_ref, out_ref):
    t = in_ref[...].T
    out_ref[...] = t.reshape(out_ref.shape)


def _transpose_to3d(mat, bj, interpret=False):
    m, n = mat.shape
    return pl.pallas_call(
        _tr3_out_body,
        grid=(n // bj,),
        in_specs=[pl.BlockSpec((m, bj), lambda j: (0, j))],
        out_specs=pl.BlockSpec((bj, m // 128, 128), lambda j: (j, 0, 0)),
        out_shape=jax.ShapeDtypeStruct((n, m // 128, 128), mat.dtype),
        interpret=interpret,
    )(mat)


def _tr3_in_body(in_ref, out_ref):
    v = in_ref[...]
    out_ref[...] = v.reshape(v.shape[0], v.shape[1] * v.shape[2]).T


def _transpose_from3d(mat3, bi, interpret=False):
    m, s, l = mat3.shape
    n = s * l
    return pl.pallas_call(
        _tr3_in_body,
        grid=(m // bi,),
        in_specs=[pl.BlockSpec((bi, s, l), lambda i: (i, 0, 0))],
        out_specs=pl.BlockSpec((n, bi), lambda i: (0, i)),
        out_shape=jax.ShapeDtypeStruct((n, m), mat3.dtype),
        interpret=interpret,
    )(mat3)


_NC, _NS = 2, 16
_NW = _NC * _NS
_BPW = _F * _K // _NW
_CH = 32
_NCH = _BPW // _CH


def _gather_sc_body(table_hbm, idx_hbm, out_hbm, idx_v, rows0, rows1,
                    gsem0, gsem1, wsem0, wsem1):
    wid = lax.axis_index("s") * _NC + lax.axis_index("c")
    base = pl.multiple_of(wid * _BPW, _BPW)
    pltpu.sync_copy(idx_hbm.at[pl.ds(base, _BPW)], idx_v)

    def pair(j, carry):
        off0 = pl.multiple_of(j * (2 * _CH), _CH)
        off1 = pl.multiple_of(j * (2 * _CH) + _CH, _CH)

        @pl.when(j > 0)
        def _():
            pltpu.make_async_copy(
                rows0, out_hbm.at[pl.ds(base, _CH)], wsem0).wait()

        g0 = pltpu.async_copy(
            table_hbm.at[idx_v.at[pl.ds(off0, _CH)]], rows0, gsem0)

        @pl.when(j > 0)
        def _():
            pltpu.make_async_copy(
                rows1, out_hbm.at[pl.ds(base, _CH)], wsem1).wait()

        g1 = pltpu.async_copy(
            table_hbm.at[idx_v.at[pl.ds(off1, _CH)]], rows1, gsem1)
        g0.wait()
        pltpu.async_copy(rows0, out_hbm.at[pl.ds(base + off0, _CH)], wsem0)
        g1.wait()
        pltpu.async_copy(rows1, out_hbm.at[pl.ds(base + off1, _CH)], wsem1)
        return carry

    lax.fori_loop(0, _NCH // 2, pair, 0)
    pltpu.make_async_copy(rows0, out_hbm.at[pl.ds(base, _CH)], wsem0).wait()
    pltpu.make_async_copy(rows1, out_hbm.at[pl.ds(base, _CH)], wsem1).wait()


@functools.cache
def _gather_sc():
    return pl.kernel(
        _gather_sc_body,
        out_type=jax.ShapeDtypeStruct((_F * _K, 8, 128), jnp.float32),
        mesh=plsc.VectorSubcoreMesh(core_axis_name="c", subcore_axis_name="s"),
        scratch_types=[
            pltpu.VMEM((_BPW,), jnp.int32),
            pltpu.VMEM((_CH, 8, 128), jnp.float32),
            pltpu.VMEM((_CH, 8, 128), jnp.float32),
            pltpu.SemaphoreType.DMA,
            pltpu.SemaphoreType.DMA,
            pltpu.SemaphoreType.DMA,
            pltpu.SemaphoreType.DMA,
        ],
    )


def kernel(x, coordinates):
    x2 = x.reshape(_B, _F)
    crdT = coordinates.reshape(_CD, _F)
    crd = crdT.T
    nbr = _neighbor_topk(crd, crdT)
    idx_flat = nbr.reshape(_F * _K)
    xT3 = _transpose_to3d(x2, 512)
    outT3 = _gather_sc()(xT3, idx_flat)
    out = _transpose_from3d(outT3, 512)
    return out.reshape(_B, 1, _F * _K, 1)

# --- scband reference (transcript-rebuilt; emitter-appended) ---
"""Pipeline reference for scband-phylo-neighbours-40346922779010 (READ-ONLY COPY).

The authoritative reference and input builder live on the scoring server;
editing this copy changes nothing except your own understanding.
"""

import jax, jax.numpy as jnp
import numpy as np

NB_NEIGHBORS = 8
NB_FEATURES = 8192


def setup_inputs(seed: int = 0) -> dict:
    key = jax.random.key(seed)
    k1, k2 = jax.random.split(key)
    x = jax.random.normal(k1, (1024, 1, 8192, 1), dtype=jnp.float32)
    coordinates = jax.random.normal(k2, (64, 1, 8192), dtype=jnp.float32)
    return {"x": x, "coordinates": coordinates}


def _euclidean_distances(X):
    # X: (F, d). Pairwise euclidean distances between rows of X.
    XX = jnp.sum(jnp.square(X), axis=1)[None, :]  # (1, F)
    d = jnp.dot(X, X.T)                            # (F, F)
    d = -2.0 * d + XX + XX.T
    d = jnp.maximum(d, 0.0)
    return jnp.sqrt(d)


def _neighbor_indices(coordinates):
    # coordinates: (coord_dim, 1, F) -> crd: (coord_dim, F) -> crd.T: (F, coord_dim)
    crd = coordinates.reshape(coordinates.shape[0], coordinates.shape[2])
    dist = _euclidean_distances(crd.T)             # (F, F)
    _, neighbor_indexes = jax.lax.top_k(-dist, NB_NEIGHBORS)  # (F, K)
    return neighbor_indexes[0:NB_FEATURES, 0:NB_NEIGHBORS]


def _gather_along_axis2(data, indices):
    # data: (B, 1, F, 1); gather along axis=2 with indices (F, K)
    # perm = [2, 1, 0, 3] as in the original Keras code (axis=2, rank=4)
    data_p = jnp.transpose(data, (2, 1, 0, 3))     # (F, 1, B, 1)
    g = data_p[indices]                             # (F, K, 1, B, 1)
    g = g.reshape(g.shape[0] * g.shape[1], g.shape[2], g.shape[3], g.shape[4])  # (F*K, 1, B, 1)
    return jnp.transpose(g, (2, 1, 0, 3))          # (B, 1, F*K, 1)


def reference(x, coordinates):
    target_neighbors = _neighbor_indices(coordinates)
    return _gather_along_axis2(x, target_neighbors)

if __name__ == "__main__":
    import jax
    _d = setup_inputs()
    print(jax.jit(kernel)(*tuple(_d.values())))

</pallas_src>

<mosaic_0001>
#map = affine_map<(d0, d1) -> (0, 0, 0)>
#map1 = affine_map<(d0, d1) -> (0)>
module attributes {stable_mosaic.version = 14 : i64} {
  func.func @_gather_sc_body(%arg0: i32, %arg1: i32, %arg2: memref<8192x8x128xf32, #tpu.memory_space<hbm>>, %arg3: memref<65536xi32, #tpu.memory_space<hbm>>, %arg4: memref<65536x8x128xf32, #tpu.memory_space<hbm>>, %arg5: memref<2048xi32, #tpu.memory_space<vmem>>, %arg6: memref<32x8x128xf32, #tpu.memory_space<vmem>>, %arg7: memref<32x8x128xf32, #tpu.memory_space<vmem>>, %arg8: memref<!tpu.dma_semaphore, #tpu.memory_space<semaphore_mem>>, %arg9: memref<!tpu.dma_semaphore, #tpu.memory_space<semaphore_mem>>, %arg10: memref<!tpu.dma_semaphore, #tpu.memory_space<semaphore_mem>>, %arg11: memref<!tpu.dma_semaphore, #tpu.memory_space<semaphore_mem>>) attributes {dimension_semantics = [#tpu.dimension_semantics<core_parallel>, #tpu.dimension_semantics<subcore_parallel>], iteration_bounds = array<i64: 2, 16>, scalar_prefetch = 0 : i64, scratch_operands = 7 : i64, tpu.core_type = #tpu.core_type<sc_vector_subcore>, window_params = [{transform_indices = #map}, {transform_indices = #map1}, {transform_indices = #map}]} {
    %mul3A = arith.constant 2 : i32
    %mul3A_0 = arith.muli %arg1, %mul3A : i32
    %add3A = arith.addi %mul3A_0, %arg0 : i32
    %mul3A_1 = arith.constant 2048 : i32
    %mul3A_2 = arith.muli %add3A, %mul3A_1 : i32
    %multiple_of3A = tpu.assume_multiple %mul3A_2, 2048 : i32
    "tpu.region"() ({
      %run_scoped3A = tpu.sem_alloc : memref<!tpu.dma_semaphore, #tpu.memory_space<semaphore_mem>>
      %dma_start3A = tpu.memref_slice %arg3[%multiple_of3A] : memref<65536xi32, #tpu.memory_space<hbm>> -> memref<2048xi32, #tpu.memory_space<hbm>>
      %dma_start3A_19 = tpu.memref_slice %arg3[%multiple_of3A] : memref<65536xi32, #tpu.memory_space<hbm>> -> memref<2048xi32, #tpu.memory_space<hbm>>
      tpu.enqueue_dma source(%dma_start3A_19 : memref<2048xi32, #tpu.memory_space<hbm>>) target(%arg5 : memref<2048xi32, #tpu.memory_space<vmem>>) target_semaphore(%run_scoped3A : memref<!tpu.dma_semaphore, #tpu.memory_space<semaphore_mem>>)
      %dma_wait3A_20 = tpu.memref_slice %arg3[%multiple_of3A] : memref<65536xi32, #tpu.memory_space<hbm>> -> memref<2048xi32, #tpu.memory_space<hbm>>
      %dma_wait3A_21 = tpu.memref_slice %arg3[%multiple_of3A] : memref<65536xi32, #tpu.memory_space<hbm>> -> memref<2048xi32, #tpu.memory_space<hbm>>
      tpu.wait_dma2 semaphore(%run_scoped3A : memref<!tpu.dma_semaphore, #tpu.memory_space<semaphore_mem>>) src(%dma_wait3A_21 : memref<2048xi32, #tpu.memory_space<hbm>>) dst(%arg5 : memref<2048xi32, #tpu.memory_space<vmem>>)
      tpu.yield
    }) : () -> ()
    %scan3A = arith.constant 0 : i32
    %scan3A_3 = arith.constant 0 : i32
    %scan3A_4 = arith.constant 32 : i32
    %scan3A_5 = arith.addi %scan3A_3, %scan3A_4 : i32
    %scan3A_6 = arith.constant 1 : i32
    scf.for %scan3A_19 = %scan3A_3 to %scan3A_5 step %scan3A_6  : i32 {
      %mul3A_20 = arith.constant 64 : i32
      %mul3A_21 = arith.muli %scan3A_19, %mul3A_20 : i32
      %multiple_of3A_22 = tpu.assume_multiple %mul3A_21, 32 : i32
      %mul3A_23 = arith.constant 64 : i32
      %mul3A_24 = arith.muli %scan3A_19, %mul3A_23 : i32
      %add3A_25 = arith.constant 32 : i32
      %add3A_26 = arith.addi %mul3A_24, %add3A_25 : i32
      %multiple_of3A_27 = tpu.assume_multiple %add3A_26, 32 : i32
      %gt3A = arith.constant 0 : i32
      %gt3A_28 = arith.cmpi sgt, %scan3A_19, %gt3A : i32
      %convert_element_type3A = arith.extui %gt3A_28 : i1 to i32
      %cond3A = arith.constant 0 : i32
      %cond3A_29 = arith.cmpi ne, %convert_element_type3A, %cond3A : i32
      scf.if %cond3A_29 {
        %dma_wait3A_68 = arith.constant 0 : i32
        %dma_wait3A_69 = arith.constant 0 : i32
        %dma_wait3A_70 = tpu.memref_slice %arg4[%multiple_of3A, %dma_wait3A_68, %dma_wait3A_69] : memref<65536x8x128xf32, #tpu.memory_space<hbm>> -> memref<32x8x128xf32, #tpu.memory_space<hbm>>
        %dma_wait3A_71 = arith.constant 0 : i32
        %dma_wait3A_72 = arith.constant 0 : i32
        %dma_wait3A_73 = tpu.memref_slice %arg4[%multiple_of3A, %dma_wait3A_71, %dma_wait3A_72] : memref<65536x8x128xf32, #tpu.memory_space<hbm>> -> memref<32x8x128xf32, #tpu.memory_space<hbm>>
        tpu.wait_dma2 semaphore(%arg10 : memref<!tpu.dma_semaphore, #tpu.memory_space<semaphore_mem>>) src(%arg6 : memref<32x8x128xf32, #tpu.memory_space<vmem>>) dst(%dma_wait3A_73 : memref<32x8x128xf32, #tpu.memory_space<hbm>>)
      } else {
      }
      %dma_start3A = tpu.memref_slice %arg5[%multiple_of3A_22] : memref<2048xi32, #tpu.memory_space<vmem>> -> memref<32xi32, #tpu.memory_space<vmem>>
      %dma_start3A_30 = arith.constant 0 : i32
      %dma_start3A_31 = arith.constant 0 : i32
      %dma_start3A_32 = arith.constant 0 : i32
      %dma_start3A_33 = tpu.memref_slice %arg2[%dma_start3A_30, %dma_start3A_31, %dma_start3A_32] : memref<8192x8x128xf32, #tpu.memory_space<hbm>> -> memref<8192x8x128xf32, #tpu.memory_space<hbm>>
      tpu.enqueue_indirect_dma source(%dma_start3A_33 : memref<8192x8x128xf32, #tpu.memory_space<hbm>>) target(%arg6 : memref<32x8x128xf32, #tpu.memory_space<vmem>>) offsets(%dma_start3A : memref<32xi32, #tpu.memory_space<vmem>>) semaphore(%arg8 : memref<!tpu.dma_semaphore, #tpu.memory_space<semaphore_mem>>)
      %gt3A_34 = arith.constant 0 : i32
      %gt3A_35 = arith.cmpi sgt, %scan3A_19, %gt3A_34 : i32
      %convert_element_type3A_36 = arith.extui %gt3A_35 : i1 to i32
      %cond3A_37 = arith.constant 0 : i32
      %cond3A_38 = arith.cmpi ne, %convert_element_type3A_36, %cond3A_37 : i32
      scf.if %cond3A_38 {
        %dma_wait3A_68 = arith.constant 0 : i32
        %dma_wait3A_69 = arith.constant 0 : i32
        %dma_wait3A_70 = tpu.memref_slice %arg4[%multiple_of3A, %dma_wait3A_68, %dma_wait3A_69] : memref<65536x8x128xf32, #tpu.memory_space<hbm>> -> memref<32x8x128xf32, #tpu.memory_space<hbm>>
        %dma_wait3A_71 = arith.constant 0 : i32
        %dma_wait3A_72 = arith.constant 0 : i32
        %dma_wait3A_73 = tpu.memref_slice %arg4[%multiple_of3A, %dma_wait3A_71, %dma_wait3A_72] : memref<65536x8x128xf32, #tpu.memory_space<hbm>> -> memref<32x8x128xf32, #tpu.memory_space<hbm>>
        tpu.wait_dma2 semaphore(%arg11 : memref<!tpu.dma_semaphore, #tpu.memory_space<semaphore_mem>>) src(%arg7 : memref<32x8x128xf32, #tpu.memory_space<vmem>>) dst(%dma_wait3A_73 : memref<32x8x128xf32, #tpu.memory_space<hbm>>)
      } else {
      }
      %dma_start3A_39 = tpu.memref_slice %arg5[%multiple_of3A_27] : memref<2048xi32, #tpu.memory_space<vmem>> -> memref<32xi32, #tpu.memory_space<vmem>>
      %dma_start3A_40 = arith.constant 0 : i32
      %dma_start3A_41 = arith.constant 0 : i32
      %dma_start3A_42 = arith.constant 0 : i32
      %dma_start3A_43 = tpu.memref_slice %arg2[%dma_start3A_40, %dma_start3A_41, %dma_start3A_42] : memref<8192x8x128xf32, #tpu.memory_space<hbm>> -> memref<8192x8x128xf32, #tpu.memory_space<hbm>>
      tpu.enqueue_indirect_dma source(%dma_start3A_43 : memref<8192x8x128xf32, #tpu.memory_space<hbm>>) target(%arg7 : memref<32x8x128xf32, #tpu.memory_space<vmem>>) offsets(%dma_start3A_39 : memref<32xi32, #tpu.memory_space<vmem>>) semaphore(%arg9 : memref<!tpu.dma_semaphore, #tpu.memory_space<semaphore_mem>>)
      %dma_wait3A_44 = tpu.memref_slice %arg5[%multiple_of3A_22] : memref<2048xi32, #tpu.memory_space<vmem>> -> memref<32xi32, #tpu.memory_space<vmem>>
      %dma_wait3A_45 = arith.constant 0 : i32
      %dma_wait3A_46 = arith.constant 0 : i32
      %dma_wait3A_47 = arith.constant 0 : i32
      %dma_wait3A_48 = tpu.memref_slice %arg2[%dma_wait3A_45, %dma_wait3A_46, %dma_wait3A_47] : memref<8192x8x128xf32, #tpu.memory_space<hbm>> -> memref<8192x8x128xf32, #tpu.memory_space<hbm>>
      tpu.wait_indirect_dma semaphore(%arg8 : memref<!tpu.dma_semaphore, #tpu.memory_space<semaphore_mem>>) src(%dma_wait3A_48 : memref<8192x8x128xf32, #tpu.memory_space<hbm>>) dst(%arg6 : memref<32x8x128xf32, #tpu.memory_space<vmem>>)
      %add3A_49 = arith.addi %multiple_of3A, %multiple_of3A_22 : i32
      %dma_start3A_50 = arith.constant 0 : i32
      %dma_start3A_51 = arith.constant 0 : i32
      %dma_start3A_52 = tpu.memref_slice %arg4[%add3A_49, %dma_start3A_50, %dma_start3A_51] : memref<65536x8x128xf32, #tpu.memory_space<hbm>> -> memref<32x8x128xf32, #tpu.memory_space<hbm>>
      %dma_start3A_53 = arith.constant 0 : i32
      %dma_start3A_54 = arith.constant 0 : i32
      %dma_start3A_55 = tpu.memref_slice %arg4[%add3A_49, %dma_start3A_53, %dma_start3A_54] : memref<65536x8x128xf32, #tpu.memory_space<hbm>> -> memref<32x8x128xf32, #tpu.memory_space<hbm>>
      tpu.enqueue_dma source(%arg6 : memref<32x8x128xf32, #tpu.memory_space<vmem>>) target(%dma_start3A_55 : memref<32x8x128xf32, #tpu.memory_space<hbm>>) target_semaphore(%arg10 : memref<!tpu.dma_semaphore, #tpu.memory_space<semaphore_mem>>)
      %dma_wait3A_56 = tpu.memref_slice %arg5[%multiple_of3A_27] : memref<2048xi32, #tpu.memory_space<vmem>> -> memref<32xi32, #tpu.memory_space<vmem>>
      %dma_wait3A_57 = arith.constant 0 : i32
      %dma_wait3A_58 = arith.constant 0 : i32
      %dma_wait3A_59 = arith.constant 0 : i32
      %dma_wait3A_60 = tpu.memref_slice %arg2[%dma_wait3A_57, %dma_wait3A_58, %dma_wait3A_59] : memref<8192x8x128xf32, #tpu.memory_space<hbm>> -> memref<8192x8x128xf32, #tpu.memory_space<hbm>>
      tpu.wait_indirect_dma semaphore(%arg9 : memref<!tpu.dma_semaphore, #tpu.memory_space<semaphore_mem>>) src(%dma_wait3A_60 : memref<8192x8x128xf32, #tpu.memory_space<hbm>>) dst(%arg7 : memref<32x8x128xf32, #tpu.memory_space<vmem>>)
      %add3A_61 = arith.addi %multiple_of3A, %multiple_of3A_27 : i32
      %dma_start3A_62 = arith.constant 0 : i32
      %dma_start3A_63 = arith.constant 0 : i32
      %dma_start3A_64 = tpu.memref_slice %arg4[%add3A_61, %dma_start3A_62, %dma_start3A_63] : memref<65536x8x128xf32, #tpu.memory_space<hbm>> -> memref<32x8x128xf32, #tpu.memory_space<hbm>>
      %dma_start3A_65 = arith.constant 0 : i32
      %dma_start3A_66 = arith.constant 0 : i32
      %dma_start3A_67 = tpu.memref_slice %arg4[%add3A_61, %dma_start3A_65, %dma_start3A_66] : memref<65536x8x128xf32, #tpu.memory_space<hbm>> -> memref<32x8x128xf32, #tpu.memory_space<hbm>>
      tpu.enqueue_dma source(%arg7 : memref<32x8x128xf32, #tpu.memory_space<vmem>>) target(%dma_start3A_67 : memref<32x8x128xf32, #tpu.memory_space<hbm>>) target_semaphore(%arg11 : memref<!tpu.dma_semaphore, #tpu.memory_space<semaphore_mem>>)
    }
    %scan3A_7 = arith.constant 32 : i32
    %dma_wait3A = arith.constant 0 : i32
    %dma_wait3A_8 = arith.constant 0 : i32
    %dma_wait3A_9 = tpu.memref_slice %arg4[%multiple_of3A, %dma_wait3A, %dma_wait3A_8] : memref<65536x8x128xf32, #tpu.memory_space<hbm>> -> memref<32x8x128xf32, #tpu.memory_space<hbm>>
    %dma_wait3A_10 = arith.constant 0 : i32
    %dma_wait3A_11 = arith.constant 0 : i32
    %dma_wait3A_12 = tpu.memref_slice %arg4[%multiple_of3A, %dma_wait3A_10, %dma_wait3A_11] : memref<65536x8x128xf32, #tpu.memory_space<hbm>> -> memref<32x8x128xf32, #tpu.memory_space<hbm>>
    tpu.wait_dma2 semaphore(%arg10 : memref<!tpu.dma_semaphore, #tpu.memory_space<semaphore_mem>>) src(%arg6 : memref<32x8x128xf32, #tpu.memory_space<vmem>>) dst(%dma_wait3A_12 : memref<32x8x128xf32, #tpu.memory_space<hbm>>)
    %dma_wait3A_13 = arith.constant 0 : i32
    %dma_wait3A_14 = arith.constant 0 : i32
    %dma_wait3A_15 = tpu.memref_slice %arg4[%multiple_of3A, %dma_wait3A_13, %dma_wait3A_14] : memref<65536x8x128xf32, #tpu.memory_space<hbm>> -> memref<32x8x128xf32, #tpu.memory_space<hbm>>
    %dma_wait3A_16 = arith.constant 0 : i32
    %dma_wait3A_17 = arith.constant 0 : i32
    %dma_wait3A_18 = tpu.memref_slice %arg4[%multiple_of3A, %dma_wait3A_16, %dma_wait3A_17] : memref<65536x8x128xf32, #tpu.memory_space<hbm>> -> memref<32x8x128xf32, #tpu.memory_space<hbm>>
    tpu.wait_dma2 semaphore(%arg11 : memref<!tpu.dma_semaphore, #tpu.memory_space<semaphore_mem>>) src(%arg7 : memref<32x8x128xf32, #tpu.memory_space<vmem>>) dst(%dma_wait3A_18 : memref<32x8x128xf32, #tpu.memory_space<hbm>>)
    return
  }
}

module attributes {stable_mosaic.version = 14 : i64} {
  func.func @_norms_body(%arg0: memref<8192x64xf32, #tpu.memory_space<vmem>>, %arg1: memref<8192x1xf32, #tpu.memory_space<vmem>>) attributes {dimension_semantics = [], scalar_prefetch = 0 : i64, scratch_operands = 0 : i64, tpu.core_type = #tpu.core_type<tc>} {
    %get3A = arith.constant 0 : index
    %get3A_0 = arith.constant 0 : index
    %get3A_1 = vector.load %arg0[%get3A, %get3A_0] : memref<8192x64xf32, #tpu.memory_space<vmem>>, vector<8192x64xf32>
    %mul3A = arith.mulf %get3A_1, %get3A_1 : vector<8192x64xf32>
    %reduce_sum3A = arith.constant dense<0.000000e+00> : vector<8192xf32>
    %reduce_sum3A_2 = vector.multi_reduction <add>, %mul3A, %reduce_sum3A [1] : vector<8192x64xf32> to vector<8192xf32>
    %broadcast_in_dim3A = vector.shape_cast %reduce_sum3A_2 : vector<8192xf32> to vector<8192x1xf32>
    %swap3A = arith.constant 0 : index
    %swap3A_3 = arith.constant 0 : index
    %swap3A_4 = vector.load %arg1[%swap3A, %swap3A_3] : memref<8192x1xf32, #tpu.memory_space<vmem>>, vector<8192x1xf32>
    tpu.vector_store %arg1[%swap3A, %swap3A_3], %broadcast_in_dim3A {strides = array<i32>} : memref<8192x1xf32, #tpu.memory_space<vmem>>, vector<8192x1xf32>,
    return
  }
}

module attributes {stable_mosaic.version = 14 : i64} {
  func.func @_nbr_body(%arg0: i32, %arg1: memref<128x64xf32, #tpu.memory_space<vmem>>, %arg2: memref<64x8192xf32, #tpu.memory_space<vmem>>, %arg3: memref<128x1xf32, #tpu.memory_space<vmem>>, %arg4: memref<1x8192xf32, #tpu.memory_space<vmem>>, %arg5: memref<128x8xi32, #tpu.memory_space<vmem>>) attributes {dimension_semantics = [#tpu.dimension_semantics<arbitrary>], iteration_bounds = array<i64: 64>, scalar_prefetch = 0 : i64, scratch_operands = 0 : i64, tpu.core_type = #tpu.core_type<tc>, window_params = [{transform_indices = @transform_0, window_bounds = array<i64: 128, 64>}, {pipeline_mode = #tpu.pipeline_mode<synchronous>, transform_indices = @transform_1, window_bounds = array<i64: 64, 8192>}, {transform_indices = @transform_2, window_bounds = array<i64: 128, 1>}, {pipeline_mode = #tpu.pipeline_mode<synchronous>, transform_indices = @transform_3, window_bounds = array<i64: 1, 8192>}, {transform_indices = @transform_4, window_bounds = array<i64: 128, 8>}]} {
    %get3A = arith.constant 0 : index
    %get3A_0 = arith.constant 0 : index
    %get3A_1 = vector.load %arg1[%get3A, %get3A_0] : memref<128x64xf32, #tpu.memory_space<vmem>>, vector<128x64xf32>
    %get3A_2 = arith.constant 0 : index
    %get3A_3 = arith.constant 0 : index
    %get3A_4 = vector.load %arg2[%get3A_2, %get3A_3] : memref<64x8192xf32, #tpu.memory_space<vmem>>, vector<64x8192xf32>
    %get3A_5 = arith.constant 0 : index
    %get3A_6 = arith.constant 0 : index
    %get3A_7 = vector.load %arg3[%get3A_5, %get3A_6] : memref<128x1xf32, #tpu.memory_space<vmem>>, vector<128x1xf32>
    %get3A_8 = arith.constant 0 : index
    %get3A_9 = arith.constant 0 : index
    %get3A_10 = vector.load %arg4[%get3A_8, %get3A_9] : memref<1x8192xf32, #tpu.memory_space<vmem>>, vector<1x8192xf32>
    %dot_general3A = arith.constant dense<0.000000e+00> : vector<128x8192xf32>
    %dot_general3A_11 = tpu.matmul %get3A_1, %get3A_4, %dot_general3A {dimension_numbers = #tpu.dot_dimension_numbers<[1], [0], [0], [1], [0, 0, 1, 1], [], []>, transpose_lhs_hint = false} : vector<128x64xf32>, vector<64x8192xf32>, vector<128x8192xf32> -> vector<128x8192xf32>
    %mul3A = arith.constant -2.000000e+00 : f32
    %mul3A_12 = vector.broadcast %mul3A : f32 to vector<128x8192xf32>
    %mul3A_13 = arith.mulf %mul3A_12, %dot_general3A_11 : vector<128x8192xf32>
    %add3A = vector.broadcast %get3A_10 : vector<1x8192xf32> to vector<128x8192xf32>
    %add3A_14 = arith.addf %mul3A_13, %add3A : vector<128x8192xf32>
    %add3A_15 = vector.broadcast %get3A_7 : vector<128x1xf32> to vector<128x8192xf32>
    %add3A_16 = arith.addf %add3A_14, %add3A_15 : vector<128x8192xf32>
    %max3A = arith.constant 0.000000e+00 : f32
    %max3A_17 = vector.broadcast %max3A : f32 to vector<128x8192xf32>
    %max3A_18 = arith.maximumf %add3A_16, %max3A_17 : vector<128x8192xf32>
    %sqrt3A = math.sqrt %max3A_18 : vector<128x8192xf32>
    %iota3A = tpu.iota {dimensions = array<i32: 1>} : vector<128x128xi32>
    %broadcast_in_dim3A = arith.constant 0x7F800000 : f32
    %broadcast_in_dim3A_19 = vector.broadcast %broadcast_in_dim3A : f32 to vector<128x128xf32>
    %broadcast_in_dim3A_20 = arith.constant 1073741824 : i32
    %broadcast_in_dim3A_21 = vector.broadcast %broadcast_in_dim3A_20 : i32 to vector<128x128xi32>
    %slice3A = vector.extract_strided_slice %sqrt3A {offsets = [0, 0], sizes = [128, 128], strides = [1, 1]} : vector<128x8192xf32> to vector<128x128xf32>
    %add3A_22 = arith.constant 0 : i32
    %add3A_23 = vector.broadcast %add3A_22 : i32 to vector<128x128xi32>
    %add3A_24 = arith.addi %iota3A, %add3A_23 : vector<128x128xi32>
    %lt3A = arith.cmpf olt, %slice3A, %broadcast_in_dim3A_19 : vector<128x128xf32>
    %select_n3A = arith.select %lt3A, %slice3A, %broadcast_in_dim3A_19 : vector<128x128xi1>, vector<128x128xf32>
    %select_n3A_25 = arith.select %lt3A, %add3A_24, %broadcast_in_dim3A_21 : vector<128x128xi1>, vector<128x128xi32>
    %select_n3A_26 = arith.select %lt3A, %broadcast_in_dim3A_19, %slice3A : vector<128x128xi1>, vector<128x128xf32>
    %select_n3A_27 = arith.select %lt3A, %broadcast_in_dim3A_21, %add3A_24 : vector<128x128xi1>, vector<128x128xi32>
    %lt3A_28 = arith.cmpf olt, %select_n3A_26, %broadcast_in_dim3A_19 : vector<128x128xf32>
    %select_n3A_29 = arith.select %lt3A_28, %select_n3A_26, %broadcast_in_dim3A_19 : vector<128x128xi1>, vector<128x128xf32>
    %select_n3A_30 = arith.select %lt3A_28, %select_n3A_27, %broadcast_in_dim3A_21 : vector<128x128xi1>, vector<128x128xi32>
    %select_n3A_31 = arith.select %lt3A_28, %broadcast_in_dim3A_19, %select_n3A_26 : vector<128x128xi1>, vector<128x128xf32>
    %select_n3A_32 = arith.select %lt3A_28, %broadcast_in_dim3A_21, %select_n3A_27 : vector<128x128xi1>, vector<128x128xi32>
    %lt3A_33 = arith.cmpf olt, %select_n3A_31, %broadcast_in_dim3A_19 : vector<128x128xf32>
    %select_n3A_34 = arith.select %lt3A_33, %select_n3A_31, %broadcast_in_dim3A_19 : vector<128x128xi1>, vector<128x128xf32>
    %select_n3A_35 = arith.select %lt3A_33, %select_n3A_32, %broadcast_in_dim3A_21 : vector<128x128xi1>, vector<128x128xi32>
    %select_n3A_36 = arith.select %lt3A_33, %broadcast_in_dim3A_19, %select_n3A_31 : vector<128x128xi1>, vector<128x128xf32>
    %select_n3A_37 = arith.select %lt3A_33, %broadcast_in_dim3A_21, %select_n3A_32 : vector<128x128xi1>, vector<128x128xi32>
    %lt3A_38 = arith.cmpf olt, %select_n3A_36, %broadcast_in_dim3A_19 : vector<128x128xf32>
    %select_n3A_39 = arith.select %lt3A_38, %select_n3A_36, %broadcast_in_dim3A_19 : vector<128x128xi1>, vector<128x128xf32>
    %select_n3A_40 = arith.select %lt3A_38, %select_n3A_37, %broadcast_in_dim3A_21 : vector<128x128xi1>, vector<128x128xi32>
    %slice3A_41 = vector.extract_strided_slice %sqrt3A {offsets = [0, 128], sizes = [128, 128], strides = [1, 1]} : vector<128x8192xf32> to vector<128x128xf32>
    %add3A_42 = arith.constant 128 : i32
    %add3A_43 = vector.broadcast %add3A_42 : i32 to vector<128x128xi32>
    %add3A_44 = arith.addi %iota3A, %add3A_43 : vector<128x128xi32>
    %lt3A_45 = arith.cmpf olt, %slice3A_41, %select_n3A : vector<128x128xf32>
    %select_n3A_46 = arith.select %lt3A_45, %slice3A_41, %select_n3A : vector<128x128xi1>, vector<128x128xf32>
    %select_n3A_47 = arith.select %lt3A_45, %add3A_44, %select_n3A_25 : vector<128x128xi1>, vector<128x128xi32>
    %select_n3A_48 = arith.select %lt3A_45, %select_n3A, %slice3A_41 : vector<128x128xi1>, vector<128x128xf32>
    %select_n3A_49 = arith.select %lt3A_45, %select_n3A_25, %add3A_44 : vector<128x128xi1>, vector<128x128xi32>
    %lt3A_50 = arith.cmpf olt, %select_n3A_48, %select_n3A_29 : vector<128x128xf32>
    %select_n3A_51 = arith.select %lt3A_50, %select_n3A_48, %select_n3A_29 : vector<128x128xi1>, vector<128x128xf32>
    %select_n3A_52 = arith.select %lt3A_50, %select_n3A_49, %select_n3A_30 : vector<128x128xi1>, vector<128x128xi32>
    %select_n3A_53 = arith.select %lt3A_50, %select_n3A_29, %select_n3A_48 : vector<128x128xi1>, vector<128x128xf32>
    %select_n3A_54 = arith.select %lt3A_50, %select_n3A_30, %select_n3A_49 : vector<128x128xi1>, vector<128x128xi32>
    %lt3A_55 = arith.cmpf olt, %select_n3A_53, %select_n3A_34 : vector<128x128xf32>
    %select_n3A_56 = arith.select %lt3A_55, %select_n3A_53, %select_n3A_34 : vector<128x128xi1>, vector<128x128xf32>
    %select_n3A_57 = arith.select %lt3A_55, %select_n3A_54, %select_n3A_35 : vector<128x128xi1>, vector<128x128xi32>
    %select_n3A_58 = arith.select %lt3A_55, %select_n3A_34, %select_n3A_53 : vector<128x128xi1>, vector<128x128xf32>
    %select_n3A_59 = arith.select %lt3A_55, %select_n3A_35, %select_n3A_54 : vector<128x128xi1>, vector<128x128xi32>
    %lt3A_60 = arith.cmpf olt, %select_n3A_58, %select_n3A_39 : vector<128x128xf32>
    %select_n3A_61 = arith.select %lt3A_60, %select_n3A_58, %select_n3A_39 : vector<128x128xi1>, vector<128x128xf32>
    %select_n3A_62 = arith.select %lt3A_60, %select_n3A_59, %select_n3A_40 : vector<128x128xi1>, vector<128x128xi32>
    %slice3A_63 = vector.extract_strided_slice %sqrt3A {offsets = [0, 256], sizes = [128, 128], strides = [1, 1]} : vector<128x8192xf32> to vector<128x128xf32>
    %add3A_64 = arith.constant 256 : i32
    %add3A_65 = vector.broadcast %add3A_64 : i32 to vector<128x128xi32>
    %add3A_66 = arith.addi %iota3A, %add3A_65 : vector<128x128xi32>
    %lt3A_67 = arith.cmpf olt, %slice3A_63, %select_n3A_46 : vector<128x128xf32>
    %select_n3A_68 = arith.select %lt3A_67, %slice3A_63, %select_n3A_46 : vector<128x128xi1>, vector<128x128xf32>
    %select_n3A_69 = arith.select %lt3A_67, %add3A_66, %select_n3A_47 : vector<128x128xi1>, vector<128x128xi32>
    %select_n3A_70 = arith.select %lt3A_67, %select_n3A_46, %slice3A_63 : vector<128x128xi1>, vector<128x128xf32>
    %select_n3A_71 = arith.select %lt3A_67, %select_n3A_47, %add3A_66 : vector<128x128xi1>, vector<128x128xi32>
    %lt3A_72 = arith.cmpf olt, %select_n3A_70, %select_n3A_51 : vector<128x128xf32>
    %select_n3A_73 = arith.select %lt3A_72, %select_n3A_70, %select_n3A_51 : vector<128x128xi1>, vector<128x128xf32>
    %select_n3A_74 = arith.select %lt3A_72, %select_n3A_71, %select_n3A_52 : vector<128x128xi1>, vector<128x128xi32>
    %select_n3A_75 = arith.select %lt3A_72, %select_n3A_51, %select_n3A_70 : vector<128x128xi1>, vector<128x128xf32>
    %select_n3A_76 = arith.select %lt3A_72, %select_n3A_52, %select_n3A_71 : vector<128x128xi1>, vector<128x128xi32>
    %lt3A_77 = arith.cmpf olt, %select_n3A_75, %select_n3A_56 : vector<128x128xf32>
    %select_n3A_78 = arith.select %lt3A_77, %select_n3A_75, %select_n3A_56 : vector<128x128xi1>, vector<128x128xf32>
    %select_n3A_79 = arith.select %lt3A_77, %select_n3A_76, %select_n3A_57 : vector<128x128xi1>, vector<128x128xi32>
    %select_n3A_80 = arith.select %lt3A_77, %select_n3A_56, %select_n3A_75 : vector<128x128xi1>, vector<128x128xf32>
    %select_n3A_81 = arith.select %lt3A_77, %select_n3A_57, %select_n3A_76 : vector<128x128xi1>, vector<128x128xi32>
    %lt3A_82 = arith.cmpf olt, %select_n3A_80, %select_n3A_61 : vector<128x128xf32>
    %select_n3A_83 = arith.select %lt3A_82, %select_n3A_80, %select_n3A_61 : vector<128x128xi1>, vector<128x128xf32>
    %select_n3A_84 = arith.select %lt3A_82, %select_n3A_81, %select_n3A_62 : vector<128x128xi1>, vector<128x128xi32>
    %slice3A_85 = vector.extract_strided_slice %sqrt3A {offsets = [0, 384], sizes = [128, 128], strides = [1, 1]} : vector<128x8192xf32> to vector<128x128xf32>
    %add3A_86 = arith.constant 384 : i32
    %add3A_87 = vector.broadcast %add3A_86 : i32 to vector<128x128xi32>
    %add3A_88 = arith.addi %iota3A, %add3A_87 : vector<128x128xi32>
    %lt3A_89 = arith.cmpf olt, %slice3A_85, %select_n3A_68 : vector<128x128xf32>
    %select_n3A_90 = arith.select %lt3A_89, %slice3A_85, %select_n3A_68 : vector<128x128xi1>, vector<128x128xf32>
    %select_n3A_91 = arith.select %lt3A_89, %add3A_88, %select_n3A_69 : vector<128x128xi1>, vector<128x128xi32>
    %select_n3A_92 = arith.select %lt3A_89, %select_n3A_68, %slice3A_85 : vector<128x128xi1>, vector<128x128xf32>
    %select_n3A_93 = arith.select %lt3A_89, %select_n3A_69, %add3A_88 : vector<128x128xi1>, vector<128x128xi32>
    %lt3A_94 = arith.cmpf olt, %select_n3A_92, %select_n3A_73 : vector<128x128xf32>
    %select_n3A_95 = arith.select %lt3A_94, %select_n3A_92, %select_n3A_73 : vector<128x128xi1>, vector<128x128xf32>
    %select_n3A_96 = arith.select %lt3A_94, %select_n3A_93, %select_n3A_74 : vector<128x128xi1>, vector<128x128xi32>
    %select_n3A_97 = arith.select %lt3A_94, %select_n3A_73, %select_n3A_92 : vector<128x128xi1>, vector<128x128xf32>
    %select_n3A_98 = arith.select %lt3A_94, %select_n3A_74, %select_n3A_93 : vector<128x128xi1>, vector<128x128xi32>
    %lt3A_99 = arith.cmpf olt, %select_n3A_97, %select_n3A_78 : vector<128x128xf32>
    %select_n3A_100 = arith.select %lt3A_99, %select_n3A_97, %select_n3A_78 : vector<128x128xi1>, vector<128x128xf32>
    %select_n3A_101 = arith.select %lt3A_99, %select_n3A_98, %select_n3A_79 : vector<128x128xi1>, vector<128x128xi32>
    %select_n3A_102 = arith.select %lt3A_99, %select_n3A_78, %select_n3A_97 : vector<128x128xi1>, vector<128x128xf32>
    %select_n3A_103 = arith.select %lt3A_99, %select_n3A_79, %select_n3A_98 : vector<128x128xi1>, vector<128x128xi32>
    %lt3A_104 = arith.cmpf olt, %select_n3A_102, %select_n3A_83 : vector<128x128xf32>
    %select_n3A_105 = arith.select %lt3A_104, %select_n3A_102, %select_n3A_83 : vector<128x128xi1>, vector<128x128xf32>
    %select_n3A_106 = arith.select %lt3A_104, %select_n3A_103, %select_n3A_84 : vector<128x128xi1>, vector<128x128xi32>
    %slice3A_107 = vector.extract_strided_slice %sqrt3A {offsets = [0, 512], sizes = [128, 128], strides = [1, 1]} : vector<128x8192xf32> to vector<128x128xf32>
    %add3A_108 = arith.constant 512 : i32
    %add3A_109 = vector.broadcast %add3A_108 : i32 to vector<128x128xi32>
    %add3A_110 = arith.addi %iota3A, %add3A_109 : vector<128x128xi32>
    %lt3A_111 = arith.cmpf olt, %slice3A_107, %select_n3A_90 : vector<128x128xf32>
    %select_n3A_112 = arith.select %lt3A_111, %slice3A_107, %select_n3A_90 : vector<128x128xi1>, vector<128x128xf32>
    %select_n3A_113 = arith.select %lt3A_111, %add3A_110, %select_n3A_91 : vector<128x128xi1>, vector<128x128xi32>
    %select_n3A_114 = arith.select %lt3A_111, %select_n3A_90, %slice3A_107 : vector<128x128xi1>, vector<128x128xf32>
    %select_n3A_115 = arith.select %lt3A_111, %select_n3A_91, %add3A_110 : vector<128x128xi1>, vector<128x128xi32>
    %lt3A_116 = arith.cmpf olt, %select_n3A_114, %select_n3A_95 : vector<128x128xf32>
    %select_n3A_117 = arith.select %lt3A_116, %select_n3A_114, %select_n3A_95 : vector<128x128xi1>, vector<128x128xf32>
    %select_n3A_118 = arith.select %lt3A_116, %select_n3A_115, %select_n3A_96 : vector<128x128xi1>, vector<128x128xi32>
    %select_n3A_119 = arith.select %lt3A_116, %select_n3A_95, %select_n3A_114 : vector<128x128xi1>, vector<128x128xf32>
    %select_n3A_120 = arith.select %lt3A_116, %select_n3A_96, %select_n3A_115 : vector<128x128xi1>, vector<128x128xi32>
    %lt3A_121 = arith.cmpf olt, %select_n3A_119, %select_n3A_100 : vector<128x128xf32>
    %select_n3A_122 = arith.select %lt3A_121, %select_n3A_119, %select_n3A_100 : vector<128x128xi1>, vector<128x128xf32>
    %select_n3A_123 = arith.select %lt3A_121, %select_n3A_120, %select_n3A_101 : vector<128x128xi1>, vector<128x128xi32>
    %select_n3A_124 = arith.select %lt3A_121, %select_n3A_100, %select_n3A_119 : vector<128x128xi1>, vector<128x128xf32>
    %select_n3A_125 = arith.select %lt3A_121, %select_n3A_101, %select_n3A_120 : vector<128x128xi1>, vector<128x128xi32>
    %lt3A_126 = arith.cmpf olt, %select_n3A_124, %select_n3A_105 : vector<128x128xf32>
    %select_n3A_127 = arith.select %lt3A_126, %select_n3A_124, %select_n3A_105 : vector<128x128xi1>, vector<128x128xf32>
    %select_n3A_128 = arith.select %lt3A_126, %select_n3A_125, %select_n3A_106 : vector<128x128xi1>, vector<128x128xi32>
    %slice3A_129 = vector.extract_strided_slice %sqrt3A {offsets = [0, 640], sizes = [128, 128], strides = [1, 1]} : vector<128x8192xf32> to vector<128x128xf32>
    %add3A_130 = arith.constant 640 : i32
    %add3A_131 = vector.broadcast %add3A_130 : i32 to vector<128x128xi32>
    %add3A_132 = arith.addi %iota3A, %add3A_131 : vector<128x128xi32>
    %lt3A_133 = arith.cmpf olt, %slice3A_129, %select_n3A_112 : vector<128x128xf32>
    %select_n3A_134 = arith.select %lt3A_133, %slice3A_129, %select_n3A_112 : vector<128x128xi1>, vector<128x128xf32>
    %select_n3A_135 = arith.select %lt3A_133, %add3A_132, %select_n3A_113 : vector<128x128xi1>, vector<128x128xi32>
    %select_n3A_136 = arith.select %lt3A_133, %select_n3A_112, %slice3A_129 : vector<128x128xi1>, vector<128x128xf32>
    %select_n3A_137 = arith.select %lt3A_133, %select_n3A_113, %add3A_132 : vector<128x128xi1>, vector<128x128xi32>
    %lt3A_138 = arith.cmpf olt, %select_n3A_136, %select_n3A_117 : vector<128x128xf32>
    %select_n3A_139 = arith.select %lt3A_138, %select_n3A_136, %select_n3A_117 : vector<128x128xi1>, vector<128x128xf32>
    %select_n3A_140 = arith.select %lt3A_138, %select_n3A_137, %select_n3A_118 : vector<128x128xi1>, vector<128x128xi32>
    %select_n3A_141 = arith.select %lt3A_138, %select_n3A_117, %select_n3A_136 : vector<128x128xi1>, vector<128x128xf32>
    %select_n3A_142 = arith.select %lt3A_138, %select_n3A_118, %select_n3A_137 : vector<128x128xi1>, vector<128x128xi32>
    %lt3A_143 = arith.cmpf olt, %select_n3A_141, %select_n3A_122 : vector<128x128xf32>
    %select_n3A_144 = arith.select %lt3A_143, %select_n3A_141, %select_n3A_122 : vector<128x128xi1>, vector<128x128xf32>
    %select_n3A_145 = arith.select %lt3A_143, %select_n3A_142, %select_n3A_123 : vector<128x128xi1>, vector<128x128xi32>
    %select_n3A_146 = arith.select %lt3A_143, %select_n3A_122, %select_n3A_141 : vector<128x128xi1>, vector<128x128xf32>
    %select_n3A_147 = arith.select %lt3A_143, %select_n3A_123, %select_n3A_142 : vector<128x128xi1>, vector<128x128xi32>
    %lt3A_148 = arith.cmpf olt, %select_n3A_146, %select_n3A_127 : vector<128x128xf32>
    %select_n3A_149 = arith.select %lt3A_148, %select_n3A_146, %select_n3A_127 : vector<128x128xi1>, vector<128x128xf32>
    %select_n3A_150 = arith.select %lt3A_148, %select_n3A_147, %select_n3A_128 : vector<128x128xi1>, vector<128x128xi32>
    %slice3A_151 = vector.extract_strided_slice %sqrt3A {offsets = [0, 768], sizes = [128, 128], strides = [1, 1]} : vector<128x8192xf32> to vector<128x128xf32>
    %add3A_152 = arith.constant 768 : i32
    %add3A_153 = vector.broadcast %add3A_152 : i32 to vector<128x128xi32>
    %add3A_154 = arith.addi %iota3A, %add3A_153 : vector<128x128xi32>
    %lt3A_155 = arith.cmpf olt, %slice3A_151, %select_n3A_134 : vector<128x128xf32>
    %select_n3A_156 = arith.select %lt3A_155, %slice3A_151, %select_n3A_134 : vector<128x128xi1>, vector<128x128xf32>
    %select_n3A_157 = arith.select %lt3A_155, %add3A_154, %select_n3A_135 : vector<128x128xi1>, vector<128x128xi32>
    %select_n3A_158 = arith.select %lt3A_155, %select_n3A_134, %slice3A_151 : vector<128x128xi1>, vector<128x128xf32>
    %select_n3A_159 = arith.select %lt3A_155, %select_n3A_135, %add3A_154 : vector<128x128xi1>, vector<128x128xi32>
    %lt3A_160 = arith.cmpf olt, %select_n3A_158, %select_n3A_139 : vector<128x128xf32>
    %select_n3A_161 = arith.select %lt3A_160, %select_n3A_158, %select_n3A_139 : vector<128x128xi1>, vector<128x128xf32>
    %select_n3A_162 = arith.select %lt3A_160, %select_n3A_159, %select_n3A_140 : vector<128x128xi1>, vector<128x128xi32>
    %select_n3A_163 = arith.select %lt3A_160, %select_n3A_139, %select_n3A_158 : vector<128x128xi1>, vector<128x128xf32>
    %select_n3A_164 = arith.select %lt3A_160, %select_n3A_140, %select_n3A_159 : vector<128x128xi1>, vector<128x128xi32>
    %lt3A_165 = arith.cmpf olt, %select_n3A_163, %select_n3A_144 : vector<128x128xf32>
    %select_n3A_166 = arith.select %lt3A_165, %select_n3A_163, %select_n3A_144 : vector<128x128xi1>, vector<128x128xf32>
    %select_n3A_167 = arith.select %lt3A_165, %select_n3A_164, %select_n3A_145 : vector<128x128xi1>, vector<128x128xi32>
    %select_n3A_168 = arith.select %lt3A_165, %select_n3A_144, %select_n3A_163 : vector<128x128xi1>, vector<128x128xf32>
    %select_n3A_169 = arith.select %lt3A_165, %select_n3A_145, %select_n3A_164 : vector<128x128xi1>, vector<128x128xi32>
    %lt3A_170 = arith.cmpf olt, %select_n3A_168, %select_n3A_149 : vector<128x128xf32>
    %select_n3A_171 = arith.select %lt3A_170, %select_n3A_168, %select_n3A_149 : vector<128x128xi1>, vector<128x128xf32>
    %select_n3A_172 = arith.select %lt3A_170, %select_n3A_169, %select_n3A_150 : vector<128x128xi1>, vector<128x128xi32>
    %slice3A_173 = vector.extract_strided_slice %sqrt3A {offsets = [0, 896], sizes = [128, 128], strides = [1, 1]} : vector<128x8192xf32> to vector<128x128xf32>
    %add3A_174 = arith.constant 896 : i32
    %add3A_175 = vector.broadcast %add3A_174 : i32 to vector<128x128xi32>
    %add3A_176 = arith.addi %iota3A, %add3A_175 : vector<128x128xi32>
    %lt3A_177 = arith.cmpf olt, %slice3A_173, %select_n3A_156 : vector<128x128xf32>
    %select_n3A_178 = arith.select %lt3A_177, %slice3A_173, %select_n3A_156 : vector<128x128xi1>, vector<128x128xf32>
    %select_n3A_179 = arith.select %lt3A_177, %add3A_176, %select_n3A_157 : vector<128x128xi1>, vector<128x128xi32>
    %select_n3A_180 = arith.select %lt3A_177, %select_n3A_156, %slice3A_173 : vector<128x128xi1>, vector<128x128xf32>
    %select_n3A_181 = arith.select %lt3A_177, %select_n3A_157, %add3A_176 : vector<128x128xi1>, vector<128x128xi32>
    %lt3A_182 = arith.cmpf olt, %select_n3A_180, %select_n3A_161 : vector<128x128xf32>
    %select_n3A_183 = arith.select %lt3A_182, %select_n3A_180, %select_n3A_161 : vector<128x128xi1>, vector<128x128xf32>
    %select_n3A_184 = arith.select %lt3A_182, %select_n3A_181, %select_n3A_162 : vector<128x128xi1>, vector<128x128xi32>
    %select_n3A_185 = arith.select %lt3A_182, %select_n3A_161, %select_n3A_180 : vector<128x128xi1>, vector<128x128xf32>
    %select_n3A_186 = arith.select %lt3A_182, %select_n3A_162, %select_n3A_181 : vector<128x128xi1>, vector<128x128xi32>
    %lt3A_187 = arith.cmpf olt, %select_n3A_185, %select_n3A_166 : vector<128x128xf32>
    %select_n3A_188 = arith.select %lt3A_187, %select_n3A_185, %select_n3A_166 : vector<128x128xi1>, vector<128x128xf32>
    %select_n3A_189 = arith.select %lt3A_187, %select_n3A_186, %select_n3A_167 : vector<128x128xi1>, vector<128x128xi32>
    %select_n3A_190 = arith.select %lt3A_187, %select_n3A_166, %select_n3A_185 : vector<128x128xi1>, vector<128x128xf32>
    %select_n3A_191 = arith.select %lt3A_187, %select_n3A_167, %select_n3A_186 : vector<128x128xi1>, vector<128x128xi32>
    %lt3A_192 = arith.cmpf olt, %select_n3A_190, %select_n3A_171 : vector<128x128xf32>
    %select_n3A_193 = arith.select %lt3A_192, %select_n3A_190, %select_n3A_171 : vector<128x128xi1>, vector<128x128xf32>
    %select_n3A_194 = arith.select %lt3A_192, %select_n3A_191, %select_n3A_172 : vector<128x128xi1>, vector<128x128xi32>
    %slice3A_195 = vector.extract_strided_slice %sqrt3A {offsets = [0, 1024], sizes = [128, 128], strides = [1, 1]} : vector<128x8192xf32> to vector<128x128xf32>
    %add3A_196 = arith.constant 1024 : i32
    %add3A_197 = vector.broadcast %add3A_196 : i32 to vector<128x128xi32>
    %add3A_198 = arith.addi %iota3A, %add3A_197 : vector<128x128xi32>
    %lt3A_199 = arith.cmpf olt, %slice3A_195, %select_n3A_178 : vector<128x128xf32>
    %select_n3A_200 = arith.select %lt3A_199, %slice3A_195, %select_n3A_178 : vector<128x128xi1>, vector<128x128xf32>
    %select_n3A_201 = arith.select %lt3A_199, %add3A_198, %select_n3A_179 : vector<128x128xi1>, vector<128x128xi32>
    %select_n3A_202 = arith.select %lt3A_199, %select_n3A_178, %slice3A_195 : vector<128x128xi1>, vector<128x128xf32>
    %select_n3A_203 = arith.select %lt3A_199, %select_n3A_179, %add3A_198 : vector<128x128xi1>, vector<128x128xi32>
    %lt3A_204 = arith.cmpf olt, %select_n3A_202, %select_n3A_183 : vector<128x128xf32>
    %select_n3A_205 = arith.select %lt3A_204, %select_n3A_202, %select_n3A_183 : vector<128x128xi1>, vector<128x128xf32>
    %select_n3A_206 = arith.select %lt3A_204, %select_n3A_203, %select_n3A_184 : vector<128x128xi1>, vector<128x128xi32>
    %select_n3A_207 = arith.select %lt3A_204, %select_n3A_183, %select_n3A_202 : vector<128x128xi1>, vector<128x128xf32>
    %select_n3A_208 = arith.select %lt3A_204, %select_n3A_184, %select_n3A_203 : vector<128x128xi1>, vector<128x128xi32>
    %lt3A_209 = arith.cmpf olt, %select_n3A_207, %select_n3A_188 : vector<128x128xf32>
    %select_n3A_210 = arith.select %lt3A_209, %select_n3A_207, %select_n3A_188 : vector<128x128xi1>, vector<128x128xf32>
    %select_n3A_211 = arith.select %lt3A_209, %select_n3A_208, %select_n3A_189 : vector<128x128xi1>, vector<128x128xi32>
    %select_n3A_212 = arith.select %lt3A_209, %select_n3A_188, %select_n3A_207 : vector<128x128xi1>, vector<128x128xf32>
    %select_n3A_213 = arith.select %lt3A_209, %select_n3A_189, %select_n3A_208 : vector<128x128xi1>, vector<128x128xi32>
    %lt3A_214 = arith.cmpf olt, %select_n3A_212, %select_n3A_193 : vector<128x128xf32>
    %select_n3A_215 = arith.select %lt3A_214, %select_n3A_212, %select_n3A_193 : vector<128x128xi1>, vector<128x128xf32>
    %select_n3A_216 = arith.select %lt3A_214, %select_n3A_213, %select_n3A_194 : vector<128x128xi1>, vector<128x128xi32>
    %slice3A_217 = vector.extract_strided_slice %sqrt3A {offsets = [0, 1152], sizes = [128, 128], strides = [1, 1]} : vector<128x8192xf32> to vector<128x128xf32>
    %add3A_218 = arith.constant 1152 : i32
    %add3A_219 = vector.broadcast %add3A_218 : i32 to vector<128x128xi32>
    %add3A_220 = arith.addi %iota3A, %add3A_219 : vector<128x128xi32>
    %lt3A_221 = arith.cmpf olt, %slice3A_217, %select_n3A_200 : vector<128x128xf32>
    %select_n3A_222 = arith.select %lt3A_221, %slice3A_217, %select_n3A_200 : vector<128x128xi1>, vector<128x128xf32>
    %select_n3A_223 = arith.select %lt3A_221, %add3A_220, %select_n3A_201 : vector<128x128xi1>, vector<128x128xi32>
    %select_n3A_224 = arith.select %lt3A_221, %select_n3A_200, %slice3A_217 : vector<128x128xi1>, vector<128x128xf32>
    %select_n3A_225 = arith.select %lt3A_221, %select_n3A_201, %add3A_220 : vector<128x128xi1>, vector<128x128xi32>
    %lt3A_226 = arith.cmpf olt, %select_n3A_224, %select_n3A_205 : vector<128x128xf32>
    %select_n3A_227 = arith.select %lt3A_226, %select_n3A_224, %select_n3A_205 : vector<128x128xi1>, vector<128x128xf32>
    %select_n3A_228 = arith.select %lt3A_226, %select_n3A_225, %select_n3A_206 : vector<128x128xi1>, vector<128x128xi32>
    %select_n3A_229 = arith.select %lt3A_226, %select_n3A_205, %select_n3A_224 : vector<128x128xi1>, vector<128x128xf32>
    %select_n3A_230 = arith.select %lt3A_226, %select_n3A_206, %select_n3A_225 : vector<128x128xi1>, vector<128x128xi32>
    %lt3A_231 = arith.cmpf olt, %select_n3A_229, %select_n3A_210 : vector<128x128xf32>
    %select_n3A_232 = arith.select %lt3A_231, %select_n3A_229, %select_n3A_210 : vector<128x128xi1>, vector<128x128xf32>
    %select_n3A_233 = arith.select %lt3A_231, %select_n3A_230, %select_n3A_211 : vector<128x128xi1>, vector<128x128xi32>
    %select_n3A_234 = arith.select %lt3A_231, %select_n3A_210, %select_n3A_229 : vector<128x128xi1>, vector<128x128xf32>
    %select_n3A_235 = arith.select %lt3A_231, %select_n3A_211, %select_n3A_230 : vector<128x128xi1>, vector<128x128xi32>
    %lt3A_236 = arith.cmpf olt, %select_n3A_234, %select_n3A_215 : vector<128x128xf32>
    %select_n3A_237 = arith.select %lt3A_236, %select_n3A_234, %select_n3A_215 : vector<128x128xi1>, vector<128x128xf32>
    %select_n3A_238 = arith.select %lt3A_236, %select_n3A_235, %select_n3A_216 : vector<128x128xi1>, vector<128x128xi32>
    %slice3A_239 = vector.extract_strided_slice %sqrt3A {offsets = [0, 1280], sizes = [128, 128], strides = [1, 1]} : vector<128x8192xf32> to vector<128x128xf32>
    %add3A_240 = arith.constant 1280 : i32
    %add3A_241 = vector.broadcast %add3A_240 : i32 to vector<128x128xi32>
    %add3A_242 = arith.addi %iota3A, %add3A_241 : vector<128x128xi32>
    %lt3A_243 = arith.cmpf olt, %slice3A_239, %select_n3A_222 : vector<128x128xf32>
    %select_n3A_244 = arith.select %lt3A_243, %slice3A_239, %select_n3A_222 : vector<128x128xi1>, vector<128x128xf32>
    %select_n3A_245 = arith.select %lt3A_243, %add3A_242, %select_n3A_223 : vector<128x128xi1>, vector<128x128xi32>
    %select_n3A_246 = arith.select %lt3A_243, %select_n3A_222, %slice3A_239 : vector<128x128xi1>, vector<128x128xf32>
    %select_n3A_247 = arith.select %lt3A_243, %select_n3A_223, %add3A_242 : vector<128x128xi1>, vector<128x128xi32>
    %lt3A_248 = arith.cmpf olt, %select_n3A_246, %select_n3A_227 : vector<128x128xf32>
    %select_n3A_249 = arith.select %lt3A_248, %select_n3A_246, %select_n3A_227 : vector<128x128xi1>, vector<128x128xf32>
    %select_n3A_250 = arith.select %lt3A_248, %select_n3A_247, %select_n3A_228 : vector<128x128xi1>, vector<128x128xi32>
    %select_n3A_251 = arith.select %lt3A_248, %select_n3A_227, %select_n3A_246 : vector<128x128xi1>, vector<128x128xf32>
    %select_n3A_252 = arith.select %lt3A_248, %select_n3A_228, %select_n3A_247 : vector<128x128xi1>, vector<128x128xi32>
    %lt3A_253 = arith.cmpf olt, %select_n3A_251, %select_n3A_232 : vector<128x128xf32>
    %select_n3A_254 = arith.select %lt3A_253, %select_n3A_251, %select_n3A_232 : vector<128x128xi1>, vector<128x128xf32>
    %select_n3A_255 = arith.select %lt3A_253, %select_n3A_252, %select_n3A_233 : vector<128x128xi1>, vector<128x128xi32>
    %select_n3A_256 = arith.select %lt3A_253, %select_n3A_232, %select_n3A_251 : vector<128x128xi1>, vector<128x128xf32>
    %select_n3A_257 = arith.select %lt3A_253, %select_n3A_233, %select_n3A_252 : vector<128x128xi1>, vector<128x128xi32>
    %lt3A_258 = arith.cmpf olt, %select_n3A_256, %select_n3A_237 : vector<128x128xf32>
    %select_n3A_259 = arith.select %lt3A_258, %select_n3A_256, %select_n3A_237 : vector<128x128xi1>, vector<128x128xf32>
    %select_n3A_260 = arith.select %lt3A_258, %select_n3A_257, %select_n3A_238 : vector<128x128xi1>, vector<128x128xi32>
    %slice3A_261 = vector.extract_strided_slice %sqrt3A {offsets = [0, 1408], sizes = [128, 128], strides = [1, 1]} : vector<128x8192xf32> to vector<128x128xf32>
    %add3A_262 = arith.constant 1408 : i32
    %add3A_263 = vector.broadcast %add3A_262 : i32 to vector<128x128xi32>
    %add3A_264 = arith.addi %iota3A, %add3A_263 : vector<128x128xi32>
    %lt3A_265 = arith.cmpf olt, %slice3A_261, %select_n3A_244 : vector<128x128xf32>
    %select_n3A_266 = arith.select %lt3A_265, %slice3A_261, %select_n3A_244 : vector<128x128xi1>, vector<128x128xf32>
    %select_n3A_267 = arith.select %lt3A_265, %add3A_264, %select_n3A_245 : vector<128x128xi1>, vector<128x128xi32>
    %select_n3A_268 = arith.select %lt3A_265, %select_n3A_244, %slice3A_261 : vector<128x128xi1>, vector<128x128xf32>
    %select_n3A_269 = arith.select %lt3A_265, %select_n3A_245, %add3A_264 : vector<128x128xi1>, vector<128x128xi32>
    %lt3A_270 = arith.cmpf olt, %select_n3A_268, %select_n3A_249 : vector<128x128xf32>
    %select_n3A_271 = arith.select %lt3A_270, %select_n3A_268, %select_n3A_249 : vector<128x128xi1>, vector<128x128xf32>
    %select_n3A_272 = arith.select %lt3A_270, %select_n3A_269, %select_n3A_250 : vector<128x128xi1>, vector<128x128xi32>
    %select_n3A_273 = arith.select %lt3A_270, %select_n3A_249, %select_n3A_268 : vector<128x128xi1>, vector<128x128xf32>
    %select_n3A_274 = arith.select %lt3A_270, %select_n3A_250, %select_n3A_269 : vector<128x128xi1>, vector<128x128xi32>
    %lt3A_275 = arith.cmpf olt, %select_n3A_273, %select_n3A_254 : vector<128x128xf32>
    %select_n3A_276 = arith.select %lt3A_275, %select_n3A_273, %select_n3A_254 : vector<128x128xi1>, vector<128x128xf32>
    %select_n3A_277 = arith.select %lt3A_275, %select_n3A_274, %select_n3A_255 : vector<128x128xi1>, vector<128x128xi32>
    %select_n3A_278 = arith.select %lt3A_275, %select_n3A_254, %select_n3A_273 : vector<128x128xi1>, vector<128x128xf32>
    %select_n3A_279 = arith.select %lt3A_275, %select_n3A_255, %select_n3A_274 : vector<128x128xi1>, vector<128x128xi32>
    %lt3A_280 = arith.cmpf olt, %select_n3A_278, %select_n3A_259 : vector<128x128xf32>
    %select_n3A_281 = arith.select %lt3A_280, %select_n3A_278, %select_n3A_259 : vector<128x128xi1>, vector<128x128xf32>
    %select_n3A_282 = arith.select %lt3A_280, %select_n3A_279, %select_n3A_260 : vector<128x128xi1>, vector<128x128xi32>
    %slice3A_283 = vector.extract_strided_slice %sqrt3A {offsets = [0, 1536], sizes = [128, 128], strides = [1, 1]} : vector<128x8192xf32> to vector<128x128xf32>
    %add3A_284 = arith.constant 1536 : i32
    %add3A_285 = vector.broadcast %add3A_284 : i32 to vector<128x128xi32>
    %add3A_286 = arith.addi %iota3A, %add3A_285 : vector<128x128xi32>
    %lt3A_287 = arith.cmpf olt, %slice3A_283, %select_n3A_266 : vector<128x128xf32>
    %select_n3A_288 = arith.select %lt3A_287, %slice3A_283, %select_n3A_266 : vector<128x128xi1>, vector<128x128xf32>
    %select_n3A_289 = arith.select %lt3A_287, %add3A_286, %select_n3A_267 : vector<128x128xi1>, vector<128x128xi32>
    %select_n3A_290 = arith.select %lt3A_287, %select_n3A_266, %slice3A_283 : vector<128x128xi1>, vector<128x128xf32>
    %select_n3A_291 = arith.select %lt3A_287, %select_n3A_267, %add3A_286 : vector<128x128xi1>, vector<128x128xi32>
    %lt3A_292 = arith.cmpf olt, %select_n3A_290, %select_n3A_271 : vector<128x128xf32>
    %select_n3A_293 = arith.select %lt3A_292, %select_n3A_290, %select_n3A_271 : vector<128x128xi1>, vector<128x128xf32>
    %select_n3A_294 = arith.select %lt3A_292, %select_n3A_291, %select_n3A_272 : vector<128x128xi1>, vector<128x128xi32>
    %select_n3A_295 = arith.select %lt3A_292, %select_n3A_271, %select_n3A_290 : vector<128x128xi1>, vector<128x128xf32>
    %select_n3A_296 = arith.select %lt3A_292, %select_n3A_272, %select_n3A_291 : vector<128x128xi1>, vector<128x128xi32>
    %lt3A_297 = arith.cmpf olt, %select_n3A_295, %select_n3A_276 : vector<128x128xf32>
    %select_n3A_298 = arith.select %lt3A_297, %select_n3A_295, %select_n3A_276 : vector<128x128xi1>, vector<128x128xf32>
    %select_n3A_299 = arith.select %lt3A_297, %select_n3A_296, %select_n3A_277 : vector<128x128xi1>, vector<128x128xi32>
    %select_n3A_300 = arith.select %lt3A_297, %select_n3A_276, %select_n3A_295 : vector<128x128xi1>, vector<128x128xf32>
    %select_n3A_301 = arith.select %lt3A_297, %select_n3A_277, %select_n3A_296 : vector<128x128xi1>, vector<128x128xi32>
    %lt3A_302 = arith.cmpf olt, %select_n3A_300, %select_n3A_281 : vector<128x128xf32>
    %select_n3A_303 = arith.select %lt3A_302, %select_n3A_300, %select_n3A_281 : vector<128x128xi1>, vector<128x128xf32>
    %select_n3A_304 = arith.select %lt3A_302, %select_n3A_301, %select_n3A_282 : vector<128x128xi1>, vector<128x128xi32>
    %slice3A_305 = vector.extract_strided_slice %sqrt3A {offsets = [0, 1664], sizes = [128, 128], strides = [1, 1]} : vector<128x8192xf32> to vector<128x128xf32>
    %add3A_306 = arith.constant 1664 : i32
    %add3A_307 = vector.broadcast %add3A_306 : i32 to vector<128x128xi32>
    %add3A_308 = arith.addi %iota3A, %add3A_307 : vector<128x128xi32>
    %lt3A_309 = arith.cmpf olt, %slice3A_305, %select_n3A_288 : vector<128x128xf32>
    %select_n3A_310 = arith.select %lt3A_309, %slice3A_305, %select_n3A_288 : vector<128x128xi1>, vector<128x128xf32>
    %select_n3A_311 = arith.select %lt3A_309, %add3A_308, %select_n3A_289 : vector<128x128xi1>, vector<128x128xi32>
    %select_n3A_312 = arith.select %lt3A_309, %select_n3A_288, %slice3A_305 : vector<128x128xi1>, vector<128x128xf32>
    %select_n3A_313 = arith.select %lt3A_309, %select_n3A_289, %add3A_308 : vector<128x128xi1>, vector<128x128xi32>
    %lt3A_314 = arith.cmpf olt, %select_n3A_312, %select_n3A_293 : vector<128x128xf32>
    %select_n3A_315 = arith.select %lt3A_314, %select_n3A_312, %select_n3A_293 : vector<128x128xi1>, vector<128x128xf32>
    %select_n3A_316 = arith.select %lt3A_314, %select_n3A_313, %select_n3A_294 : vector<128x128xi1>, vector<128x128xi32>
    %select_n3A_317 = arith.select %lt3A_314, %select_n3A_293, %select_n3A_312 : vector<128x128xi1>, vector<128x128xf32>
    %select_n3A_318 = arith.select %lt3A_314, %select_n3A_294, %select_n3A_313 : vector<128x128xi1>, vector<128x128xi32>
    %lt3A_319 = arith.cmpf olt, %select_n3A_317, %select_n3A_298 : vector<128x128xf32>
    %select_n3A_320 = arith.select %lt3A_319, %select_n3A_317, %select_n3A_298 : vector<128x128xi1>, vector<128x128xf32>
    %select_n3A_321 = arith.select %lt3A_319, %select_n3A_318, %select_n3A_299 : vector<128x128xi1>, vector<128x128xi32>
    %select_n3A_322 = arith.select %lt3A_319, %select_n3A_298, %select_n3A_317 : vector<128x128xi1>, vector<128x128xf32>
    %select_n3A_323 = arith.select %lt3A_319, %select_n3A_299, %select_n3A_318 : vector<128x128xi1>, vector<128x128xi32>
    %lt3A_324 = arith.cmpf olt, %select_n3A_322, %select_n3A_303 : vector<128x128xf32>
    %select_n3A_325 = arith.select %lt3A_324, %select_n3A_322, %select_n3A_303 : vector<128x128xi1>, vector<128x128xf32>
    %select_n3A_326 = arith.select %lt3A_324, %select_n3A_323, %select_n3A_304 : vector<128x128xi1>, vector<128x128xi32>
    %slice3A_327 = vector.extract_strided_slice %sqrt3A {offsets = [0, 1792], sizes = [128, 128], strides = [1, 1]} : vector<128x8192xf32> to vector<128x128xf32>
    %add3A_328 = arith.constant 1792 : i32
    %add3A_329 = vector.broadcast %add3A_328 : i32 to vector<128x128xi32>
    %add3A_330 = arith.addi %iota3A, %add3A_329 : vector<128x128xi32>
    %lt3A_331 = arith.cmpf olt, %slice3A_327, %select_n3A_310 : vector<128x128xf32>
    %select_n3A_332 = arith.select %lt3A_331, %slice3A_327, %select_n3A_310 : vector<128x128xi1>, vector<128x128xf32>
    %select_n3A_333 = arith.select %lt3A_331, %add3A_330, %select_n3A_311 : vector<128x128xi1>, vector<128x128xi32>
    %select_n3A_334 = arith.select %lt3A_331, %select_n3A_310, %slice3A_327 : vector<128x128xi1>, vector<128x128xf32>
    %select_n3A_335 = arith.select %lt3A_331, %select_n3A_311, %add3A_330 : vector<128x128xi1>, vector<128x128xi32>
    %lt3A_336 = arith.cmpf olt, %select_n3A_334, %select_n3A_315 : vector<128x128xf32>
    %select_n3A_337 = arith.select %lt3A_336, %select_n3A_334, %select_n3A_315 : vector<128x128xi1>, vector<128x128xf32>
    %select_n3A_338 = arith.select %lt3A_336, %select_n3A_335, %select_n3A_316 : vector<128x128xi1>, vector<128x128xi32>
    %select_n3A_339 = arith.select %lt3A_336, %select_n3A_315, %select_n3A_334 : vector<128x128xi1>, vector<128x128xf32>
    %select_n3A_340 = arith.select %lt3A_336, %select_n3A_316, %select_n3A_335 : vector<128x128xi1>, vector<128x128xi32>
    %lt3A_341 = arith.cmpf olt, %select_n3A_339, %select_n3A_320 : vector<128x128xf32>
    %select_n3A_342 = arith.select %lt3A_341, %select_n3A_339, %select_n3A_320 : vector<128x128xi1>, vector<128x128xf32>
    %select_n3A_343 = arith.select %lt3A_341, %select_n3A_340, %select_n3A_321 : vector<128x128xi1>, vector<128x128xi32>
    %select_n3A_344 = arith.select %lt3A_341, %select_n3A_320, %select_n3A_339 : vector<128x128xi1>, vector<128x128xf32>
    %select_n3A_345 = arith.select %lt3A_341, %select_n3A_321, %select_n3A_340 : vector<128x128xi1>, vector<128x128xi32>
    %lt3A_346 = arith.cmpf olt, %select_n3A_344, %select_n3A_325 : vector<128x128xf32>
    %select_n3A_347 = arith.select %lt3A_346, %select_n3A_344, %select_n3A_325 : vector<128x128xi1>, vector<128x128xf32>
    %select_n3A_348 = arith.select %lt3A_346, %select_n3A_345, %select_n3A_326 : vector<128x128xi1>, vector<128x128xi32>
    %slice3A_349 = vector.extract_strided_slice %sqrt3A {offsets = [0, 1920], sizes = [128, 128], strides = [1, 1]} : vector<128x8192xf32> to vector<128x128xf32>
    %add3A_350 = arith.constant 1920 : i32
    %add3A_351 = vector.broadcast %add3A_350 : i32 to vector<128x128xi32>
    %add3A_352 = arith.addi %iota3A, %add3A_351 : vector<128x128xi32>
    %lt3A_353 = arith.cmpf olt, %slice3A_349, %select_n3A_332 : vector<128x128xf32>
    %select_n3A_354 = arith.select %lt3A_353, %slice3A_349, %select_n3A_332 : vector<128x128xi1>, vector<128x128xf32>
    %select_n3A_355 = arith.select %lt3A_353, %add3A_352, %select_n3A_333 : vector<128x128xi1>, vector<128x128xi32>
    %select_n3A_356 = arith.select %lt3A_353, %select_n3A_332, %slice3A_349 : vector<128x128xi1>, vector<128x128xf32>
    %select_n3A_357 = arith.select %lt3A_353, %select_n3A_333, %add3A_352 : vector<128x128xi1>, vector<128x128xi32>
    %lt3A_358 = arith.cmpf olt, %select_n3A_356, %select_n3A_337 : vector<128x128xf32>
    %select_n3A_359 = arith.select %lt3A_358, %select_n3A_356, %select_n3A_337 : vector<128x128xi1>, vector<128x128xf32>
    %select_n3A_360 = arith.select %lt3A_358, %select_n3A_357, %select_n3A_338 : vector<128x128xi1>, vector<128x128xi32>
    %select_n3A_361 = arith.select %lt3A_358, %select_n3A_337, %select_n3A_356 : vector<128x128xi1>, vector<128x128xf32>
    %select_n3A_362 = arith.select %lt3A_358, %select_n3A_338, %select_n3A_357 : vector<128x128xi1>, vector<128x128xi32>
    %lt3A_363 = arith.cmpf olt, %select_n3A_361, %select_n3A_342 : vector<128x128xf32>
    %select_n3A_364 = arith.select %lt3A_363, %select_n3A_361, %select_n3A_342 : vector<128x128xi1>, vector<128x128xf32>
    %select_n3A_365 = arith.select %lt3A_363, %select_n3A_362, %select_n3A_343 : vector<128x128xi1>, vector<128x128xi32>
    %select_n3A_366 = arith.select %lt3A_363, %select_n3A_342, %select_n3A_361 : vector<128x128xi1>, vector<128x128xf32>
    %select_n3A_367 = arith.select %lt3A_363, %select_n3A_343, %select_n3A_362 : vector<128x128xi1>, vector<128x128xi32>
    %lt3A_368 = arith.cmpf olt, %select_n3A_366, %select_n3A_347 : vector<128x128xf32>
    %select_n3A_369 = arith.select %lt3A_368, %select_n3A_366, %select_n3A_347 : vector<128x128xi1>, vector<128x128xf32>
    %select_n3A_370 = arith.select %lt3A_368, %select_n3A_367, %select_n3A_348 : vector<128x128xi1>, vector<128x128xi32>
    %slice3A_371 = vector.extract_strided_slice %sqrt3A {offsets = [0, 2048], sizes = [128, 128], strides = [1, 1]} : vector<128x8192xf32> to vector<128x128xf32>
    %add3A_372 = arith.constant 2048 : i32
    %add3A_373 = vector.broadcast %add3A_372 : i32 to vector<128x128xi32>
    %add3A_374 = arith.addi %iota3A, %add3A_373 : vector<128x128xi32>
    %lt3A_375 = arith.cmpf olt, %slice3A_371, %select_n3A_354 : vector<128x128xf32>
    %select_n3A_376 = arith.select %lt3A_375, %slice3A_371, %select_n3A_354 : vector<128x128xi1>, vector<128x128xf32>
    %select_n3A_377 = arith.select %lt3A_375, %add3A_374, %select_n3A_355 : vector<128x128xi1>, vector<128x128xi32>
    %select_n3A_378 = arith.select %lt3A_375, %select_n3A_354, %slice3A_371 : vector<128x128xi1>, vector<128x128xf32>
    %select_n3A_379 = arith.select %lt3A_375, %select_n3A_355, %add3A_374 : vector<128x128xi1>, vector<128x128xi32>
    %lt3A_380 = arith.cmpf olt, %select_n3A_378, %select_n3A_359 : vector<128x128xf32>
    %select_n3A_381 = arith.select %lt3A_380, %select_n3A_378, %select_n3A_359 : vector<128x128xi1>, vector<128x128xf32>
    %select_n3A_382 = arith.select %lt3A_380, %select_n3A_379, %select_n3A_360 : vector<128x128xi1>, vector<128x128xi32>
    %select_n3A_383 = arith.select %lt3A_380, %select_n3A_359, %select_n3A_378 : vector<128x128xi1>, vector<128x128xf32>
    %select_n3A_384 = arith.select %lt3A_380, %select_n3A_360, %select_n3A_379 : vector<128x128xi1>, vector<128x128xi32>
    %lt3A_385 = arith.cmpf olt, %select_n3A_383, %select_n3A_364 : vector<128x128xf32>
    %select_n3A_386 = arith.select %lt3A_385, %select_n3A_383, %select_n3A_364 : vector<128x128xi1>, vector<128x128xf32>
    %select_n3A_387 = arith.select %lt3A_385, %select_n3A_384, %select_n3A_365 : vector<128x128xi1>, vector<128x128xi32>
    %select_n3A_388 = arith.select %lt3A_385, %select_n3A_364, %select_n3A_383 : vector<128x128xi1>, vector<128x128xf32>
    %select_n3A_389 = arith.select %lt3A_385, %select_n3A_365, %select_n3A_384 : vector<128x128xi1>, vector<128x128xi32>
    %lt3A_390 = arith.cmpf olt, %select_n3A_388, %select_n3A_369 : vector<128x128xf32>
    %select_n3A_391 = arith.select %lt3A_390, %select_n3A_388, %select_n3A_369 : vector<128x128xi1>, vector<128x128xf32>
    %select_n3A_392 = arith.select %lt3A_390, %select_n3A_389, %select_n3A_370 : vector<128x128xi1>, vector<128x128xi32>
    %slice3A_393 = vector.extract_strided_slice %sqrt3A {offsets = [0, 2176], sizes = [128, 128], strides = [1, 1]} : vector<128x8192xf32> to vector<128x128xf32>
    %add3A_394 = arith.constant 2176 : i32
    %add3A_395 = vector.broadcast %add3A_394 : i32 to vector<128x128xi32>
    %add3A_396 = arith.addi %iota3A, %add3A_395 : vector<128x128xi32>
    %lt3A_397 = arith.cmpf olt, %slice3A_393, %select_n3A_376 : vector<128x128xf32>
    %select_n3A_398 = arith.select %lt3A_397, %slice3A_393, %select_n3A_376 : vector<128x128xi1>, vector<128x128xf32>
    %select_n3A_399 = arith.select %lt3A_397, %add3A_396, %select_n3A_377 : vector<128x128xi1>, vector<128x128xi32>
    %select_n3A_400 = arith.select %lt3A_397, %select_n3A_376, %slice3A_393 : vector<128x128xi1>, vector<128x128xf32>
    %select_n3A_401 = arith.select %lt3A_397, %select_n3A_377, %add3A_396 : vector<128x128xi1>, vector<128x128xi32>
    %lt3A_402 = arith.cmpf olt, %select_n3A_400, %select_n3A_381 : vector<128x128xf32>
    %select_n3A_403 = arith.select %lt3A_402, %select_n3A_400, %select_n3A_381 : vector<128x128xi1>, vector<128x128xf32>
    %select_n3A_404 = arith.select %lt3A_402, %select_n3A_401, %select_n3A_382 : vector<128x128xi1>, vector<128x128xi32>
    %select_n3A_405 = arith.select %lt3A_402, %select_n3A_381, %select_n3A_400 : vector<128x128xi1>, vector<128x128xf32>
    %select_n3A_406 = arith.select %lt3A_402, %select_n3A_382, %select_n3A_401 : vector<128x128xi1>, vector<128x128xi32>
    %lt3A_407 = arith.cmpf olt, %select_n3A_405, %select_n3A_386 : vector<128x128xf32>
    %select_n3A_408 = arith.select %lt3A_407, %select_n3A_405, %select_n3A_386 : vector<128x128xi1>, vector<128x128xf32>
    %select_n3A_409 = arith.select %lt3A_407, %select_n3A_406, %select_n3A_387 : vector<128x128xi1>, vector<128x128xi32>
    %select_n3A_410 = arith.select %lt3A_407, %select_n3A_386, %select_n3A_405 : vector<128x128xi1>, vector<128x128xf32>
    %select_n3A_411 = arith.select %lt3A_407, %select_n3A_387, %select_n3A_406 : vector<128x128xi1>, vector<128x128xi32>
    %lt3A_412 = arith.cmpf olt, %select_n3A_410, %select_n3A_391 : vector<128x128xf32>
    %select_n3A_413 = arith.select %lt3A_412, %select_n3A_410, %select_n3A_391 : vector<128x128xi1>, vector<128x128xf32>
    %select_n3A_414 = arith.select %lt3A_412, %select_n3A_411, %select_n3A_392 : vector<128x128xi1>, vector<128x128xi32>
    %slice3A_415 = vector.extract_strided_slice %sqrt3A {offsets = [0, 2304], sizes = [128, 128], strides = [1, 1]} : vector<128x8192xf32> to vector<128x128xf32>
    %add3A_416 = arith.constant 2304 : i32
    %add3A_417 = vector.broadcast %add3A_416 : i32 to vector<128x128xi32>
    %add3A_418 = arith.addi %iota3A, %add3A_417 : vector<128x128xi32>
    %lt3A_419 = arith.cmpf olt, %slice3A_415, %select_n3A_398 : vector<128x128xf32>
    %select_n3A_420 = arith.select %lt3A_419, %slice3A_415, %select_n3A_398 : vector<128x128xi1>, vector<128x128xf32>
    %select_n3A_421 = arith.select %lt3A_419, %add3A_418, %select_n3A_399 : vector<128x128xi1>, vector<128x128xi32>
    %select_n3A_422 = arith.select %lt3A_419, %select_n3A_398, %slice3A_415 : vector<128x128xi1>, vector<128x128xf32>
    %select_n3A_423 = arith.select %lt3A_419, %select_n3A_399, %add3A_418 : vector<128x128xi1>, vector<128x128xi32>
    %lt3A_424 = arith.cmpf olt, %select_n3A_422, %select_n3A_403 : vector<128x128xf32>
    %select_n3A_425 = arith.select %lt3A_424, %select_n3A_422, %select_n3A_403 : vector<128x128xi1>, vector<128x128xf32>
    %select_n3A_426 = arith.select %lt3A_424, %select_n3A_423, %select_n3A_404 : vector<128x128xi1>, vector<128x128xi32>
    %select_n3A_427 = arith.select %lt3A_424, %select_n3A_403, %select_n3A_422 : vector<128x128xi1>, vector<128x128xf32>
    %select_n3A_428 = arith.select %lt3A_424, %select_n3A_404, %select_n3A_423 : vector<128x128xi1>, vector<128x128xi32>
    %lt3A_429 = arith.cmpf olt, %select_n3A_427, %select_n3A_408 : vector<128x128xf32>
    %select_n3A_430 = arith.select %lt3A_429, %select_n3A_427, %select_n3A_408 : vector<128x128xi1>, vector<128x128xf32>
    %select_n3A_431 = arith.select %lt3A_429, %select_n3A_428, %select_n3A_409 : vector<128x128xi1>, vector<128x128xi32>
    %select_n3A_432 = arith.select %lt3A_429, %select_n3A_408, %select_n3A_427 : vector<128x128xi1>, vector<128x128xf32>
    %select_n3A_433 = arith.select %lt3A_429, %select_n3A_409, %select_n3A_428 : vector<128x128xi1>, vector<128x128xi32>
    %lt3A_434 = arith.cmpf olt, %select_n3A_432, %select_n3A_413 : vector<128x128xf32>
    %select_n3A_435 = arith.select %lt3A_434, %select_n3A_432, %select_n3A_413 : vector<128x128xi1>, vector<128x128xf32>
    %select_n3A_436 = arith.select %lt3A_434, %select_n3A_433, %select_n3A_414 : vector<128x128xi1>, vector<128x128xi32>
    %slice3A_437 = vector.extract_strided_slice %sqrt3A {offsets = [0, 2432], sizes = [128, 128], strides = [1, 1]} : vector<128x8192xf32> to vector<128x128xf32>
    %add3A_438 = arith.constant 2432 : i32
    %add3A_439 = vector.broadcast %add3A_438 : i32 to vector<128x128xi32>
    %add3A_440 = arith.addi %iota3A, %add3A_439 : vector<128x128xi32>
    %lt3A_441 = arith.cmpf olt, %slice3A_437, %select_n3A_420 : vector<128x128xf32>
    %select_n3A_442 = arith.select %lt3A_441, %slice3A_437, %select_n3A_420 : vector<128x128xi1>, vector<128x128xf32>
    %select_n3A_443 = arith.select %lt3A_441, %add3A_440, %select_n3A_421 : vector<128x128xi1>, vector<128x128xi32>
    %select_n3A_444 = arith.select %lt3A_441, %select_n3A_420, %slice3A_437 : vector<128x128xi1>, vector<128x128xf32>
    %select_n3A_445 = arith.select %lt3A_441, %select_n3A_421, %add3A_440 : vector<128x128xi1>, vector<128x128xi32>
    %lt3A_446 = arith.cmpf olt, %select_n3A_444, %select_n3A_425 : vector<128x128xf32>
    %select_n3A_447 = arith.select %lt3A_446, %select_n3A_444, %select_n3A_425 : vector<128x128xi1>, vector<128x128xf32>
    %select_n3A_448 = arith.select %lt3A_446, %select_n3A_445, %select_n3A_426 : vector<128x128xi1>, vector<128x128xi32>
    %select_n3A_449 = arith.select %lt3A_446, %select_n3A_425, %select_n3A_444 : vector<128x128xi1>, vector<128x128xf32>
    %select_n3A_450 = arith.select %lt3A_446, %select_n3A_426, %select_n3A_445 : vector<128x128xi1>, vector<128x128xi32>
    %lt3A_451 = arith.cmpf olt, %select_n3A_449, %select_n3A_430 : vector<128x128xf32>
    %select_n3A_452 = arith.select %lt3A_451, %select_n3A_449, %select_n3A_430 : vector<128x128xi1>, vector<128x128xf32>
    %select_n3A_453 = arith.select %lt3A_451, %select_n3A_450, %select_n3A_431 : vector<128x128xi1>, vector<128x128xi32>
    %select_n3A_454 = arith.select %lt3A_451, %select_n3A_430, %select_n3A_449 : vector<128x128xi1>, vector<128x128xf32>
    %select_n3A_455 = arith.select %lt3A_451, %select_n3A_431, %select_n3A_450 : vector<128x128xi1>, vector<128x128xi32>
    %lt3A_456 = arith.cmpf olt, %select_n3A_454, %select_n3A_435 : vector<128x128xf32>
    %select_n3A_457 = arith.select %lt3A_456, %select_n3A_454, %select_n3A_435 : vector<128x128xi1>, vector<128x128xf32>
    %select_n3A_458 = arith.select %lt3A_456, %select_n3A_455, %select_n3A_436 : vector<128x128xi1>, vector<128x128xi32>
    %slice3A_459 = vector.extract_strided_slice %sqrt3A {offsets = [0, 2560], sizes = [128, 128], strides = [1, 1]} : vector<128x8192xf32> to vector<128x128xf32>
    %add3A_460 = arith.constant 2560 : i32
    %add3A_461 = vector.broadcast %add3A_460 : i32 to vector<128x128xi32>
    %add3A_462 = arith.addi %iota3A, %add3A_461 : vector<128x128xi32>
    %lt3A_463 = arith.cmpf olt, %slice3A_459, %select_n3A_442 : vector<128x128xf32>
    %select_n3A_464 = arith.select %lt3A_463, %slice3A_459, %select_n3A_442 : vector<128x128xi1>, vector<128x128xf32>
    %select_n3A_465 = arith.select %lt3A_463, %add3A_462, %select_n3A_443 : vector<128x128xi1>, vector<128x128xi32>
    %select_n3A_466 = arith.select %lt3A_463, %select_n3A_442, %slice3A_459 : vector<128x128xi1>, vector<128x128xf32>
    %select_n3A_467 = arith.select %lt3A_463, %select_n3A_443, %add3A_462 : vector<128x128xi1>, vector<128x128xi32>
    %lt3A_468 = arith.cmpf olt, %select_n3A_466, %select_n3A_447 : vector<128x128xf32>
    %select_n3A_469 = arith.select %lt3A_468, %select_n3A_466, %select_n3A_447 : vector<128x128xi1>, vector<128x128xf32>
    %select_n3A_470 = arith.select %lt3A_468, %select_n3A_467, %select_n3A_448 : vector<128x128xi1>, vector<128x128xi32>
    %select_n3A_471 = arith.select %lt3A_468, %select_n3A_447, %select_n3A_466 : vector<128x128xi1>, vector<128x128xf32>
    %select_n3A_472 = arith.select %lt3A_468, %select_n3A_448, %select_n3A_467 : vector<128x128xi1>, vector<128x128xi32>
    %lt3A_473 = arith.cmpf olt, %select_n3A_471, %select_n3A_452 : vector<128x128xf32>
    %select_n3A_474 = arith.select %lt3A_473, %select_n3A_471, %select_n3A_452 : vector<128x128xi1>, vector<128x128xf32>
    %select_n3A_475 = arith.select %lt3A_473, %select_n3A_472, %select_n3A_453 : vector<128x128xi1>, vector<128x128xi32>
    %select_n3A_476 = arith.select %lt3A_473, %select_n3A_452, %select_n3A_471 : vector<128x128xi1>, vector<128x128xf32>
    %select_n3A_477 = arith.select %lt3A_473, %select_n3A_453, %select_n3A_472 : vector<128x128xi1>, vector<128x128xi32>
    %lt3A_478 = arith.cmpf olt, %select_n3A_476, %select_n3A_457 : vector<128x128xf32>
    %select_n3A_479 = arith.select %lt3A_478, %select_n3A_476, %select_n3A_457 : vector<128x128xi1>, vector<128x128xf32>
    %select_n3A_480 = arith.select %lt3A_478, %select_n3A_477, %select_n3A_458 : vector<128x128xi1>, vector<128x128xi32>
    %slice3A_481 = vector.extract_strided_slice %sqrt3A {offsets = [0, 2688], sizes = [128, 128], strides = [1, 1]} : vector<128x8192xf32> to vector<128x128xf32>
    %add3A_482 = arith.constant 2688 : i32
    %add3A_483 = vector.broadcast %add3A_482 : i32 to vector<128x128xi32>
    %add3A_484 = arith.addi %iota3A, %add3A_483 : vector<128x128xi32>
    %lt3A_485 = arith.cmpf olt, %slice3A_481, %select_n3A_464 : vector<128x128xf32>
    %select_n3A_486 = arith.select %lt3A_485, %slice3A_481, %select_n3A_464 : vector<128x128xi1>, vector<128x128xf32>
    %select_n3A_487 = arith.select %lt3A_485, %add3A_484, %select_n3A_465 : vector<128x128xi1>, vector<128x128xi32>
    %select_n3A_488 = arith.select %lt3A_485, %select_n3A_464, %slice3A_481 : vector<128x128xi1>, vector<128x128xf32>
    %select_n3A_489 = arith.select %lt3A_485, %select_n3A_465, %add3A_484 : vector<128x128xi1>, vector<128x128xi32>
    %lt3A_490 = arith.cmpf olt, %select_n3A_488, %select_n3A_469 : vector<128x128xf32>
    %select_n3A_491 = arith.select %lt3A_490, %select_n3A_488, %select_n3A_469 : vector<128x128xi1>, vector<128x128xf32>
    %select_n3A_492 = arith.select %lt3A_490, %select_n3A_489, %select_n3A_470 : vector<128x128xi1>, vector<128x128xi32>
    %select_n3A_493 = arith.select %lt3A_490, %select_n3A_469, %select_n3A_488 : vector<128x128xi1>, vector<128x128xf32>
    %select_n3A_494 = arith.select %lt3A_490, %select_n3A_470, %select_n3A_489 : vector<128x128xi1>, vector<128x128xi32>
    %lt3A_495 = arith.cmpf olt, %select_n3A_493, %select_n3A_474 : vector<128x128xf32>
    %select_n3A_496 = arith.select %lt3A_495, %select_n3A_493, %select_n3A_474 : vector<128x128xi1>, vector<128x128xf32>
    %select_n3A_497 = arith.select %lt3A_495, %select_n3A_494, %select_n3A_475 : vector<128x128xi1>, vector<128x128xi32>
    %select_n3A_498 = arith.select %lt3A_495, %select_n3A_474, %select_n3A_493 : vector<128x128xi1>, vector<128x128xf32>
    %select_n3A_499 = arith.select %lt3A_495, %select_n3A_475, %select_n3A_494 : vector<128x128xi1>, vector<128x128xi32>
    %lt3A_500 = arith.cmpf olt, %select_n3A_498, %select_n3A_479 : vector<128x128xf32>
    %select_n3A_501 = arith.select %lt3A_500, %select_n3A_498, %select_n3A_479 : vector<128x128xi1>, vector<128x128xf32>
    %select_n3A_502 = arith.select %lt3A_500, %select_n3A_499, %select_n3A_480 : vector<128x128xi1>, vector<128x128xi32>
    %slice3A_503 = vector.extract_strided_slice %sqrt3A {offsets = [0, 2816], sizes = [128, 128], strides = [1, 1]} : vector<128x8192xf32> to vector<128x128xf32>
    %add3A_504 = arith.constant 2816 : i32
    %add3A_505 = vector.broadcast %add3A_504 : i32 to vector<128x128xi32>
    %add3A_506 = arith.addi %iota3A, %add3A_505 : vector<128x128xi32>
    %lt3A_507 = arith.cmpf olt, %slice3A_503, %select_n3A_486 : vector<128x128xf32>
    %select_n3A_508 = arith.select %lt3A_507, %slice3A_503, %select_n3A_486 : vector<128x128xi1>, vector<128x128xf32>
    %select_n3A_509 = arith.select %lt3A_507, %add3A_506, %select_n3A_487 : vector<128x128xi1>, vector<128x128xi32>
    %select_n3A_510 = arith.select %lt3A_507, %select_n3A_486, %slice3A_503 : vector<128x128xi1>, vector<128x128xf32>
    %select_n3A_511 = arith.select %lt3A_507, %select_n3A_487, %add3A_506 : vector<128x128xi1>, vector<128x128xi32>
    %lt3A_512 = arith.cmpf olt, %select_n3A_510, %select_n3A_491 : vector<128x128xf32>
    %select_n3A_513 = arith.select %lt3A_512, %select_n3A_510, %select_n3A_491 : vector<128x128xi1>, vector<128x128xf32>
    %select_n3A_514 = arith.select %lt3A_512, %select_n3A_511, %select_n3A_492 : vector<128x128xi1>, vector<128x128xi32>
    %select_n3A_515 = arith.select %lt3A_512, %select_n3A_491, %select_n3A_510 : vector<128x128xi1>, vector<128x128xf32>
    %select_n3A_516 = arith.select %lt3A_512, %select_n3A_492, %select_n3A_511 : vector<128x128xi1>, vector<128x128xi32>
    %lt3A_517 = arith.cmpf olt, %select_n3A_515, %select_n3A_496 : vector<128x128xf32>
    %select_n3A_518 = arith.select %lt3A_517, %select_n3A_515, %select_n3A_496 : vector<128x128xi1>, vector<128x128xf32>
    %select_n3A_519 = arith.select %lt3A_517, %select_n3A_516, %select_n3A_497 : vector<128x128xi1>, vector<128x128xi32>
    %select_n3A_520 = arith.select %lt3A_517, %select_n3A_496, %select_n3A_515 : vector<128x128xi1>, vector<128x128xf32>
    %select_n3A_521 = arith.select %lt3A_517, %select_n3A_497, %select_n3A_516 : vector<128x128xi1>, vector<128x128xi32>
    %lt3A_522 = arith.cmpf olt, %select_n3A_520, %select_n3A_501 : vector<128x128xf32>
    %select_n3A_523 = arith.select %lt3A_522, %select_n3A_520, %select_n3A_501 : vector<128x128xi1>, vector<128x128xf32>
    %select_n3A_524 = arith.select %lt3A_522, %select_n3A_521, %select_n3A_502 : vector<128x128xi1>, vector<128x128xi32>
    %slice3A_525 = vector.extract_strided_slice %sqrt3A {offsets = [0, 2944], sizes = [128, 128], strides = [1, 1]} : vector<128x8192xf32> to vector<128x128xf32>
    %add3A_526 = arith.constant 2944 : i32
    %add3A_527 = vector.broadcast %add3A_526 : i32 to vector<128x128xi32>
    %add3A_528 = arith.addi %iota3A, %add3A_527 : vector<128x128xi32>
    %lt3A_529 = arith.cmpf olt, %slice3A_525, %select_n3A_508 : vector<128x128xf32>
    %select_n3A_530 = arith.select %lt3A_529, %slice3A_525, %select_n3A_508 : vector<128x128xi1>, vector<128x128xf32>
    %select_n3A_531 = arith.select %lt3A_529, %add3A_528, %select_n3A_509 : vector<128x128xi1>, vector<128x128xi32>
    %select_n3A_532 = arith.select %lt3A_529, %select_n3A_508, %slice3A_525 : vector<128x128xi1>, vector<128x128xf32>
    %select_n3A_533 = arith.select %lt3A_529, %select_n3A_509, %add3A_528 : vector<128x128xi1>, vector<128x128xi32>
    %lt3A_534 = arith.cmpf olt, %select_n3A_532, %select_n3A_513 : vector<128x128xf32>
    %select_n3A_535 = arith.select %lt3A_534, %select_n3A_532, %select_n3A_513 : vector<128x128xi1>, vector<128x128xf32>
    %select_n3A_536 = arith.select %lt3A_534, %select_n3A_533, %select_n3A_514 : vector<128x128xi1>, vector<128x128xi32>
    %select_n3A_537 = arith.select %lt3A_534, %select_n3A_513, %select_n3A_532 : vector<128x128xi1>, vector<128x128xf32>
    %select_n3A_538 = arith.select %lt3A_534, %select_n3A_514, %select_n3A_533 : vector<128x128xi1>, vector<128x128xi32>
    %lt3A_539 = arith.cmpf olt, %select_n3A_537, %select_n3A_518 : vector<128x128xf32>
    %select_n3A_540 = arith.select %lt3A_539, %select_n3A_537, %select_n3A_518 : vector<128x128xi1>, vector<128x128xf32>
    %select_n3A_541 = arith.select %lt3A_539, %select_n3A_538, %select_n3A_519 : vector<128x128xi1>, vector<128x128xi32>
    %select_n3A_542 = arith.select %lt3A_539, %select_n3A_518, %select_n3A_537 : vector<128x128xi1>, vector<128x128xf32>
    %select_n3A_543 = arith.select %lt3A_539, %select_n3A_519, %select_n3A_538 : vector<128x128xi1>, vector<128x128xi32>
    %lt3A_544 = arith.cmpf olt, %select_n3A_542, %select_n3A_523 : vector<128x128xf32>
    %select_n3A_545 = arith.select %lt3A_544, %select_n3A_542, %select_n3A_523 : vector<128x128xi1>, vector<128x128xf32>
    %select_n3A_546 = arith.select %lt3A_544, %select_n3A_543, %select_n3A_524 : vector<128x128xi1>, vector<128x128xi32>
    %slice3A_547 = vector.extract_strided_slice %sqrt3A {offsets = [0, 3072], sizes = [128, 128], strides = [1, 1]} : vector<128x8192xf32> to vector<128x128xf32>
    %add3A_548 = arith.constant 3072 : i32
    %add3A_549 = vector.broadcast %add3A_548 : i32 to vector<128x128xi32>
    %add3A_550 = arith.addi %iota3A, %add3A_549 : vector<128x128xi32>
    %lt3A_551 = arith.cmpf olt, %slice3A_547, %select_n3A_530 : vector<128x128xf32>
    %select_n3A_552 = arith.select %lt3A_551, %slice3A_547, %select_n3A_530 : vector<128x128xi1>, vector<128x128xf32>
    %select_n3A_553 = arith.select %lt3A_551, %add3A_550, %select_n3A_531 : vector<128x128xi1>, vector<128x128xi32>
    %select_n3A_554 = arith.select %lt3A_551, %select_n3A_530, %slice3A_547 : vector<128x128xi1>, vector<128x128xf32>
    %select_n3A_555 = arith.select %lt3A_551, %select_n3A_531, %add3A_550 : vector<128x128xi1>, vector<128x128xi32>
    %lt3A_556 = arith.cmpf olt, %select_n3A_554, %select_n3A_535 : vector<128x128xf32>
    %select_n3A_557 = arith.select %lt3A_556, %select_n3A_554, %select_n3A_535 : vector<128x128xi1>, vector<128x128xf32>
    %select_n3A_558 = arith.select %lt3A_556, %select_n3A_555, %select_n3A_536 : vector<128x128xi1>, vector<128x128xi32>
    %select_n3A_559 = arith.select %lt3A_556, %select_n3A_535, %select_n3A_554 : vector<128x128xi1>, vector<128x128xf32>
    %select_n3A_560 = arith.select %lt3A_556, %select_n3A_536, %select_n3A_555 : vector<128x128xi1>, vector<128x128xi32>
    %lt3A_561 = arith.cmpf olt, %select_n3A_559, %select_n3A_540 : vector<128x128xf32>
    %select_n3A_562 = arith.select %lt3A_561, %select_n3A_559, %select_n3A_540 : vector<128x128xi1>, vector<128x128xf32>
    %select_n3A_563 = arith.select %lt3A_561, %select_n3A_560, %select_n3A_541 : vector<128x128xi1>, vector<128x128xi32>
    %select_n3A_564 = arith.select %lt3A_561, %select_n3A_540, %select_n3A_559 : vector<128x128xi1>, vector<128x128xf32>
    %select_n3A_565 = arith.select %lt3A_561, %select_n3A_541, %select_n3A_560 : vector<128x128xi1>, vector<128x128xi32>
    %lt3A_566 = arith.cmpf olt, %select_n3A_564, %select_n3A_545 : vector<128x128xf32>
    %select_n3A_567 = arith.select %lt3A_566, %select_n3A_564, %select_n3A_545 : vector<128x128xi1>, vector<128x128xf32>
    %select_n3A_568 = arith.select %lt3A_566, %select_n3A_565, %select_n3A_546 : vector<128x128xi1>, vector<128x128xi32>
    %slice3A_569 = vector.extract_strided_slice %sqrt3A {offsets = [0, 3200], sizes = [128, 128], strides = [1, 1]} : vector<128x8192xf32> to vector<128x128xf32>
    %add3A_570 = arith.constant 3200 : i32
    %add3A_571 = vector.broadcast %add3A_570 : i32 to vector<128x128xi32>
    %add3A_572 = arith.addi %iota3A, %add3A_571 : vector<128x128xi32>
    %lt3A_573 = arith.cmpf olt, %slice3A_569, %select_n3A_552 : vector<128x128xf32>
    %select_n3A_574 = arith.select %lt3A_573, %slice3A_569, %select_n3A_552 : vector<128x128xi1>, vector<128x128xf32>
    %select_n3A_575 = arith.select %lt3A_573, %add3A_572, %select_n3A_553 : vector<128x128xi1>, vector<128x128xi32>
    %select_n3A_576 = arith.select %lt3A_573, %select_n3A_552, %slice3A_569 : vector<128x128xi1>, vector<128x128xf32>
    %select_n3A_577 = arith.select %lt3A_573, %select_n3A_553, %add3A_572 : vector<128x128xi1>, vector<128x128xi32>
    %lt3A_578 = arith.cmpf olt, %select_n3A_576, %select_n3A_557 : vector<128x128xf32>
    %select_n3A_579 = arith.select %lt3A_578, %select_n3A_576, %select_n3A_557 : vector<128x128xi1>, vector<128x128xf32>
    %select_n3A_580 = arith.select %lt3A_578, %select_n3A_577, %select_n3A_558 : vector<128x128xi1>, vector<128x128xi32>
    %select_n3A_581 = arith.select %lt3A_578, %select_n3A_557, %select_n3A_576 : vector<128x128xi1>, vector<128x128xf32>
    %select_n3A_582 = arith.select %lt3A_578, %select_n3A_558, %select_n3A_577 : vector<128x128xi1>, vector<128x128xi32>
    %lt3A_583 = arith.cmpf olt, %select_n3A_581, %select_n3A_562 : vector<128x128xf32>
    %select_n3A_584 = arith.select %lt3A_583, %select_n3A_581, %select_n3A_562 : vector<128x128xi1>, vector<128x128xf32>
    %select_n3A_585 = arith.select %lt3A_583, %select_n3A_582, %select_n3A_563 : vector<128x128xi1>, vector<128x128xi32>
    %select_n3A_586 = arith.select %lt3A_583, %select_n3A_562, %select_n3A_581 : vector<128x128xi1>, vector<128x128xf32>
    %select_n3A_587 = arith.select %lt3A_583, %select_n3A_563, %select_n3A_582 : vector<128x128xi1>, vector<128x128xi32>
    %lt3A_588 = arith.cmpf olt, %select_n3A_586, %select_n3A_567 : vector<128x128xf32>
    %select_n3A_589 = arith.select %lt3A_588, %select_n3A_586, %select_n3A_567 : vector<128x128xi1>, vector<128x128xf32>
    %select_n3A_590 = arith.select %lt3A_588, %select_n3A_587, %select_n3A_568 : vector<128x128xi1>, vector<128x128xi32>
    %slice3A_591 = vector.extract_strided_slice %sqrt3A {offsets = [0, 3328], sizes = [128, 128], strides = [1, 1]} : vector<128x8192xf32> to vector<128x128xf32>
    %add3A_592 = arith.constant 3328 : i32
    %add3A_593 = vector.broadcast %add3A_592 : i32 to vector<128x128xi32>
    %add3A_594 = arith.addi %iota3A, %add3A_593 : vector<128x128xi32>
    %lt3A_595 = arith.cmpf olt, %slice3A_591, %select_n3A_574 : vector<128x128xf32>
    %select_n3A_596 = arith.select %lt3A_595, %slice3A_591, %select_n3A_574 : vector<128x128xi1>, vector<128x128xf32>
    %select_n3A_597 = arith.select %lt3A_595, %add3A_594, %select_n3A_575 : vector<128x128xi1>, vector<128x128xi32>
    %select_n3A_598 = arith.select %lt3A_595, %select_n3A_574, %slice3A_591 : vector<128x128xi1>, vector<128x128xf32>
    %select_n3A_599 = arith.select %lt3A_595, %select_n3A_575, %add3A_594 : vector<128x128xi1>, vector<128x128xi32>
    %lt3A_600 = arith.cmpf olt, %select_n3A_598, %select_n3A_579 : vector<128x128xf32>
    %select_n3A_601 = arith.select %lt3A_600, %select_n3A_598, %select_n3A_579 : vector<128x128xi1>, vector<128x128xf32>
    %select_n3A_602 = arith.select %lt3A_600, %select_n3A_599, %select_n3A_580 : vector<128x128xi1>, vector<128x128xi32>
    %select_n3A_603 = arith.select %lt3A_600, %select_n3A_579, %select_n3A_598 : vector<128x128xi1>, vector<128x128xf32>
    %select_n3A_604 = arith.select %lt3A_600, %select_n3A_580, %select_n3A_599 : vector<128x128xi1>, vector<128x128xi32>
    %lt3A_605 = arith.cmpf olt, %select_n3A_603, %select_n3A_584 : vector<128x128xf32>
    %select_n3A_606 = arith.select %lt3A_605, %select_n3A_603, %select_n3A_584 : vector<128x128xi1>, vector<128x128xf32>
    %select_n3A_607 = arith.select %lt3A_605, %select_n3A_604, %select_n3A_585 : vector<128x128xi1>, vector<128x128xi32>
    %select_n3A_608 = arith.select %lt3A_605, %select_n3A_584, %select_n3A_603 : vector<128x128xi1>, vector<128x128xf32>
    %select_n3A_609 = arith.select %lt3A_605, %select_n3A_585, %select_n3A_604 : vector<128x128xi1>, vector<128x128xi32>
    %lt3A_610 = arith.cmpf olt, %select_n3A_608, %select_n3A_589 : vector<128x128xf32>
    %select_n3A_611 = arith.select %lt3A_610, %select_n3A_608, %select_n3A_589 : vector<128x128xi1>, vector<128x128xf32>
    %select_n3A_612 = arith.select %lt3A_610, %select_n3A_609, %select_n3A_590 : vector<128x128xi1>, vector<128x128xi32>
    %slice3A_613 = vector.extract_strided_slice %sqrt3A {offsets = [0, 3456], sizes = [128, 128], strides = [1, 1]} : vector<128x8192xf32> to vector<128x128xf32>
    %add3A_614 = arith.constant 3456 : i32
    %add3A_615 = vector.broadcast %add3A_614 : i32 to vector<128x128xi32>
    %add3A_616 = arith.addi %iota3A, %add3A_615 : vector<128x128xi32>
    %lt3A_617 = arith.cmpf olt, %slice3A_613, %select_n3A_596 : vector<128x128xf32>
    %select_n3A_618 = arith.select %lt3A_617, %slice3A_613, %select_n3A_596 : vector<128x128xi1>, vector<128x128xf32>
    %select_n3A_619 = arith.select %lt3A_617, %add3A_616, %select_n3A_597 : vector<128x128xi1>, vector<128x128xi32>
    %select_n3A_620 = arith.select %lt3A_617, %select_n3A_596, %slice3A_613 : vector<128x128xi1>, vector<128x128xf32>
    %select_n3A_621 = arith.select %lt3A_617, %select_n3A_597, %add3A_616 : vector<128x128xi1>, vector<128x128xi32>
    %lt3A_622 = arith.cmpf olt, %select_n3A_620, %select_n3A_601 : vector<128x128xf32>
    %select_n3A_623 = arith.select %lt3A_622, %select_n3A_620, %select_n3A_601 : vector<128x128xi1>, vector<128x128xf32>
    %select_n3A_624 = arith.select %lt3A_622, %select_n3A_621, %select_n3A_602 : vector<128x128xi1>, vector<128x128xi32>
    %select_n3A_625 = arith.select %lt3A_622, %select_n3A_601, %select_n3A_620 : vector<128x128xi1>, vector<128x128xf32>
    %select_n3A_626 = arith.select %lt3A_622, %select_n3A_602, %select_n3A_621 : vector<128x128xi1>, vector<128x128xi32>
    %lt3A_627 = arith.cmpf olt, %select_n3A_625, %select_n3A_606 : vector<128x128xf32>
    %select_n3A_628 = arith.select %lt3A_627, %select_n3A_625, %select_n3A_606 : vector<128x128xi1>, vector<128x128xf32>
    %select_n3A_629 = arith.select %lt3A_627, %select_n3A_626, %select_n3A_607 : vector<128x128xi1>, vector<128x128xi32>
    %select_n3A_630 = arith.select %lt3A_627, %select_n3A_606, %select_n3A_625 : vector<128x128xi1>, vector<128x128xf32>
    %select_n3A_631 = arith.select %lt3A_627, %select_n3A_607, %select_n3A_626 : vector<128x128xi1>, vector<128x128xi32>
    %lt3A_632 = arith.cmpf olt, %select_n3A_630, %select_n3A_611 : vector<128x128xf32>
    %select_n3A_633 = arith.select %lt3A_632, %select_n3A_630, %select_n3A_611 : vector<128x128xi1>, vector<128x128xf32>
    %select_n3A_634 = arith.select %lt3A_632, %select_n3A_631, %select_n3A_612 : vector<128x128xi1>, vector<128x128xi32>
    %slice3A_635 = vector.extract_strided_slice %sqrt3A {offsets = [0, 3584], sizes = [128, 128], strides = [1, 1]} : vector<128x8192xf32> to vector<128x128xf32>
    %add3A_636 = arith.constant 3584 : i32
    %add3A_637 = vector.broadcast %add3A_636 : i32 to vector<128x128xi32>
    %add3A_638 = arith.addi %iota3A, %add3A_637 : vector<128x128xi32>
    %lt3A_639 = arith.cmpf olt, %slice3A_635, %select_n3A_618 : vector<128x128xf32>
    %select_n3A_640 = arith.select %lt3A_639, %slice3A_635, %select_n3A_618 : vector<128x128xi1>, vector<128x128xf32>
    %select_n3A_641 = arith.select %lt3A_639, %add3A_638, %select_n3A_619 : vector<128x128xi1>, vector<128x128xi32>
    %select_n3A_642 = arith.select %lt3A_639, %select_n3A_618, %slice3A_635 : vector<128x128xi1>, vector<128x128xf32>
    %select_n3A_643 = arith.select %lt3A_639, %select_n3A_619, %add3A_638 : vector<128x128xi1>, vector<128x128xi32>
    %lt3A_644 = arith.cmpf olt, %select_n3A_642, %select_n3A_623 : vector<128x128xf32>
    %select_n3A_645 = arith.select %lt3A_644, %select_n3A_642, %select_n3A_623 : vector<128x128xi1>, vector<128x128xf32>
    %select_n3A_646 = arith.select %lt3A_644, %select_n3A_643, %select_n3A_624 : vector<128x128xi1>, vector<128x128xi32>
    %select_n3A_647 = arith.select %lt3A_644, %select_n3A_623, %select_n3A_642 : vector<128x128xi1>, vector<128x128xf32>
    %select_n3A_648 = arith.select %lt3A_644, %select_n3A_624, %select_n3A_643 : vector<128x128xi1>, vector<128x128xi32>
    %lt3A_649 = arith.cmpf olt, %select_n3A_647, %select_n3A_628 : vector<128x128xf32>
    %select_n3A_650 = arith.select %lt3A_649, %select_n3A_647, %select_n3A_628 : vector<128x128xi1>, vector<128x128xf32>
    %select_n3A_651 = arith.select %lt3A_649, %select_n3A_648, %select_n3A_629 : vector<128x128xi1>, vector<128x128xi32>
    %select_n3A_652 = arith.select %lt3A_649, %select_n3A_628, %select_n3A_647 : vector<128x128xi1>, vector<128x128xf32>
    %select_n3A_653 = arith.select %lt3A_649, %select_n3A_629, %select_n3A_648 : vector<128x128xi1>, vector<128x128xi32>
    %lt3A_654 = arith.cmpf olt, %select_n3A_652, %select_n3A_633 : vector<128x128xf32>
    %select_n3A_655 = arith.select %lt3A_654, %select_n3A_652, %select_n3A_633 : vector<128x128xi1>, vector<128x128xf32>
    %select_n3A_656 = arith.select %lt3A_654, %select_n3A_653, %select_n3A_634 : vector<128x128xi1>, vector<128x128xi32>
    %slice3A_657 = vector.extract_strided_slice %sqrt3A {offsets = [0, 3712], sizes = [128, 128], strides = [1, 1]} : vector<128x8192xf32> to vector<128x128xf32>
    %add3A_658 = arith.constant 3712 : i32
    %add3A_659 = vector.broadcast %add3A_658 : i32 to vector<128x128xi32>
    %add3A_660 = arith.addi %iota3A, %add3A_659 : vector<128x128xi32>
    %lt3A_661 = arith.cmpf olt, %slice3A_657, %select_n3A_640 : vector<128x128xf32>
    %select_n3A_662 = arith.select %lt3A_661, %slice3A_657, %select_n3A_640 : vector<128x128xi1>, vector<128x128xf32>
    %select_n3A_663 = arith.select %lt3A_661, %add3A_660, %select_n3A_641 : vector<128x128xi1>, vector<128x128xi32>
    %select_n3A_664 = arith.select %lt3A_661, %select_n3A_640, %slice3A_657 : vector<128x128xi1>, vector<128x128xf32>
    %select_n3A_665 = arith.select %lt3A_661, %select_n3A_641, %add3A_660 : vector<128x128xi1>, vector<128x128xi32>
    %lt3A_666 = arith.cmpf olt, %select_n3A_664, %select_n3A_645 : vector<128x128xf32>
    %select_n3A_667 = arith.select %lt3A_666, %select_n3A_664, %select_n3A_645 : vector<128x128xi1>, vector<128x128xf32>
    %select_n3A_668 = arith.select %lt3A_666, %select_n3A_665, %select_n3A_646 : vector<128x128xi1>, vector<128x128xi32>
    %select_n3A_669 = arith.select %lt3A_666, %select_n3A_645, %select_n3A_664 : vector<128x128xi1>, vector<128x128xf32>
    %select_n3A_670 = arith.select %lt3A_666, %select_n3A_646, %select_n3A_665 : vector<128x128xi1>, vector<128x128xi32>
    %lt3A_671 = arith.cmpf olt, %select_n3A_669, %select_n3A_650 : vector<128x128xf32>
    %select_n3A_672 = arith.select %lt3A_671, %select_n3A_669, %select_n3A_650 : vector<128x128xi1>, vector<128x128xf32>
    %select_n3A_673 = arith.select %lt3A_671, %select_n3A_670, %select_n3A_651 : vector<128x128xi1>, vector<128x128xi32>
    %select_n3A_674 = arith.select %lt3A_671, %select_n3A_650, %select_n3A_669 : vector<128x128xi1>, vector<128x128xf32>
    %select_n3A_675 = arith.select %lt3A_671, %select_n3A_651, %select_n3A_670 : vector<128x128xi1>, vector<128x128xi32>
    %lt3A_676 = arith.cmpf olt, %select_n3A_674, %select_n3A_655 : vector<128x128xf32>
    %select_n3A_677 = arith.select %lt3A_676, %select_n3A_674, %select_n3A_655 : vector<128x128xi1>, vector<128x128xf32>
    %select_n3A_678 = arith.select %lt3A_676, %select_n3A_675, %select_n3A_656 : vector<128x128xi1>, vector<128x128xi32>
    %slice3A_679 = vector.extract_strided_slice %sqrt3A {offsets = [0, 3840], sizes = [128, 128], strides = [1, 1]} : vector<128x8192xf32> to vector<128x128xf32>
    %add3A_680 = arith.constant 3840 : i32
    %add3A_681 = vector.broadcast %add3A_680 : i32 to vector<128x128xi32>
    %add3A_682 = arith.addi %iota3A, %add3A_681 : vector<128x128xi32>
    %lt3A_683 = arith.cmpf olt, %slice3A_679, %select_n3A_662 : vector<128x128xf32>
    %select_n3A_684 = arith.select %lt3A_683, %slice3A_679, %select_n3A_662 : vector<128x128xi1>, vector<128x128xf32>
    %select_n3A_685 = arith.select %lt3A_683, %add3A_682, %select_n3A_663 : vector<128x128xi1>, vector<128x128xi32>
    %select_n3A_686 = arith.select %lt3A_683, %select_n3A_662, %slice3A_679 : vector<128x128xi1>, vector<128x128xf32>
    %select_n3A_687 = arith.select %lt3A_683, %select_n3A_663, %add3A_682 : vector<128x128xi1>, vector<128x128xi32>
    %lt3A_688 = arith.cmpf olt, %select_n3A_686, %select_n3A_667 : vector<128x128xf32>
    %select_n3A_689 = arith.select %lt3A_688, %select_n3A_686, %select_n3A_667 : vector<128x128xi1>, vector<128x128xf32>
    %select_n3A_690 = arith.select %lt3A_688, %select_n3A_687, %select_n3A_668 : vector<128x128xi1>, vector<128x128xi32>
    %select_n3A_691 = arith.select %lt3A_688, %select_n3A_667, %select_n3A_686 : vector<128x128xi1>, vector<128x128xf32>
    %select_n3A_692 = arith.select %lt3A_688, %select_n3A_668, %select_n3A_687 : vector<128x128xi1>, vector<128x128xi32>
    %lt3A_693 = arith.cmpf olt, %select_n3A_691, %select_n3A_672 : vector<128x128xf32>
    %select_n3A_694 = arith.select %lt3A_693, %select_n3A_691, %select_n3A_672 : vector<128x128xi1>, vector<128x128xf32>
    %select_n3A_695 = arith.select %lt3A_693, %select_n3A_692, %select_n3A_673 : vector<128x128xi1>, vector<128x128xi32>
    %select_n3A_696 = arith.select %lt3A_693, %select_n3A_672, %select_n3A_691 : vector<128x128xi1>, vector<128x128xf32>
    %select_n3A_697 = arith.select %lt3A_693, %select_n3A_673, %select_n3A_692 : vector<128x128xi1>, vector<128x128xi32>
    %lt3A_698 = arith.cmpf olt, %select_n3A_696, %select_n3A_677 : vector<128x128xf32>
    %select_n3A_699 = arith.select %lt3A_698, %select_n3A_696, %select_n3A_677 : vector<128x128xi1>, vector<128x128xf32>
    %select_n3A_700 = arith.select %lt3A_698, %select_n3A_697, %select_n3A_678 : vector<128x128xi1>, vector<128x128xi32>
    %slice3A_701 = vector.extract_strided_slice %sqrt3A {offsets = [0, 3968], sizes = [128, 128], strides = [1, 1]} : vector<128x8192xf32> to vector<128x128xf32>
    %add3A_702 = arith.constant 3968 : i32
    %add3A_703 = vector.broadcast %add3A_702 : i32 to vector<128x128xi32>
    %add3A_704 = arith.addi %iota3A, %add3A_703 : vector<128x128xi32>
    %lt3A_705 = arith.cmpf olt, %slice3A_701, %select_n3A_684 : vector<128x128xf32>
    %select_n3A_706 = arith.select %lt3A_705, %slice3A_701, %select_n3A_684 : vector<128x128xi1>, vector<128x128xf32>
    %select_n3A_707 = arith.select %lt3A_705, %add3A_704, %select_n3A_685 : vector<128x128xi1>, vector<128x128xi32>
    %select_n3A_708 = arith.select %lt3A_705, %select_n3A_684, %slice3A_701 : vector<128x128xi1>, vector<128x128xf32>
    %select_n3A_709 = arith.select %lt3A_705, %select_n3A_685, %add3A_704 : vector<128x128xi1>, vector<128x128xi32>
    %lt3A_710 = arith.cmpf olt, %select_n3A_708, %select_n3A_689 : vector<128x128xf32>
    %select_n3A_711 = arith.select %lt3A_710, %select_n3A_708, %select_n3A_689 : vector<128x128xi1>, vector<128x128xf32>
    %select_n3A_712 = arith.select %lt3A_710, %select_n3A_709, %select_n3A_690 : vector<128x128xi1>, vector<128x128xi32>
    %select_n3A_713 = arith.select %lt3A_710, %select_n3A_689, %select_n3A_708 : vector<128x128xi1>, vector<128x128xf32>
    %select_n3A_714 = arith.select %lt3A_710, %select_n3A_690, %select_n3A_709 : vector<128x128xi1>, vector<128x128xi32>
    %lt3A_715 = arith.cmpf olt, %select_n3A_713, %select_n3A_694 : vector<128x128xf32>
    %select_n3A_716 = arith.select %lt3A_715, %select_n3A_713, %select_n3A_694 : vector<128x128xi1>, vector<128x128xf32>
    %select_n3A_717 = arith.select %lt3A_715, %select_n3A_714, %select_n3A_695 : vector<128x128xi1>, vector<128x128xi32>
    %select_n3A_718 = arith.select %lt3A_715, %select_n3A_694, %select_n3A_713 : vector<128x128xi1>, vector<128x128xf32>
    %select_n3A_719 = arith.select %lt3A_715, %select_n3A_695, %select_n3A_714 : vector<128x128xi1>, vector<128x128xi32>
    %lt3A_720 = arith.cmpf olt, %select_n3A_718, %select_n3A_699 : vector<128x128xf32>
    %select_n3A_721 = arith.select %lt3A_720, %select_n3A_718, %select_n3A_699 : vector<128x128xi1>, vector<128x128xf32>
    %select_n3A_722 = arith.select %lt3A_720, %select_n3A_719, %select_n3A_700 : vector<128x128xi1>, vector<128x128xi32>
    %slice3A_723 = vector.extract_strided_slice %sqrt3A {offsets = [0, 4096], sizes = [128, 128], strides = [1, 1]} : vector<128x8192xf32> to vector<128x128xf32>
    %add3A_724 = arith.constant 4096 : i32
    %add3A_725 = vector.broadcast %add3A_724 : i32 to vector<128x128xi32>
    %add3A_726 = arith.addi %iota3A, %add3A_725 : vector<128x128xi32>
    %lt3A_727 = arith.cmpf olt, %slice3A_723, %select_n3A_706 : vector<128x128xf32>
    %select_n3A_728 = arith.select %lt3A_727, %slice3A_723, %select_n3A_706 : vector<128x128xi1>, vector<128x128xf32>
    %select_n3A_729 = arith.select %lt3A_727, %add3A_726, %select_n3A_707 : vector<128x128xi1>, vector<128x128xi32>
    %select_n3A_730 = arith.select %lt3A_727, %select_n3A_706, %slice3A_723 : vector<128x128xi1>, vector<128x128xf32>
    %select_n3A_731 = arith.select %lt3A_727, %select_n3A_707, %add3A_726 : vector<128x128xi1>, vector<128x128xi32>
    %lt3A_732 = arith.cmpf olt, %select_n3A_730, %select_n3A_711 : vector<128x128xf32>
    %select_n3A_733 = arith.select %lt3A_732, %select_n3A_730, %select_n3A_711 : vector<128x128xi1>, vector<128x128xf32>
    %select_n3A_734 = arith.select %lt3A_732, %select_n3A_731, %select_n3A_712 : vector<128x128xi1>, vector<128x128xi32>
    %select_n3A_735 = arith.select %lt3A_732, %select_n3A_711, %select_n3A_730 : vector<128x128xi1>, vector<128x128xf32>
    %select_n3A_736 = arith.select %lt3A_732, %select_n3A_712, %select_n3A_731 : vector<128x128xi1>, vector<128x128xi32>
    %lt3A_737 = arith.cmpf olt, %select_n3A_735, %select_n3A_716 : vector<128x128xf32>
    %select_n3A_738 = arith.select %lt3A_737, %select_n3A_735, %select_n3A_716 : vector<128x128xi1>, vector<128x128xf32>
    %select_n3A_739 = arith.select %lt3A_737, %select_n3A_736, %select_n3A_717 : vector<128x128xi1>, vector<128x128xi32>
    %select_n3A_740 = arith.select %lt3A_737, %select_n3A_716, %select_n3A_735 : vector<128x128xi1>, vector<128x128xf32>
    %select_n3A_741 = arith.select %lt3A_737, %select_n3A_717, %select_n3A_736 : vector<128x128xi1>, vector<128x128xi32>
    %lt3A_742 = arith.cmpf olt, %select_n3A_740, %select_n3A_721 : vector<128x128xf32>
    %select_n3A_743 = arith.select %lt3A_742, %select_n3A_740, %select_n3A_721 : vector<128x128xi1>, vector<128x128xf32>
    %select_n3A_744 = arith.select %lt3A_742, %select_n3A_741, %select_n3A_722 : vector<128x128xi1>, vector<128x128xi32>
    %slice3A_745 = vector.extract_strided_slice %sqrt3A {offsets = [0, 4224], sizes = [128, 128], strides = [1, 1]} : vector<128x8192xf32> to vector<128x128xf32>
    %add3A_746 = arith.constant 4224 : i32
    %add3A_747 = vector.broadcast %add3A_746 : i32 to vector<128x128xi32>
    %add3A_748 = arith.addi %iota3A, %add3A_747 : vector<128x128xi32>
    %lt3A_749 = arith.cmpf olt, %slice3A_745, %select_n3A_728 : vector<128x128xf32>
    %select_n3A_750 = arith.select %lt3A_749, %slice3A_745, %select_n3A_728 : vector<128x128xi1>, vector<128x128xf32>
    %select_n3A_751 = arith.select %lt3A_749, %add3A_748, %select_n3A_729 : vector<128x128xi1>, vector<128x128xi32>
    %select_n3A_752 = arith.select %lt3A_749, %select_n3A_728, %slice3A_745 : vector<128x128xi1>, vector<128x128xf32>
    %select_n3A_753 = arith.select %lt3A_749, %select_n3A_729, %add3A_748 : vector<128x128xi1>, vector<128x128xi32>
    %lt3A_754 = arith.cmpf olt, %select_n3A_752, %select_n3A_733 : vector<128x128xf32>
    %select_n3A_755 = arith.select %lt3A_754, %select_n3A_752, %select_n3A_733 : vector<128x128xi1>, vector<128x128xf32>
    %select_n3A_756 = arith.select %lt3A_754, %select_n3A_753, %select_n3A_734 : vector<128x128xi1>, vector<128x128xi32>
    %select_n3A_757 = arith.select %lt3A_754, %select_n3A_733, %select_n3A_752 : vector<128x128xi1>, vector<128x128xf32>
    %select_n3A_758 = arith.select %lt3A_754, %select_n3A_734, %select_n3A_753 : vector<128x128xi1>, vector<128x128xi32>
    %lt3A_759 = arith.cmpf olt, %select_n3A_757, %select_n3A_738 : vector<128x128xf32>
    %select_n3A_760 = arith.select %lt3A_759, %select_n3A_757, %select_n3A_738 : vector<128x128xi1>, vector<128x128xf32>
    %select_n3A_761 = arith.select %lt3A_759, %select_n3A_758, %select_n3A_739 : vector<128x128xi1>, vector<128x128xi32>
    %select_n3A_762 = arith.select %lt3A_759, %select_n3A_738, %select_n3A_757 : vector<128x128xi1>, vector<128x128xf32>
    %select_n3A_763 = arith.select %lt3A_759, %select_n3A_739, %select_n3A_758 : vector<128x128xi1>, vector<128x128xi32>
    %lt3A_764 = arith.cmpf olt, %select_n3A_762, %select_n3A_743 : vector<128x128xf32>
    %select_n3A_765 = arith.select %lt3A_764, %select_n3A_762, %select_n3A_743 : vector<128x128xi1>, vector<128x128xf32>
    %select_n3A_766 = arith.select %lt3A_764, %select_n3A_763, %select_n3A_744 : vector<128x128xi1>, vector<128x128xi32>
    %slice3A_767 = vector.extract_strided_slice %sqrt3A {offsets = [0, 4352], sizes = [128, 128], strides = [1, 1]} : vector<128x8192xf32> to vector<128x128xf32>
    %add3A_768 = arith.constant 4352 : i32
    %add3A_769 = vector.broadcast %add3A_768 : i32 to vector<128x128xi32>
    %add3A_770 = arith.addi %iota3A, %add3A_769 : vector<128x128xi32>
    %lt3A_771 = arith.cmpf olt, %slice3A_767, %select_n3A_750 : vector<128x128xf32>
    %select_n3A_772 = arith.select %lt3A_771, %slice3A_767, %select_n3A_750 : vector<128x128xi1>, vector<128x128xf32>
    %select_n3A_773 = arith.select %lt3A_771, %add3A_770, %select_n3A_751 : vector<128x128xi1>, vector<128x128xi32>
    %select_n3A_774 = arith.select %lt3A_771, %select_n3A_750, %slice3A_767 : vector<128x128xi1>, vector<128x128xf32>
    %select_n3A_775 = arith.select %lt3A_771, %select_n3A_751, %add3A_770 : vector<128x128xi1>, vector<128x128xi32>
    %lt3A_776 = arith.cmpf olt, %select_n3A_774, %select_n3A_755 : vector<128x128xf32>
    %select_n3A_777 = arith.select %lt3A_776, %select_n3A_774, %select_n3A_755 : vector<128x128xi1>, vector<128x128xf32>
    %select_n3A_778 = arith.select %lt3A_776, %select_n3A_775, %select_n3A_756 : vector<128x128xi1>, vector<128x128xi32>
    %select_n3A_779 = arith.select %lt3A_776, %select_n3A_755, %select_n3A_774 : vector<128x128xi1>, vector<128x128xf32>
    %select_n3A_780 = arith.select %lt3A_776, %select_n3A_756, %select_n3A_775 : vector<128x128xi1>, vector<128x128xi32>
    %lt3A_781 = arith.cmpf olt, %select_n3A_779, %select_n3A_760 : vector<128x128xf32>
    %select_n3A_782 = arith.select %lt3A_781, %select_n3A_779, %select_n3A_760 : vector<128x128xi1>, vector<128x128xf32>
    %select_n3A_783 = arith.select %lt3A_781, %select_n3A_780, %select_n3A_761 : vector<128x128xi1>, vector<128x128xi32>
    %select_n3A_784 = arith.select %lt3A_781, %select_n3A_760, %select_n3A_779 : vector<128x128xi1>, vector<128x128xf32>
    %select_n3A_785 = arith.select %lt3A_781, %select_n3A_761, %select_n3A_780 : vector<128x128xi1>, vector<128x128xi32>
    %lt3A_786 = arith.cmpf olt, %select_n3A_784, %select_n3A_765 : vector<128x128xf32>
    %select_n3A_787 = arith.select %lt3A_786, %select_n3A_784, %select_n3A_765 : vector<128x128xi1>, vector<128x128xf32>
    %select_n3A_788 = arith.select %lt3A_786, %select_n3A_785, %select_n3A_766 : vector<128x128xi1>, vector<128x128xi32>
    %slice3A_789 = vector.extract_strided_slice %sqrt3A {offsets = [0, 4480], sizes = [128, 128], strides = [1, 1]} : vector<128x8192xf32> to vector<128x128xf32>
    %add3A_790 = arith.constant 4480 : i32
    %add3A_791 = vector.broadcast %add3A_790 : i32 to vector<128x128xi32>
    %add3A_792 = arith.addi %iota3A, %add3A_791 : vector<128x128xi32>
    %lt3A_793 = arith.cmpf olt, %slice3A_789, %select_n3A_772 : vector<128x128xf32>
    %select_n3A_794 = arith.select %lt3A_793, %slice3A_789, %select_n3A_772 : vector<128x128xi1>, vector<128x128xf32>
    %select_n3A_795 = arith.select %lt3A_793, %add3A_792, %select_n3A_773 : vector<128x128xi1>, vector<128x128xi32>
    %select_n3A_796 = arith.select %lt3A_793, %select_n3A_772, %slice3A_789 : vector<128x128xi1>, vector<128x128xf32>
    %select_n3A_797 = arith.select %lt3A_793, %select_n3A_773, %add3A_792 : vector<128x128xi1>, vector<128x128xi32>
    %lt3A_798 = arith.cmpf olt, %select_n3A_796, %select_n3A_777 : vector<128x128xf32>
    %select_n3A_799 = arith.select %lt3A_798, %select_n3A_796, %select_n3A_777 : vector<128x128xi1>, vector<128x128xf32>
    %select_n3A_800 = arith.select %lt3A_798, %select_n3A_797, %select_n3A_778 : vector<128x128xi1>, vector<128x128xi32>
    %select_n3A_801 = arith.select %lt3A_798, %select_n3A_777, %select_n3A_796 : vector<128x128xi1>, vector<128x128xf32>
    %select_n3A_802 = arith.select %lt3A_798, %select_n3A_778, %select_n3A_797 : vector<128x128xi1>, vector<128x128xi32>
    %lt3A_803 = arith.cmpf olt, %select_n3A_801, %select_n3A_782 : vector<128x128xf32>
    %select_n3A_804 = arith.select %lt3A_803, %select_n3A_801, %select_n3A_782 : vector<128x128xi1>, vector<128x128xf32>
    %select_n3A_805 = arith.select %lt3A_803, %select_n3A_802, %select_n3A_783 : vector<128x128xi1>, vector<128x128xi32>
    %select_n3A_806 = arith.select %lt3A_803, %select_n3A_782, %select_n3A_801 : vector<128x128xi1>, vector<128x128xf32>
    %select_n3A_807 = arith.select %lt3A_803, %select_n3A_783, %select_n3A_802 : vector<128x128xi1>, vector<128x128xi32>
    %lt3A_808 = arith.cmpf olt, %select_n3A_806, %select_n3A_787 : vector<128x128xf32>
    %select_n3A_809 = arith.select %lt3A_808, %select_n3A_806, %select_n3A_787 : vector<128x128xi1>, vector<128x128xf32>
    %select_n3A_810 = arith.select %lt3A_808, %select_n3A_807, %select_n3A_788 : vector<128x128xi1>, vector<128x128xi32>
    %slice3A_811 = vector.extract_strided_slice %sqrt3A {offsets = [0, 4608], sizes = [128, 128], strides = [1, 1]} : vector<128x8192xf32> to vector<128x128xf32>
    %add3A_812 = arith.constant 4608 : i32
    %add3A_813 = vector.broadcast %add3A_812 : i32 to vector<128x128xi32>
    %add3A_814 = arith.addi %iota3A, %add3A_813 : vector<128x128xi32>
    %lt3A_815 = arith.cmpf olt, %slice3A_811, %select_n3A_794 : vector<128x128xf32>
    %select_n3A_816 = arith.select %lt3A_815, %slice3A_811, %select_n3A_794 : vector<128x128xi1>, vector<128x128xf32>
    %select_n3A_817 = arith.select %lt3A_815, %add3A_814, %select_n3A_795 : vector<128x128xi1>, vector<128x128xi32>
    %select_n3A_818 = arith.select %lt3A_815, %select_n3A_794, %slice3A_811 : vector<128x128xi1>, vector<128x128xf32>
    %select_n3A_819 = arith.select %lt3A_815, %select_n3A_795, %add3A_814 : vector<128x128xi1>, vector<128x128xi32>
    %lt3A_820 = arith.cmpf olt, %select_n3A_818, %select_n3A_799 : vector<128x128xf32>
    %select_n3A_821 = arith.select %lt3A_820, %select_n3A_818, %select_n3A_799 : vector<128x128xi1>, vector<128x128xf32>
    %select_n3A_822 = arith.select %lt3A_820, %select_n3A_819, %select_n3A_800 : vector<128x128xi1>, vector<128x128xi32>
    %select_n3A_823 = arith.select %lt3A_820, %select_n3A_799, %select_n3A_818 : vector<128x128xi1>, vector<128x128xf32>
    %select_n3A_824 = arith.select %lt3A_820, %select_n3A_800, %select_n3A_819 : vector<128x128xi1>, vector<128x128xi32>
    %lt3A_825 = arith.cmpf olt, %select_n3A_823, %select_n3A_804 : vector<128x128xf32>
    %select_n3A_826 = arith.select %lt3A_825, %select_n3A_823, %select_n3A_804 : vector<128x128xi1>, vector<128x128xf32>
    %select_n3A_827 = arith.select %lt3A_825, %select_n3A_824, %select_n3A_805 : vector<128x128xi1>, vector<128x128xi32>
    %select_n3A_828 = arith.select %lt3A_825, %select_n3A_804, %select_n3A_823 : vector<128x128xi1>, vector<128x128xf32>
    %select_n3A_829 = arith.select %lt3A_825, %select_n3A_805, %select_n3A_824 : vector<128x128xi1>, vector<128x128xi32>
    %lt3A_830 = arith.cmpf olt, %select_n3A_828, %select_n3A_809 : vector<128x128xf32>
    %select_n3A_831 = arith.select %lt3A_830, %select_n3A_828, %select_n3A_809 : vector<128x128xi1>, vector<128x128xf32>
    %select_n3A_832 = arith.select %lt3A_830, %select_n3A_829, %select_n3A_810 : vector<128x128xi1>, vector<128x128xi32>
    %slice3A_833 = vector.extract_strided_slice %sqrt3A {offsets = [0, 4736], sizes = [128, 128], strides = [1, 1]} : vector<128x8192xf32> to vector<128x128xf32>
    %add3A_834 = arith.constant 4736 : i32
    %add3A_835 = vector.broadcast %add3A_834 : i32 to vector<128x128xi32>
    %add3A_836 = arith.addi %iota3A, %add3A_835 : vector<128x128xi32>
    %lt3A_837 = arith.cmpf olt, %slice3A_833, %select_n3A_816 : vector<128x128xf32>
    %select_n3A_838 = arith.select %lt3A_837, %slice3A_833, %select_n3A_816 : vector<128x128xi1>, vector<128x128xf32>
    %select_n3A_839 = arith.select %lt3A_837, %add3A_836, %select_n3A_817 : vector<128x128xi1>, vector<128x128xi32>
    %select_n3A_840 = arith.select %lt3A_837, %select_n3A_816, %slice3A_833 : vector<128x128xi1>, vector<128x128xf32>
    %select_n3A_841 = arith.select %lt3A_837, %select_n3A_817, %add3A_836 : vector<128x128xi1>, vector<128x128xi32>
    %lt3A_842 = arith.cmpf olt, %select_n3A_840, %select_n3A_821 : vector<128x128xf32>
    %select_n3A_843 = arith.select %lt3A_842, %select_n3A_840, %select_n3A_821 : vector<128x128xi1>, vector<128x128xf32>
    %select_n3A_844 = arith.select %lt3A_842, %select_n3A_841, %select_n3A_822 : vector<128x128xi1>, vector<128x128xi32>
    %select_n3A_845 = arith.select %lt3A_842, %select_n3A_821, %select_n3A_840 : vector<128x128xi1>, vector<128x128xf32>
    %select_n3A_846 = arith.select %lt3A_842, %select_n3A_822, %select_n3A_841 : vector<128x128xi1>, vector<128x128xi32>
    %lt3A_847 = arith.cmpf olt, %select_n3A_845, %select_n3A_826 : vector<128x128xf32>
    %select_n3A_848 = arith.select %lt3A_847, %select_n3A_845, %select_n3A_826 : vector<128x128xi1>, vector<128x128xf32>
    %select_n3A_849 = arith.select %lt3A_847, %select_n3A_846, %select_n3A_827 : vector<128x128xi1>, vector<128x128xi32>
    %select_n3A_850 = arith.select %lt3A_847, %select_n3A_826, %select_n3A_845 : vector<128x128xi1>, vector<128x128xf32>
    %select_n3A_851 = arith.select %lt3A_847, %select_n3A_827, %select_n3A_846 : vector<128x128xi1>, vector<128x128xi32>
    %lt3A_852 = arith.cmpf olt, %select_n3A_850, %select_n3A_831 : vector<128x128xf32>
    %select_n3A_853 = arith.select %lt3A_852, %select_n3A_850, %select_n3A_831 : vector<128x128xi1>, vector<128x128xf32>
    %select_n3A_854 = arith.select %lt3A_852, %select_n3A_851, %select_n3A_832 : vector<128x128xi1>, vector<128x128xi32>
    %slice3A_855 = vector.extract_strided_slice %sqrt3A {offsets = [0, 4864], sizes = [128, 128], strides = [1, 1]} : vector<128x8192xf32> to vector<128x128xf32>
    %add3A_856 = arith.constant 4864 : i32
    %add3A_857 = vector.broadcast %add3A_856 : i32 to vector<128x128xi32>
    %add3A_858 = arith.addi %iota3A, %add3A_857 : vector<128x128xi32>
    %lt3A_859 = arith.cmpf olt, %slice3A_855, %select_n3A_838 : vector<128x128xf32>
    %select_n3A_860 = arith.select %lt3A_859, %slice3A_855, %select_n3A_838 : vector<128x128xi1>, vector<128x128xf32>
    %select_n3A_861 = arith.select %lt3A_859, %add3A_858, %select_n3A_839 : vector<128x128xi1>, vector<128x128xi32>
    %select_n3A_862 = arith.select %lt3A_859, %select_n3A_838, %slice3A_855 : vector<128x128xi1>, vector<128x128xf32>
    %select_n3A_863 = arith.select %lt3A_859, %select_n3A_839, %add3A_858 : vector<128x128xi1>, vector<128x128xi32>
    %lt3A_864 = arith.cmpf olt, %select_n3A_862, %select_n3A_843 : vector<128x128xf32>
    %select_n3A_865 = arith.select %lt3A_864, %select_n3A_862, %select_n3A_843 : vector<128x128xi1>, vector<128x128xf32>
    %select_n3A_866 = arith.select %lt3A_864, %select_n3A_863, %select_n3A_844 : vector<128x128xi1>, vector<128x128xi32>
    %select_n3A_867 = arith.select %lt3A_864, %select_n3A_843, %select_n3A_862 : vector<128x128xi1>, vector<128x128xf32>
    %select_n3A_868 = arith.select %lt3A_864, %select_n3A_844, %select_n3A_863 : vector<128x128xi1>, vector<128x128xi32>
    %lt3A_869 = arith.cmpf olt, %select_n3A_867, %select_n3A_848 : vector<128x128xf32>
    %select_n3A_870 = arith.select %lt3A_869, %select_n3A_867, %select_n3A_848 : vector<128x128xi1>, vector<128x128xf32>
    %select_n3A_871 = arith.select %lt3A_869, %select_n3A_868, %select_n3A_849 : vector<128x128xi1>, vector<128x128xi32>
    %select_n3A_872 = arith.select %lt3A_869, %select_n3A_848, %select_n3A_867 : vector<128x128xi1>, vector<128x128xf32>
    %select_n3A_873 = arith.select %lt3A_869, %select_n3A_849, %select_n3A_868 : vector<128x128xi1>, vector<128x128xi32>
    %lt3A_874 = arith.cmpf olt, %select_n3A_872, %select_n3A_853 : vector<128x128xf32>
    %select_n3A_875 = arith.select %lt3A_874, %select_n3A_872, %select_n3A_853 : vector<128x128xi1>, vector<128x128xf32>
    %select_n3A_876 = arith.select %lt3A_874, %select_n3A_873, %select_n3A_854 : vector<128x128xi1>, vector<128x128xi32>
    %slice3A_877 = vector.extract_strided_slice %sqrt3A {offsets = [0, 4992], sizes = [128, 128], strides = [1, 1]} : vector<128x8192xf32> to vector<128x128xf32>
    %add3A_878 = arith.constant 4992 : i32
    %add3A_879 = vector.broadcast %add3A_878 : i32 to vector<128x128xi32>
    %add3A_880 = arith.addi %iota3A, %add3A_879 : vector<128x128xi32>
    %lt3A_881 = arith.cmpf olt, %slice3A_877, %select_n3A_860 : vector<128x128xf32>
    %select_n3A_882 = arith.select %lt3A_881, %slice3A_877, %select_n3A_860 : vector<128x128xi1>, vector<128x128xf32>
    %select_n3A_883 = arith.select %lt3A_881, %add3A_880, %select_n3A_861 : vector<128x128xi1>, vector<128x128xi32>
    %select_n3A_884 = arith.select %lt3A_881, %select_n3A_860, %slice3A_877 : vector<128x128xi1>, vector<128x128xf32>
    %select_n3A_885 = arith.select %lt3A_881, %select_n3A_861, %add3A_880 : vector<128x128xi1>, vector<128x128xi32>
    %lt3A_886 = arith.cmpf olt, %select_n3A_884, %select_n3A_865 : vector<128x128xf32>
    %select_n3A_887 = arith.select %lt3A_886, %select_n3A_884, %select_n3A_865 : vector<128x128xi1>, vector<128x128xf32>
    %select_n3A_888 = arith.select %lt3A_886, %select_n3A_885, %select_n3A_866 : vector<128x128xi1>, vector<128x128xi32>
    %select_n3A_889 = arith.select %lt3A_886, %select_n3A_865, %select_n3A_884 : vector<128x128xi1>, vector<128x128xf32>
    %select_n3A_890 = arith.select %lt3A_886, %select_n3A_866, %select_n3A_885 : vector<128x128xi1>, vector<128x128xi32>
    %lt3A_891 = arith.cmpf olt, %select_n3A_889, %select_n3A_870 : vector<128x128xf32>
    %select_n3A_892 = arith.select %lt3A_891, %select_n3A_889, %select_n3A_870 : vector<128x128xi1>, vector<128x128xf32>
    %select_n3A_893 = arith.select %lt3A_891, %select_n3A_890, %select_n3A_871 : vector<128x128xi1>, vector<128x128xi32>
    %select_n3A_894 = arith.select %lt3A_891, %select_n3A_870, %select_n3A_889 : vector<128x128xi1>, vector<128x128xf32>
    %select_n3A_895 = arith.select %lt3A_891, %select_n3A_871, %select_n3A_890 : vector<128x128xi1>, vector<128x128xi32>
    %lt3A_896 = arith.cmpf olt, %select_n3A_894, %select_n3A_875 : vector<128x128xf32>
    %select_n3A_897 = arith.select %lt3A_896, %select_n3A_894, %select_n3A_875 : vector<128x128xi1>, vector<128x128xf32>
    %select_n3A_898 = arith.select %lt3A_896, %select_n3A_895, %select_n3A_876 : vector<128x128xi1>, vector<128x128xi32>
    %slice3A_899 = vector.extract_strided_slice %sqrt3A {offsets = [0, 5120], sizes = [128, 128], strides = [1, 1]} : vector<128x8192xf32> to vector<128x128xf32>
    %add3A_900 = arith.constant 5120 : i32
    %add3A_901 = vector.broadcast %add3A_900 : i32 to vector<128x128xi32>
    %add3A_902 = arith.addi %iota3A, %add3A_901 : vector<128x128xi32>
    %lt3A_903 = arith.cmpf olt, %slice3A_899, %select_n3A_882 : vector<128x128xf32>
    %select_n3A_904 = arith.select %lt3A_903, %slice3A_899, %select_n3A_882 : vector<128x128xi1>, vector<128x128xf32>
    %select_n3A_905 = arith.select %lt3A_903, %add3A_902, %select_n3A_883 : vector<128x128xi1>, vector<128x128xi32>
    %select_n3A_906 = arith.select %lt3A_903, %select_n3A_882, %slice3A_899 : vector<128x128xi1>, vector<128x128xf32>
    %select_n3A_907 = arith.select %lt3A_903, %select_n3A_883, %add3A_902 : vector<128x128xi1>, vector<128x128xi32>
    %lt3A_908 = arith.cmpf olt, %select_n3A_906, %select_n3A_887 : vector<128x128xf32>
    %select_n3A_909 = arith.select %lt3A_908, %select_n3A_906, %select_n3A_887 : vector<128x128xi1>, vector<128x128xf32>
    %select_n3A_910 = arith.select %lt3A_908, %select_n3A_907, %select_n3A_888 : vector<128x128xi1>, vector<128x128xi32>
    %select_n3A_911 = arith.select %lt3A_908, %select_n3A_887, %select_n3A_906 : vector<128x128xi1>, vector<128x128xf32>
    %select_n3A_912 = arith.select %lt3A_908, %select_n3A_888, %select_n3A_907 : vector<128x128xi1>, vector<128x128xi32>
    %lt3A_913 = arith.cmpf olt, %select_n3A_911, %select_n3A_892 : vector<128x128xf32>
    %select_n3A_914 = arith.select %lt3A_913, %select_n3A_911, %select_n3A_892 : vector<128x128xi1>, vector<128x128xf32>
    %select_n3A_915 = arith.select %lt3A_913, %select_n3A_912, %select_n3A_893 : vector<128x128xi1>, vector<128x128xi32>
    %select_n3A_916 = arith.select %lt3A_913, %select_n3A_892, %select_n3A_911 : vector<128x128xi1>, vector<128x128xf32>
    %select_n3A_917 = arith.select %lt3A_913, %select_n3A_893, %select_n3A_912 : vector<128x128xi1>, vector<128x128xi32>
    %lt3A_918 = arith.cmpf olt, %select_n3A_916, %select_n3A_897 : vector<128x128xf32>
    %select_n3A_919 = arith.select %lt3A_918, %select_n3A_916, %select_n3A_897 : vector<128x128xi1>, vector<128x128xf32>
    %select_n3A_920 = arith.select %lt3A_918, %select_n3A_917, %select_n3A_898 : vector<128x128xi1>, vector<128x128xi32>
    %slice3A_921 = vector.extract_strided_slice %sqrt3A {offsets = [0, 5248], sizes = [128, 128], strides = [1, 1]} : vector<128x8192xf32> to vector<128x128xf32>
    %add3A_922 = arith.constant 5248 : i32
    %add3A_923 = vector.broadcast %add3A_922 : i32 to vector<128x128xi32>
    %add3A_924 = arith.addi %iota3A, %add3A_923 : vector<128x128xi32>
    %lt3A_925 = arith.cmpf olt, %slice3A_921, %select_n3A_904 : vector<128x128xf32>
    %select_n3A_926 = arith.select %lt3A_925, %slice3A_921, %select_n3A_904 : vector<128x128xi1>, vector<128x128xf32>
    %select_n3A_927 = arith.select %lt3A_925, %add3A_924, %select_n3A_905 : vector<128x128xi1>, vector<128x128xi32>
    %select_n3A_928 = arith.select %lt3A_925, %select_n3A_904, %slice3A_921 : vector<128x128xi1>, vector<128x128xf32>
    %select_n3A_929 = arith.select %lt3A_925, %select_n3A_905, %add3A_924 : vector<128x128xi1>, vector<128x128xi32>
    %lt3A_930 = arith.cmpf olt, %select_n3A_928, %select_n3A_909 : vector<128x128xf32>
    %select_n3A_931 = arith.select %lt3A_930, %select_n3A_928, %select_n3A_909 : vector<128x128xi1>, vector<128x128xf32>
    %select_n3A_932 = arith.select %lt3A_930, %select_n3A_929, %select_n3A_910 : vector<128x128xi1>, vector<128x128xi32>
    %select_n3A_933 = arith.select %lt3A_930, %select_n3A_909, %select_n3A_928 : vector<128x128xi1>, vector<128x128xf32>
    %select_n3A_934 = arith.select %lt3A_930, %select_n3A_910, %select_n3A_929 : vector<128x128xi1>, vector<128x128xi32>
    %lt3A_935 = arith.cmpf olt, %select_n3A_933, %select_n3A_914 : vector<128x128xf32>
    %select_n3A_936 = arith.select %lt3A_935, %select_n3A_933, %select_n3A_914 : vector<128x128xi1>, vector<128x128xf32>
    %select_n3A_937 = arith.select %lt3A_935, %select_n3A_934, %select_n3A_915 : vector<128x128xi1>, vector<128x128xi32>
    %select_n3A_938 = arith.select %lt3A_935, %select_n3A_914, %select_n3A_933 : vector<128x128xi1>, vector<128x128xf32>
    %select_n3A_939 = arith.select %lt3A_935, %select_n3A_915, %select_n3A_934 : vector<128x128xi1>, vector<128x128xi32>
    %lt3A_940 = arith.cmpf olt, %select_n3A_938, %select_n3A_919 : vector<128x128xf32>
    %select_n3A_941 = arith.select %lt3A_940, %select_n3A_938, %select_n3A_919 : vector<128x128xi1>, vector<128x128xf32>
    %select_n3A_942 = arith.select %lt3A_940, %select_n3A_939, %select_n3A_920 : vector<128x128xi1>, vector<128x128xi32>
    %slice3A_943 = vector.extract_strided_slice %sqrt3A {offsets = [0, 5376], sizes = [128, 128], strides = [1, 1]} : vector<128x8192xf32> to vector<128x128xf32>
    %add3A_944 = arith.constant 5376 : i32
    %add3A_945 = vector.broadcast %add3A_944 : i32 to vector<128x128xi32>
    %add3A_946 = arith.addi %iota3A, %add3A_945 : vector<128x128xi32>
    %lt3A_947 = arith.cmpf olt, %slice3A_943, %select_n3A_926 : vector<128x128xf32>
    %select_n3A_948 = arith.select %lt3A_947, %slice3A_943, %select_n3A_926 : vector<128x128xi1>, vector<128x128xf32>
    %select_n3A_949 = arith.select %lt3A_947, %add3A_946, %select_n3A_927 : vector<128x128xi1>, vector<128x128xi32>
    %select_n3A_950 = arith.select %lt3A_947, %select_n3A_926, %slice3A_943 : vector<128x128xi1>, vector<128x128xf32>
    %select_n3A_951 = arith.select %lt3A_947, %select_n3A_927, %add3A_946 : vector<128x128xi1>, vector<128x128xi32>
    %lt3A_952 = arith.cmpf olt, %select_n3A_950, %select_n3A_931 : vector<128x128xf32>
    %select_n3A_953 = arith.select %lt3A_952, %select_n3A_950, %select_n3A_931 : vector<128x128xi1>, vector<128x128xf32>
    %select_n3A_954 = arith.select %lt3A_952, %select_n3A_951, %select_n3A_932 : vector<128x128xi1>, vector<128x128xi32>
    %select_n3A_955 = arith.select %lt3A_952, %select_n3A_931, %select_n3A_950 : vector<128x128xi1>, vector<128x128xf32>
    %select_n3A_956 = arith.select %lt3A_952, %select_n3A_932, %select_n3A_951 : vector<128x128xi1>, vector<128x128xi32>
    %lt3A_957 = arith.cmpf olt, %select_n3A_955, %select_n3A_936 : vector<128x128xf32>
    %select_n3A_958 = arith.select %lt3A_957, %select_n3A_955, %select_n3A_936 : vector<128x128xi1>, vector<128x128xf32>
    %select_n3A_959 = arith.select %lt3A_957, %select_n3A_956, %select_n3A_937 : vector<128x128xi1>, vector<128x128xi32>
    %select_n3A_960 = arith.select %lt3A_957, %select_n3A_936, %select_n3A_955 : vector<128x128xi1>, vector<128x128xf32>
    %select_n3A_961 = arith.select %lt3A_957, %select_n3A_937, %select_n3A_956 : vector<128x128xi1>, vector<128x128xi32>
    %lt3A_962 = arith.cmpf olt, %select_n3A_960, %select_n3A_941 : vector<128x128xf32>
    %select_n3A_963 = arith.select %lt3A_962, %select_n3A_960, %select_n3A_941 : vector<128x128xi1>, vector<128x128xf32>
    %select_n3A_964 = arith.select %lt3A_962, %select_n3A_961, %select_n3A_942 : vector<128x128xi1>, vector<128x128xi32>
    %slice3A_965 = vector.extract_strided_slice %sqrt3A {offsets = [0, 5504], sizes = [128, 128], strides = [1, 1]} : vector<128x8192xf32> to vector<128x128xf32>
    %add3A_966 = arith.constant 5504 : i32
    %add3A_967 = vector.broadcast %add3A_966 : i32 to vector<128x128xi32>
    %add3A_968 = arith.addi %iota3A, %add3A_967 : vector<128x128xi32>
    %lt3A_969 = arith.cmpf olt, %slice3A_965, %select_n3A_948 : vector<128x128xf32>
    %select_n3A_970 = arith.select %lt3A_969, %slice3A_965, %select_n3A_948 : vector<128x128xi1>, vector<128x128xf32>
    %select_n3A_971 = arith.select %lt3A_969, %add3A_968, %select_n3A_949 : vector<128x128xi1>, vector<128x128xi32>
    %select_n3A_972 = arith.select %lt3A_969, %select_n3A_948, %slice3A_965 : vector<128x128xi1>, vector<128x128xf32>
    %select_n3A_973 = arith.select %lt3A_969, %select_n3A_949, %add3A_968 : vector<128x128xi1>, vector<128x128xi32>
    %lt3A_974 = arith.cmpf olt, %select_n3A_972, %select_n3A_953 : vector<128x128xf32>
    %select_n3A_975 = arith.select %lt3A_974, %select_n3A_972, %select_n3A_953 : vector<128x128xi1>, vector<128x128xf32>
    %select_n3A_976 = arith.select %lt3A_974, %select_n3A_973, %select_n3A_954 : vector<128x128xi1>, vector<128x128xi32>
    %select_n3A_977 = arith.select %lt3A_974, %select_n3A_953, %select_n3A_972 : vector<128x128xi1>, vector<128x128xf32>
    %select_n3A_978 = arith.select %lt3A_974, %select_n3A_954, %select_n3A_973 : vector<128x128xi1>, vector<128x128xi32>
    %lt3A_979 = arith.cmpf olt, %select_n3A_977, %select_n3A_958 : vector<128x128xf32>
    %select_n3A_980 = arith.select %lt3A_979, %select_n3A_977, %select_n3A_958 : vector<128x128xi1>, vector<128x128xf32>
    %select_n3A_981 = arith.select %lt3A_979, %select_n3A_978, %select_n3A_959 : vector<128x128xi1>, vector<128x128xi32>
    %select_n3A_982 = arith.select %lt3A_979, %select_n3A_958, %select_n3A_977 : vector<128x128xi1>, vector<128x128xf32>
    %select_n3A_983 = arith.select %lt3A_979, %select_n3A_959, %select_n3A_978 : vector<128x128xi1>, vector<128x128xi32>
    %lt3A_984 = arith.cmpf olt, %select_n3A_982, %select_n3A_963 : vector<128x128xf32>
    %select_n3A_985 = arith.select %lt3A_984, %select_n3A_982, %select_n3A_963 : vector<128x128xi1>, vector<128x128xf32>
    %select_n3A_986 = arith.select %lt3A_984, %select_n3A_983, %select_n3A_964 : vector<128x128xi1>, vector<128x128xi32>
    %slice3A_987 = vector.extract_strided_slice %sqrt3A {offsets = [0, 5632], sizes = [128, 128], strides = [1, 1]} : vector<128x8192xf32> to vector<128x128xf32>
    %add3A_988 = arith.constant 5632 : i32
    %add3A_989 = vector.broadcast %add3A_988 : i32 to vector<128x128xi32>
    %add3A_990 = arith.addi %iota3A, %add3A_989 : vector<128x128xi32>
    %lt3A_991 = arith.cmpf olt, %slice3A_987, %select_n3A_970 : vector<128x128xf32>
    %select_n3A_992 = arith.select %lt3A_991, %slice3A_987, %select_n3A_970 : vector<128x128xi1>, vector<128x128xf32>
    %select_n3A_993 = arith.select %lt3A_991, %add3A_990, %select_n3A_971 : vector<128x128xi1>, vector<128x128xi32>
    %select_n3A_994 = arith.select %lt3A_991, %select_n3A_970, %slice3A_987 : vector<128x128xi1>, vector<128x128xf32>
    %select_n3A_995 = arith.select %lt3A_991, %select_n3A_971, %add3A_990 : vector<128x128xi1>, vector<128x128xi32>
    %lt3A_996 = arith.cmpf olt, %select_n3A_994, %select_n3A_975 : vector<128x128xf32>
    %select_n3A_997 = arith.select %lt3A_996, %select_n3A_994, %select_n3A_975 : vector<128x128xi1>, vector<128x128xf32>
    %select_n3A_998 = arith.select %lt3A_996, %select_n3A_995, %select_n3A_976 : vector<128x128xi1>, vector<128x128xi32>
    %select_n3A_999 = arith.select %lt3A_996, %select_n3A_975, %select_n3A_994 : vector<128x128xi1>, vector<128x128xf32>
    %select_n3A_1000 = arith.select %lt3A_996, %select_n3A_976, %select_n3A_995 : vector<128x128xi1>, vector<128x128xi32>
    %lt3A_1001 = arith.cmpf olt, %select_n3A_999, %select_n3A_980 : vector<128x128xf32>
    %select_n3A_1002 = arith.select %lt3A_1001, %select_n3A_999, %select_n3A_980 : vector<128x128xi1>, vector<128x128xf32>
    %select_n3A_1003 = arith.select %lt3A_1001, %select_n3A_1000, %select_n3A_981 : vector<128x128xi1>, vector<128x128xi32>
    %select_n3A_1004 = arith.select %lt3A_1001, %select_n3A_980, %select_n3A_999 : vector<128x128xi1>, vector<128x128xf32>
    %select_n3A_1005 = arith.select %lt3A_1001, %select_n3A_981, %select_n3A_1000 : vector<128x128xi1>, vector<128x128xi32>
    %lt3A_1006 = arith.cmpf olt, %select_n3A_1004, %select_n3A_985 : vector<128x128xf32>
    %select_n3A_1007 = arith.select %lt3A_1006, %select_n3A_1004, %select_n3A_985 : vector<128x128xi1>, vector<128x128xf32>
    %select_n3A_1008 = arith.select %lt3A_1006, %select_n3A_1005, %select_n3A_986 : vector<128x128xi1>, vector<128x128xi32>
    %slice3A_1009 = vector.extract_strided_slice %sqrt3A {offsets = [0, 5760], sizes = [128, 128], strides = [1, 1]} : vector<128x8192xf32> to vector<128x128xf32>
    %add3A_1010 = arith.constant 5760 : i32
    %add3A_1011 = vector.broadcast %add3A_1010 : i32 to vector<128x128xi32>
    %add3A_1012 = arith.addi %iota3A, %add3A_1011 : vector<128x128xi32>
    %lt3A_1013 = arith.cmpf olt, %slice3A_1009, %select_n3A_992 : vector<128x128xf32>
    %select_n3A_1014 = arith.select %lt3A_1013, %slice3A_1009, %select_n3A_992 : vector<128x128xi1>, vector<128x128xf32>
    %select_n3A_1015 = arith.select %lt3A_1013, %add3A_1012, %select_n3A_993 : vector<128x128xi1>, vector<128x128xi32>
    %select_n3A_1016 = arith.select %lt3A_1013, %select_n3A_992, %slice3A_1009 : vector<128x128xi1>, vector<128x128xf32>
    %select_n3A_1017 = arith.select %lt3A_1013, %select_n3A_993, %add3A_1012 : vector<128x128xi1>, vector<128x128xi32>
    %lt3A_1018 = arith.cmpf olt, %select_n3A_1016, %select_n3A_997 : vector<128x128xf32>
    %select_n3A_1019 = arith.select %lt3A_1018, %select_n3A_1016, %select_n3A_997 : vector<128x128xi1>, vector<128x128xf32>
    %select_n3A_1020 = arith.select %lt3A_1018, %select_n3A_1017, %select_n3A_998 : vector<128x128xi1>, vector<128x128xi32>
    %select_n3A_1021 = arith.select %lt3A_1018, %select_n3A_997, %select_n3A_1016 : vector<128x128xi1>, vector<128x128xf32>
    %select_n3A_1022 = arith.select %lt3A_1018, %select_n3A_998, %select_n3A_1017 : vector<128x128xi1>, vector<128x128xi32>
    %lt3A_1023 = arith.cmpf olt, %select_n3A_1021, %select_n3A_1002 : vector<128x128xf32>
    %select_n3A_1024 = arith.select %lt3A_1023, %select_n3A_1021, %select_n3A_1002 : vector<128x128xi1>, vector<128x128xf32>
    %select_n3A_1025 = arith.select %lt3A_1023, %select_n3A_1022, %select_n3A_1003 : vector<128x128xi1>, vector<128x128xi32>
    %select_n3A_1026 = arith.select %lt3A_1023, %select_n3A_1002, %select_n3A_1021 : vector<128x128xi1>, vector<128x128xf32>
    %select_n3A_1027 = arith.select %lt3A_1023, %select_n3A_1003, %select_n3A_1022 : vector<128x128xi1>, vector<128x128xi32>
    %lt3A_1028 = arith.cmpf olt, %select_n3A_1026, %select_n3A_1007 : vector<128x128xf32>
    %select_n3A_1029 = arith.select %lt3A_1028, %select_n3A_1026, %select_n3A_1007 : vector<128x128xi1>, vector<128x128xf32>
    %select_n3A_1030 = arith.select %lt3A_1028, %select_n3A_1027, %select_n3A_1008 : vector<128x128xi1>, vector<128x128xi32>
    %slice3A_1031 = vector.extract_strided_slice %sqrt3A {offsets = [0, 5888], sizes = [128, 128], strides = [1, 1]} : vector<128x8192xf32> to vector<128x128xf32>
    %add3A_1032 = arith.constant 5888 : i32
    %add3A_1033 = vector.broadcast %add3A_1032 : i32 to vector<128x128xi32>
    %add3A_1034 = arith.addi %iota3A, %add3A_1033 : vector<128x128xi32>
    %lt3A_1035 = arith.cmpf olt, %slice3A_1031, %select_n3A_1014 : vector<128x128xf32>
    %select_n3A_1036 = arith.select %lt3A_1035, %slice3A_1031, %select_n3A_1014 : vector<128x128xi1>, vector<128x128xf32>
    %select_n3A_1037 = arith.select %lt3A_1035, %add3A_1034, %select_n3A_1015 : vector<128x128xi1>, vector<128x128xi32>
    %select_n3A_1038 = arith.select %lt3A_1035, %select_n3A_1014, %slice3A_1031 : vector<128x128xi1>, vector<128x128xf32>
    %select_n3A_1039 = arith.select %lt3A_1035, %select_n3A_1015, %add3A_1034 : vector<128x128xi1>, vector<128x128xi32>
    %lt3A_1040 = arith.cmpf olt, %select_n3A_1038, %select_n3A_1019 : vector<128x128xf32>
    %select_n3A_1041 = arith.select %lt3A_1040, %select_n3A_1038, %select_n3A_1019 : vector<128x128xi1>, vector<128x128xf32>
    %select_n3A_1042 = arith.select %lt3A_1040, %select_n3A_1039, %select_n3A_1020 : vector<128x128xi1>, vector<128x128xi32>
    %select_n3A_1043 = arith.select %lt3A_1040, %select_n3A_1019, %select_n3A_1038 : vector<128x128xi1>, vector<128x128xf32>
    %select_n3A_1044 = arith.select %lt3A_1040, %select_n3A_1020, %select_n3A_1039 : vector<128x128xi1>, vector<128x128xi32>
    %lt3A_1045 = arith.cmpf olt, %select_n3A_1043, %select_n3A_1024 : vector<128x128xf32>
    %select_n3A_1046 = arith.select %lt3A_1045, %select_n3A_1043, %select_n3A_1024 : vector<128x128xi1>, vector<128x128xf32>
    %select_n3A_1047 = arith.select %lt3A_1045, %select_n3A_1044, %select_n3A_1025 : vector<128x128xi1>, vector<128x128xi32>
    %select_n3A_1048 = arith.select %lt3A_1045, %select_n3A_1024, %select_n3A_1043 : vector<128x128xi1>, vector<128x128xf32>
    %select_n3A_1049 = arith.select %lt3A_1045, %select_n3A_1025, %select_n3A_1044 : vector<128x128xi1>, vector<128x128xi32>
    %lt3A_1050 = arith.cmpf olt, %select_n3A_1048, %select_n3A_1029 : vector<128x128xf32>
    %select_n3A_1051 = arith.select %lt3A_1050, %select_n3A_1048, %select_n3A_1029 : vector<128x128xi1>, vector<128x128xf32>
    %select_n3A_1052 = arith.select %lt3A_1050, %select_n3A_1049, %select_n3A_1030 : vector<128x128xi1>, vector<128x128xi32>
    %slice3A_1053 = vector.extract_strided_slice %sqrt3A {offsets = [0, 6016], sizes = [128, 128], strides = [1, 1]} : vector<128x8192xf32> to vector<128x128xf32>
    %add3A_1054 = arith.constant 6016 : i32
    %add3A_1055 = vector.broadcast %add3A_1054 : i32 to vector<128x128xi32>
    %add3A_1056 = arith.addi %iota3A, %add3A_1055 : vector<128x128xi32>
    %lt3A_1057 = arith.cmpf olt, %slice3A_1053, %select_n3A_1036 : vector<128x128xf32>
    %select_n3A_1058 = arith.select %lt3A_1057, %slice3A_1053, %select_n3A_1036 : vector<128x128xi1>, vector<128x128xf32>
    %select_n3A_1059 = arith.select %lt3A_1057, %add3A_1056, %select_n3A_1037 : vector<128x128xi1>, vector<128x128xi32>
    %select_n3A_1060 = arith.select %lt3A_1057, %select_n3A_1036, %slice3A_1053 : vector<128x128xi1>, vector<128x128xf32>
    %select_n3A_1061 = arith.select %lt3A_1057, %select_n3A_1037, %add3A_1056 : vector<128x128xi1>, vector<128x128xi32>
    %lt3A_1062 = arith.cmpf olt, %select_n3A_1060, %select_n3A_1041 : vector<128x128xf32>
    %select_n3A_1063 = arith.select %lt3A_1062, %select_n3A_1060, %select_n3A_1041 : vector<128x128xi1>, vector<128x128xf32>
    %select_n3A_1064 = arith.select %lt3A_1062, %select_n3A_1061, %select_n3A_1042 : vector<128x128xi1>, vector<128x128xi32>
    %select_n3A_1065 = arith.select %lt3A_1062, %select_n3A_1041, %select_n3A_1060 : vector<128x128xi1>, vector<128x128xf32>
    %select_n3A_1066 = arith.select %lt3A_1062, %select_n3A_1042, %select_n3A_1061 : vector<128x128xi1>, vector<128x128xi32>
    %lt3A_1067 = arith.cmpf olt, %select_n3A_1065, %select_n3A_1046 : vector<128x128xf32>
    %select_n3A_1068 = arith.select %lt3A_1067, %select_n3A_1065, %select_n3A_1046 : vector<128x128xi1>, vector<128x128xf32>
    %select_n3A_1069 = arith.select %lt3A_1067, %select_n3A_1066, %select_n3A_1047 : vector<128x128xi1>, vector<128x128xi32>
    %select_n3A_1070 = arith.select %lt3A_1067, %select_n3A_1046, %select_n3A_1065 : vector<128x128xi1>, vector<128x128xf32>
    %select_n3A_1071 = arith.select %lt3A_1067, %select_n3A_1047, %select_n3A_1066 : vector<128x128xi1>, vector<128x128xi32>
    %lt3A_1072 = arith.cmpf olt, %select_n3A_1070, %select_n3A_1051 : vector<128x128xf32>
    %select_n3A_1073 = arith.select %lt3A_1072, %select_n3A_1070, %select_n3A_1051 : vector<128x128xi1>, vector<128x128xf32>
    %select_n3A_1074 = arith.select %lt3A_1072, %select_n3A_1071, %select_n3A_1052 : vector<128x128xi1>, vector<128x128xi32>
    %slice3A_1075 = vector.extract_strided_slice %sqrt3A {offsets = [0, 6144], sizes = [128, 128], strides = [1, 1]} : vector<128x8192xf32> to vector<128x128xf32>
    %add3A_1076 = arith.constant 6144 : i32
    %add3A_1077 = vector.broadcast %add3A_1076 : i32 to vector<128x128xi32>
    %add3A_1078 = arith.addi %iota3A, %add3A_1077 : vector<128x128xi32>
    %lt3A_1079 = arith.cmpf olt, %slice3A_1075, %select_n3A_1058 : vector<128x128xf32>
    %select_n3A_1080 = arith.select %lt3A_1079, %slice3A_1075, %select_n3A_1058 : vector<128x128xi1>, vector<128x128xf32>
    %select_n3A_1081 = arith.select %lt3A_1079, %add3A_1078, %select_n3A_1059 : vector<128x128xi1>, vector<128x128xi32>
    %select_n3A_1082 = arith.select %lt3A_1079, %select_n3A_1058, %slice3A_1075 : vector<128x128xi1>, vector<128x128xf32>
    %select_n3A_1083 = arith.select %lt3A_1079, %select_n3A_1059, %add3A_1078 : vector<128x128xi1>, vector<128x128xi32>
    %lt3A_1084 = arith.cmpf olt, %select_n3A_1082, %select_n3A_1063 : vector<128x128xf32>
    %select_n3A_1085 = arith.select %lt3A_1084, %select_n3A_1082, %select_n3A_1063 : vector<128x128xi1>, vector<128x128xf32>
    %select_n3A_1086 = arith.select %lt3A_1084, %select_n3A_1083, %select_n3A_1064 : vector<128x128xi1>, vector<128x128xi32>
    %select_n3A_1087 = arith.select %lt3A_1084, %select_n3A_1063, %select_n3A_1082 : vector<128x128xi1>, vector<128x128xf32>
    %select_n3A_1088 = arith.select %lt3A_1084, %select_n3A_1064, %select_n3A_1083 : vector<128x128xi1>, vector<128x128xi32>
    %lt3A_1089 = arith.cmpf olt, %select_n3A_1087, %select_n3A_1068 : vector<128x128xf32>
    %select_n3A_1090 = arith.select %lt3A_1089, %select_n3A_1087, %select_n3A_1068 : vector<128x128xi1>, vector<128x128xf32>
    %select_n3A_1091 = arith.select %lt3A_1089, %select_n3A_1088, %select_n3A_1069 : vector<128x128xi1>, vector<128x128xi32>
    %select_n3A_1092 = arith.select %lt3A_1089, %select_n3A_1068, %select_n3A_1087 : vector<128x128xi1>, vector<128x128xf32>
    %select_n3A_1093 = arith.select %lt3A_1089, %select_n3A_1069, %select_n3A_1088 : vector<128x128xi1>, vector<128x128xi32>
    %lt3A_1094 = arith.cmpf olt, %select_n3A_1092, %select_n3A_1073 : vector<128x128xf32>
    %select_n3A_1095 = arith.select %lt3A_1094, %select_n3A_1092, %select_n3A_1073 : vector<128x128xi1>, vector<128x128xf32>
    %select_n3A_1096 = arith.select %lt3A_1094, %select_n3A_1093, %select_n3A_1074 : vector<128x128xi1>, vector<128x128xi32>
    %slice3A_1097 = vector.extract_strided_slice %sqrt3A {offsets = [0, 6272], sizes = [128, 128], strides = [1, 1]} : vector<128x8192xf32> to vector<128x128xf32>
    %add3A_1098 = arith.constant 6272 : i32
    %add3A_1099 = vector.broadcast %add3A_1098 : i32 to vector<128x128xi32>
    %add3A_1100 = arith.addi %iota3A, %add3A_1099 : vector<128x128xi32>
    %lt3A_1101 = arith.cmpf olt, %slice3A_1097, %select_n3A_1080 : vector<128x128xf32>
    %select_n3A_1102 = arith.select %lt3A_1101, %slice3A_1097, %select_n3A_1080 : vector<128x128xi1>, vector<128x128xf32>
    %select_n3A_1103 = arith.select %lt3A_1101, %add3A_1100, %select_n3A_1081 : vector<128x128xi1>, vector<128x128xi32>
    %select_n3A_1104 = arith.select %lt3A_1101, %select_n3A_1080, %slice3A_1097 : vector<128x128xi1>, vector<128x128xf32>
    %select_n3A_1105 = arith.select %lt3A_1101, %select_n3A_1081, %add3A_1100 : vector<128x128xi1>, vector<128x128xi32>
    %lt3A_1106 = arith.cmpf olt, %select_n3A_1104, %select_n3A_1085 : vector<128x128xf32>
    %select_n3A_1107 = arith.select %lt3A_1106, %select_n3A_1104, %select_n3A_1085 : vector<128x128xi1>, vector<128x128xf32>
    %select_n3A_1108 = arith.select %lt3A_1106, %select_n3A_1105, %select_n3A_1086 : vector<128x128xi1>, vector<128x128xi32>
    %select_n3A_1109 = arith.select %lt3A_1106, %select_n3A_1085, %select_n3A_1104 : vector<128x128xi1>, vector<128x128xf32>
    %select_n3A_1110 = arith.select %lt3A_1106, %select_n3A_1086, %select_n3A_1105 : vector<128x128xi1>, vector<128x128xi32>
    %lt3A_1111 = arith.cmpf olt, %select_n3A_1109, %select_n3A_1090 : vector<128x128xf32>
    %select_n3A_1112 = arith.select %lt3A_1111, %select_n3A_1109, %select_n3A_1090 : vector<128x128xi1>, vector<128x128xf32>
    %select_n3A_1113 = arith.select %lt3A_1111, %select_n3A_1110, %select_n3A_1091 : vector<128x128xi1>, vector<128x128xi32>
    %select_n3A_1114 = arith.select %lt3A_1111, %select_n3A_1090, %select_n3A_1109 : vector<128x128xi1>, vector<128x128xf32>
    %select_n3A_1115 = arith.select %lt3A_1111, %select_n3A_1091, %select_n3A_1110 : vector<128x128xi1>, vector<128x128xi32>
    %lt3A_1116 = arith.cmpf olt, %select_n3A_1114, %select_n3A_1095 : vector<128x128xf32>
    %select_n3A_1117 = arith.select %lt3A_1116, %select_n3A_1114, %select_n3A_1095 : vector<128x128xi1>, vector<128x128xf32>
    %select_n3A_1118 = arith.select %lt3A_1116, %select_n3A_1115, %select_n3A_1096 : vector<128x128xi1>, vector<128x128xi32>
    %slice3A_1119 = vector.extract_strided_slice %sqrt3A {offsets = [0, 6400], sizes = [128, 128], strides = [1, 1]} : vector<128x8192xf32> to vector<128x128xf32>
    %add3A_1120 = arith.constant 6400 : i32
    %add3A_1121 = vector.broadcast %add3A_1120 : i32 to vector<128x128xi32>
    %add3A_1122 = arith.addi %iota3A, %add3A_1121 : vector<128x128xi32>
    %lt3A_1123 = arith.cmpf olt, %slice3A_1119, %select_n3A_1102 : vector<128x128xf32>
    %select_n3A_1124 = arith.select %lt3A_1123, %slice3A_1119, %select_n3A_1102 : vector<128x128xi1>, vector<128x128xf32>
    %select_n3A_1125 = arith.select %lt3A_1123, %add3A_1122, %select_n3A_1103 : vector<128x128xi1>, vector<128x128xi32>
    %select_n3A_1126 = arith.select %lt3A_1123, %select_n3A_1102, %slice3A_1119 : vector<128x128xi1>, vector<128x128xf32>
    %select_n3A_1127 = arith.select %lt3A_1123, %select_n3A_1103, %add3A_1122 : vector<128x128xi1>, vector<128x128xi32>
    %lt3A_1128 = arith.cmpf olt, %select_n3A_1126, %select_n3A_1107 : vector<128x128xf32>
    %select_n3A_1129 = arith.select %lt3A_1128, %select_n3A_1126, %select_n3A_1107 : vector<128x128xi1>, vector<128x128xf32>
    %select_n3A_1130 = arith.select %lt3A_1128, %select_n3A_1127, %select_n3A_1108 : vector<128x128xi1>, vector<128x128xi32>
    %select_n3A_1131 = arith.select %lt3A_1128, %select_n3A_1107, %select_n3A_1126 : vector<128x128xi1>, vector<128x128xf32>
    %select_n3A_1132 = arith.select %lt3A_1128, %select_n3A_1108, %select_n3A_1127 : vector<128x128xi1>, vector<128x128xi32>
    %lt3A_1133 = arith.cmpf olt, %select_n3A_1131, %select_n3A_1112 : vector<128x128xf32>
    %select_n3A_1134 = arith.select %lt3A_1133, %select_n3A_1131, %select_n3A_1112 : vector<128x128xi1>, vector<128x128xf32>
    %select_n3A_1135 = arith.select %lt3A_1133, %select_n3A_1132, %select_n3A_1113 : vector<128x128xi1>, vector<128x128xi32>
    %select_n3A_1136 = arith.select %lt3A_1133, %select_n3A_1112, %select_n3A_1131 : vector<128x128xi1>, vector<128x128xf32>
    %select_n3A_1137 = arith.select %lt3A_1133, %select_n3A_1113, %select_n3A_1132 : vector<128x128xi1>, vector<128x128xi32>
    %lt3A_1138 = arith.cmpf olt, %select_n3A_1136, %select_n3A_1117 : vector<128x128xf32>
    %select_n3A_1139 = arith.select %lt3A_1138, %select_n3A_1136, %select_n3A_1117 : vector<128x128xi1>, vector<128x128xf32>
    %select_n3A_1140 = arith.select %lt3A_1138, %select_n3A_1137, %select_n3A_1118 : vector<128x128xi1>, vector<128x128xi32>
    %slice3A_1141 = vector.extract_strided_slice %sqrt3A {offsets = [0, 6528], sizes = [128, 128], strides = [1, 1]} : vector<128x8192xf32> to vector<128x128xf32>
    %add3A_1142 = arith.constant 6528 : i32
    %add3A_1143 = vector.broadcast %add3A_1142 : i32 to vector<128x128xi32>
    %add3A_1144 = arith.addi %iota3A, %add3A_1143 : vector<128x128xi32>
    %lt3A_1145 = arith.cmpf olt, %slice3A_1141, %select_n3A_1124 : vector<128x128xf32>
    %select_n3A_1146 = arith.select %lt3A_1145, %slice3A_1141, %select_n3A_1124 : vector<128x128xi1>, vector<128x128xf32>
    %select_n3A_1147 = arith.select %lt3A_1145, %add3A_1144, %select_n3A_1125 : vector<128x128xi1>, vector<128x128xi32>
    %select_n3A_1148 = arith.select %lt3A_1145, %select_n3A_1124, %slice3A_1141 : vector<128x128xi1>, vector<128x128xf32>
    %select_n3A_1149 = arith.select %lt3A_1145, %select_n3A_1125, %add3A_1144 : vector<128x128xi1>, vector<128x128xi32>
    %lt3A_1150 = arith.cmpf olt, %select_n3A_1148, %select_n3A_1129 : vector<128x128xf32>
    %select_n3A_1151 = arith.select %lt3A_1150, %select_n3A_1148, %select_n3A_1129 : vector<128x128xi1>, vector<128x128xf32>
    %select_n3A_1152 = arith.select %lt3A_1150, %select_n3A_1149, %select_n3A_1130 : vector<128x128xi1>, vector<128x128xi32>
    %select_n3A_1153 = arith.select %lt3A_1150, %select_n3A_1129, %select_n3A_1148 : vector<128x128xi1>, vector<128x128xf32>
    %select_n3A_1154 = arith.select %lt3A_1150, %select_n3A_1130, %select_n3A_1149 : vector<128x128xi1>, vector<128x128xi32>
    %lt3A_1155 = arith.cmpf olt, %select_n3A_1153, %select_n3A_1134 : vector<128x128xf32>
    %select_n3A_1156 = arith.select %lt3A_1155, %select_n3A_1153, %select_n3A_1134 : vector<128x128xi1>, vector<128x128xf32>
    %select_n3A_1157 = arith.select %lt3A_1155, %select_n3A_1154, %select_n3A_1135 : vector<128x128xi1>, vector<128x128xi32>
    %select_n3A_1158 = arith.select %lt3A_1155, %select_n3A_1134, %select_n3A_1153 : vector<128x128xi1>, vector<128x128xf32>
    %select_n3A_1159 = arith.select %lt3A_1155, %select_n3A_1135, %select_n3A_1154 : vector<128x128xi1>, vector<128x128xi32>
    %lt3A_1160 = arith.cmpf olt, %select_n3A_1158, %select_n3A_1139 : vector<128x128xf32>
    %select_n3A_1161 = arith.select %lt3A_1160, %select_n3A_1158, %select_n3A_1139 : vector<128x128xi1>, vector<128x128xf32>
    %select_n3A_1162 = arith.select %lt3A_1160, %select_n3A_1159, %select_n3A_1140 : vector<128x128xi1>, vector<128x128xi32>
    %slice3A_1163 = vector.extract_strided_slice %sqrt3A {offsets = [0, 6656], sizes = [128, 128], strides = [1, 1]} : vector<128x8192xf32> to vector<128x128xf32>
    %add3A_1164 = arith.constant 6656 : i32
    %add3A_1165 = vector.broadcast %add3A_1164 : i32 to vector<128x128xi32>
    %add3A_1166 = arith.addi %iota3A, %add3A_1165 : vector<128x128xi32>
    %lt3A_1167 = arith.cmpf olt, %slice3A_1163, %select_n3A_1146 : vector<128x128xf32>
    %select_n3A_1168 = arith.select %lt3A_1167, %slice3A_1163, %select_n3A_1146 : vector<128x128xi1>, vector<128x128xf32>
    %select_n3A_1169 = arith.select %lt3A_1167, %add3A_1166, %select_n3A_1147 : vector<128x128xi1>, vector<128x128xi32>
    %select_n3A_1170 = arith.select %lt3A_1167, %select_n3A_1146, %slice3A_1163 : vector<128x128xi1>, vector<128x128xf32>
    %select_n3A_1171 = arith.select %lt3A_1167, %select_n3A_1147, %add3A_1166 : vector<128x128xi1>, vector<128x128xi32>
    %lt3A_1172 = arith.cmpf olt, %select_n3A_1170, %select_n3A_1151 : vector<128x128xf32>
    %select_n3A_1173 = arith.select %lt3A_1172, %select_n3A_1170, %select_n3A_1151 : vector<128x128xi1>, vector<128x128xf32>
    %select_n3A_1174 = arith.select %lt3A_1172, %select_n3A_1171, %select_n3A_1152 : vector<128x128xi1>, vector<128x128xi32>
    %select_n3A_1175 = arith.select %lt3A_1172, %select_n3A_1151, %select_n3A_1170 : vector<128x128xi1>, vector<128x128xf32>
    %select_n3A_1176 = arith.select %lt3A_1172, %select_n3A_1152, %select_n3A_1171 : vector<128x128xi1>, vector<128x128xi32>
    %lt3A_1177 = arith.cmpf olt, %select_n3A_1175, %select_n3A_1156 : vector<128x128xf32>
    %select_n3A_1178 = arith.select %lt3A_1177, %select_n3A_1175, %select_n3A_1156 : vector<128x128xi1>, vector<128x128xf32>
    %select_n3A_1179 = arith.select %lt3A_1177, %select_n3A_1176, %select_n3A_1157 : vector<128x128xi1>, vector<128x128xi32>
    %select_n3A_1180 = arith.select %lt3A_1177, %select_n3A_1156, %select_n3A_1175 : vector<128x128xi1>, vector<128x128xf32>
    %select_n3A_1181 = arith.select %lt3A_1177, %select_n3A_1157, %select_n3A_1176 : vector<128x128xi1>, vector<128x128xi32>
    %lt3A_1182 = arith.cmpf olt, %select_n3A_1180, %select_n3A_1161 : vector<128x128xf32>
    %select_n3A_1183 = arith.select %lt3A_1182, %select_n3A_1180, %select_n3A_1161 : vector<128x128xi1>, vector<128x128xf32>
    %select_n3A_1184 = arith.select %lt3A_1182, %select_n3A_1181, %select_n3A_1162 : vector<128x128xi1>, vector<128x128xi32>
    %slice3A_1185 = vector.extract_strided_slice %sqrt3A {offsets = [0, 6784], sizes = [128, 128], strides = [1, 1]} : vector<128x8192xf32> to vector<128x128xf32>
    %add3A_1186 = arith.constant 6784 : i32
    %add3A_1187 = vector.broadcast %add3A_1186 : i32 to vector<128x128xi32>
    %add3A_1188 = arith.addi %iota3A, %add3A_1187 : vector<128x128xi32>
    %lt3A_1189 = arith.cmpf olt, %slice3A_1185, %select_n3A_1168 : vector<128x128xf32>
    %select_n3A_1190 = arith.select %lt3A_1189, %slice3A_1185, %select_n3A_1168 : vector<128x128xi1>, vector<128x128xf32>
    %select_n3A_1191 = arith.select %lt3A_1189, %add3A_1188, %select_n3A_1169 : vector<128x128xi1>, vector<128x128xi32>
    %select_n3A_1192 = arith.select %lt3A_1189, %select_n3A_1168, %slice3A_1185 : vector<128x128xi1>, vector<128x128xf32>
    %select_n3A_1193 = arith.select %lt3A_1189, %select_n3A_1169, %add3A_1188 : vector<128x128xi1>, vector<128x128xi32>
    %lt3A_1194 = arith.cmpf olt, %select_n3A_1192, %select_n3A_1173 : vector<128x128xf32>
    %select_n3A_1195 = arith.select %lt3A_1194, %select_n3A_1192, %select_n3A_1173 : vector<128x128xi1>, vector<128x128xf32>
    %select_n3A_1196 = arith.select %lt3A_1194, %select_n3A_1193, %select_n3A_1174 : vector<128x128xi1>, vector<128x128xi32>
    %select_n3A_1197 = arith.select %lt3A_1194, %select_n3A_1173, %select_n3A_1192 : vector<128x128xi1>, vector<128x128xf32>
    %select_n3A_1198 = arith.select %lt3A_1194, %select_n3A_1174, %select_n3A_1193 : vector<128x128xi1>, vector<128x128xi32>
    %lt3A_1199 = arith.cmpf olt, %select_n3A_1197, %select_n3A_1178 : vector<128x128xf32>
    %select_n3A_1200 = arith.select %lt3A_1199, %select_n3A_1197, %select_n3A_1178 : vector<128x128xi1>, vector<128x128xf32>
    %select_n3A_1201 = arith.select %lt3A_1199, %select_n3A_1198, %select_n3A_1179 : vector<128x128xi1>, vector<128x128xi32>
    %select_n3A_1202 = arith.select %lt3A_1199, %select_n3A_1178, %select_n3A_1197 : vector<128x128xi1>, vector<128x128xf32>
    %select_n3A_1203 = arith.select %lt3A_1199, %select_n3A_1179, %select_n3A_1198 : vector<128x128xi1>, vector<128x128xi32>
    %lt3A_1204 = arith.cmpf olt, %select_n3A_1202, %select_n3A_1183 : vector<128x128xf32>
    %select_n3A_1205 = arith.select %lt3A_1204, %select_n3A_1202, %select_n3A_1183 : vector<128x128xi1>, vector<128x128xf32>
    %select_n3A_1206 = arith.select %lt3A_1204, %select_n3A_1203, %select_n3A_1184 : vector<128x128xi1>, vector<128x128xi32>
    %slice3A_1207 = vector.extract_strided_slice %sqrt3A {offsets = [0, 6912], sizes = [128, 128], strides = [1, 1]} : vector<128x8192xf32> to vector<128x128xf32>
    %add3A_1208 = arith.constant 6912 : i32
    %add3A_1209 = vector.broadcast %add3A_1208 : i32 to vector<128x128xi32>
    %add3A_1210 = arith.addi %iota3A, %add3A_1209 : vector<128x128xi32>
    %lt3A_1211 = arith.cmpf olt, %slice3A_1207, %select_n3A_1190 : vector<128x128xf32>
    %select_n3A_1212 = arith.select %lt3A_1211, %slice3A_1207, %select_n3A_1190 : vector<128x128xi1>, vector<128x128xf32>
    %select_n3A_1213 = arith.select %lt3A_1211, %add3A_1210, %select_n3A_1191 : vector<128x128xi1>, vector<128x128xi32>
    %select_n3A_1214 = arith.select %lt3A_1211, %select_n3A_1190, %slice3A_1207 : vector<128x128xi1>, vector<128x128xf32>
    %select_n3A_1215 = arith.select %lt3A_1211, %select_n3A_1191, %add3A_1210 : vector<128x128xi1>, vector<128x128xi32>
    %lt3A_1216 = arith.cmpf olt, %select_n3A_1214, %select_n3A_1195 : vector<128x128xf32>
    %select_n3A_1217 = arith.select %lt3A_1216, %select_n3A_1214, %select_n3A_1195 : vector<128x128xi1>, vector<128x128xf32>
    %select_n3A_1218 = arith.select %lt3A_1216, %select_n3A_1215, %select_n3A_1196 : vector<128x128xi1>, vector<128x128xi32>
    %select_n3A_1219 = arith.select %lt3A_1216, %select_n3A_1195, %select_n3A_1214 : vector<128x128xi1>, vector<128x128xf32>
    %select_n3A_1220 = arith.select %lt3A_1216, %select_n3A_1196, %select_n3A_1215 : vector<128x128xi1>, vector<128x128xi32>
    %lt3A_1221 = arith.cmpf olt, %select_n3A_1219, %select_n3A_1200 : vector<128x128xf32>
    %select_n3A_1222 = arith.select %lt3A_1221, %select_n3A_1219, %select_n3A_1200 : vector<128x128xi1>, vector<128x128xf32>
    %select_n3A_1223 = arith.select %lt3A_1221, %select_n3A_1220, %select_n3A_1201 : vector<128x128xi1>, vector<128x128xi32>
    %select_n3A_1224 = arith.select %lt3A_1221, %select_n3A_1200, %select_n3A_1219 : vector<128x128xi1>, vector<128x128xf32>
    %select_n3A_1225 = arith.select %lt3A_1221, %select_n3A_1201, %select_n3A_1220 : vector<128x128xi1>, vector<128x128xi32>
    %lt3A_1226 = arith.cmpf olt, %select_n3A_1224, %select_n3A_1205 : vector<128x128xf32>
    %select_n3A_1227 = arith.select %lt3A_1226, %select_n3A_1224, %select_n3A_1205 : vector<128x128xi1>, vector<128x128xf32>
    %select_n3A_1228 = arith.select %lt3A_1226, %select_n3A_1225, %select_n3A_1206 : vector<128x128xi1>, vector<128x128xi32>
    %slice3A_1229 = vector.extract_strided_slice %sqrt3A {offsets = [0, 7040], sizes = [128, 128], strides = [1, 1]} : vector<128x8192xf32> to vector<128x128xf32>
    %add3A_1230 = arith.constant 7040 : i32
    %add3A_1231 = vector.broadcast %add3A_1230 : i32 to vector<128x128xi32>
    %add3A_1232 = arith.addi %iota3A, %add3A_1231 : vector<128x128xi32>
    %lt3A_1233 = arith.cmpf olt, %slice3A_1229, %select_n3A_1212 : vector<128x128xf32>
    %select_n3A_1234 = arith.select %lt3A_1233, %slice3A_1229, %select_n3A_1212 : vector<128x128xi1>, vector<128x128xf32>
    %select_n3A_1235 = arith.select %lt3A_1233, %add3A_1232, %select_n3A_1213 : vector<128x128xi1>, vector<128x128xi32>
    %select_n3A_1236 = arith.select %lt3A_1233, %select_n3A_1212, %slice3A_1229 : vector<128x128xi1>, vector<128x128xf32>
    %select_n3A_1237 = arith.select %lt3A_1233, %select_n3A_1213, %add3A_1232 : vector<128x128xi1>, vector<128x128xi32>
    %lt3A_1238 = arith.cmpf olt, %select_n3A_1236, %select_n3A_1217 : vector<128x128xf32>
    %select_n3A_1239 = arith.select %lt3A_1238, %select_n3A_1236, %select_n3A_1217 : vector<128x128xi1>, vector<128x128xf32>
    %select_n3A_1240 = arith.select %lt3A_1238, %select_n3A_1237, %select_n3A_1218 : vector<128x128xi1>, vector<128x128xi32>
    %select_n3A_1241 = arith.select %lt3A_1238, %select_n3A_1217, %select_n3A_1236 : vector<128x128xi1>, vector<128x128xf32>
    %select_n3A_1242 = arith.select %lt3A_1238, %select_n3A_1218, %select_n3A_1237 : vector<128x128xi1>, vector<128x128xi32>
    %lt3A_1243 = arith.cmpf olt, %select_n3A_1241, %select_n3A_1222 : vector<128x128xf32>
    %select_n3A_1244 = arith.select %lt3A_1243, %select_n3A_1241, %select_n3A_1222 : vector<128x128xi1>, vector<128x128xf32>
    %select_n3A_1245 = arith.select %lt3A_1243, %select_n3A_1242, %select_n3A_1223 : vector<128x128xi1>, vector<128x128xi32>
    %select_n3A_1246 = arith.select %lt3A_1243, %select_n3A_1222, %select_n3A_1241 : vector<128x128xi1>, vector<128x128xf32>
    %select_n3A_1247 = arith.select %lt3A_1243, %select_n3A_1223, %select_n3A_1242 : vector<128x128xi1>, vector<128x128xi32>
    %lt3A_1248 = arith.cmpf olt, %select_n3A_1246, %select_n3A_1227 : vector<128x128xf32>
    %select_n3A_1249 = arith.select %lt3A_1248, %select_n3A_1246, %select_n3A_1227 : vector<128x128xi1>, vector<128x128xf32>
    %select_n3A_1250 = arith.select %lt3A_1248, %select_n3A_1247, %select_n3A_1228 : vector<128x128xi1>, vector<128x128xi32>
    %slice3A_1251 = vector.extract_strided_slice %sqrt3A {offsets = [0, 7168], sizes = [128, 128], strides = [1, 1]} : vector<128x8192xf32> to vector<128x128xf32>
    %add3A_1252 = arith.constant 7168 : i32
    %add3A_1253 = vector.broadcast %add3A_1252 : i32 to vector<128x128xi32>
    %add3A_1254 = arith.addi %iota3A, %add3A_1253 : vector<128x128xi32>
    %lt3A_1255 = arith.cmpf olt, %slice3A_1251, %select_n3A_1234 : vector<128x128xf32>
    %select_n3A_1256 = arith.select %lt3A_1255, %slice3A_1251, %select_n3A_1234 : vector<128x128xi1>, vector<128x128xf32>
    %select_n3A_1257 = arith.select %lt3A_1255, %add3A_1254, %select_n3A_1235 : vector<128x128xi1>, vector<128x128xi32>
    %select_n3A_1258 = arith.select %lt3A_1255, %select_n3A_1234, %slice3A_1251 : vector<128x128xi1>, vector<128x128xf32>
    %select_n3A_1259 = arith.select %lt3A_1255, %select_n3A_1235, %add3A_1254 : vector<128x128xi1>, vector<128x128xi32>
    %lt3A_1260 = arith.cmpf olt, %select_n3A_1258, %select_n3A_1239 : vector<128x128xf32>
    %select_n3A_1261 = arith.select %lt3A_1260, %select_n3A_1258, %select_n3A_1239 : vector<128x128xi1>, vector<128x128xf32>
    %select_n3A_1262 = arith.select %lt3A_1260, %select_n3A_1259, %select_n3A_1240 : vector<128x128xi1>, vector<128x128xi32>
    %select_n3A_1263 = arith.select %lt3A_1260, %select_n3A_1239, %select_n3A_1258 : vector<128x128xi1>, vector<128x128xf32>
    %select_n3A_1264 = arith.select %lt3A_1260, %select_n3A_1240, %select_n3A_1259 : vector<128x128xi1>, vector<128x128xi32>
    %lt3A_1265 = arith.cmpf olt, %select_n3A_1263, %select_n3A_1244 : vector<128x128xf32>
    %select_n3A_1266 = arith.select %lt3A_1265, %select_n3A_1263, %select_n3A_1244 : vector<128x128xi1>, vector<128x128xf32>
    %select_n3A_1267 = arith.select %lt3A_1265, %select_n3A_1264, %select_n3A_1245 : vector<128x128xi1>, vector<128x128xi32>
    %select_n3A_1268 = arith.select %lt3A_1265, %select_n3A_1244, %select_n3A_1263 : vector<128x128xi1>, vector<128x128xf32>
    %select_n3A_1269 = arith.select %lt3A_1265, %select_n3A_1245, %select_n3A_1264 : vector<128x128xi1>, vector<128x128xi32>
    %lt3A_1270 = arith.cmpf olt, %select_n3A_1268, %select_n3A_1249 : vector<128x128xf32>
    %select_n3A_1271 = arith.select %lt3A_1270, %select_n3A_1268, %select_n3A_1249 : vector<128x128xi1>, vector<128x128xf32>
    %select_n3A_1272 = arith.select %lt3A_1270, %select_n3A_1269, %select_n3A_1250 : vector<128x128xi1>, vector<128x128xi32>
    %slice3A_1273 = vector.extract_strided_slice %sqrt3A {offsets = [0, 7296], sizes = [128, 128], strides = [1, 1]} : vector<128x8192xf32> to vector<128x128xf32>
    %add3A_1274 = arith.constant 7296 : i32
    %add3A_1275 = vector.broadcast %add3A_1274 : i32 to vector<128x128xi32>
    %add3A_1276 = arith.addi %iota3A, %add3A_1275 : vector<128x128xi32>
    %lt3A_1277 = arith.cmpf olt, %slice3A_1273, %select_n3A_1256 : vector<128x128xf32>
    %select_n3A_1278 = arith.select %lt3A_1277, %slice3A_1273, %select_n3A_1256 : vector<128x128xi1>, vector<128x128xf32>
    %select_n3A_1279 = arith.select %lt3A_1277, %add3A_1276, %select_n3A_1257 : vector<128x128xi1>, vector<128x128xi32>
    %select_n3A_1280 = arith.select %lt3A_1277, %select_n3A_1256, %slice3A_1273 : vector<128x128xi1>, vector<128x128xf32>
    %select_n3A_1281 = arith.select %lt3A_1277, %select_n3A_1257, %add3A_1276 : vector<128x128xi1>, vector<128x128xi32>
    %lt3A_1282 = arith.cmpf olt, %select_n3A_1280, %select_n3A_1261 : vector<128x128xf32>
    %select_n3A_1283 = arith.select %lt3A_1282, %select_n3A_1280, %select_n3A_1261 : vector<128x128xi1>, vector<128x128xf32>
    %select_n3A_1284 = arith.select %lt3A_1282, %select_n3A_1281, %select_n3A_1262 : vector<128x128xi1>, vector<128x128xi32>
    %select_n3A_1285 = arith.select %lt3A_1282, %select_n3A_1261, %select_n3A_1280 : vector<128x128xi1>, vector<128x128xf32>
    %select_n3A_1286 = arith.select %lt3A_1282, %select_n3A_1262, %select_n3A_1281 : vector<128x128xi1>, vector<128x128xi32>
    %lt3A_1287 = arith.cmpf olt, %select_n3A_1285, %select_n3A_1266 : vector<128x128xf32>
    %select_n3A_1288 = arith.select %lt3A_1287, %select_n3A_1285, %select_n3A_1266 : vector<128x128xi1>, vector<128x128xf32>
    %select_n3A_1289 = arith.select %lt3A_1287, %select_n3A_1286, %select_n3A_1267 : vector<128x128xi1>, vector<128x128xi32>
    %select_n3A_1290 = arith.select %lt3A_1287, %select_n3A_1266, %select_n3A_1285 : vector<128x128xi1>, vector<128x128xf32>
    %select_n3A_1291 = arith.select %lt3A_1287, %select_n3A_1267, %select_n3A_1286 : vector<128x128xi1>, vector<128x128xi32>
    %lt3A_1292 = arith.cmpf olt, %select_n3A_1290, %select_n3A_1271 : vector<128x128xf32>
    %select_n3A_1293 = arith.select %lt3A_1292, %select_n3A_1290, %select_n3A_1271 : vector<128x128xi1>, vector<128x128xf32>
    %select_n3A_1294 = arith.select %lt3A_1292, %select_n3A_1291, %select_n3A_1272 : vector<128x128xi1>, vector<128x128xi32>
    %slice3A_1295 = vector.extract_strided_slice %sqrt3A {offsets = [0, 7424], sizes = [128, 128], strides = [1, 1]} : vector<128x8192xf32> to vector<128x128xf32>
    %add3A_1296 = arith.constant 7424 : i32
    %add3A_1297 = vector.broadcast %add3A_1296 : i32 to vector<128x128xi32>
    %add3A_1298 = arith.addi %iota3A, %add3A_1297 : vector<128x128xi32>
    %lt3A_1299 = arith.cmpf olt, %slice3A_1295, %select_n3A_1278 : vector<128x128xf32>
    %select_n3A_1300 = arith.select %lt3A_1299, %slice3A_1295, %select_n3A_1278 : vector<128x128xi1>, vector<128x128xf32>
    %select_n3A_1301 = arith.select %lt3A_1299, %add3A_1298, %select_n3A_1279 : vector<128x128xi1>, vector<128x128xi32>
    %select_n3A_1302 = arith.select %lt3A_1299, %select_n3A_1278, %slice3A_1295 : vector<128x128xi1>, vector<128x128xf32>
    %select_n3A_1303 = arith.select %lt3A_1299, %select_n3A_1279, %add3A_1298 : vector<128x128xi1>, vector<128x128xi32>
    %lt3A_1304 = arith.cmpf olt, %select_n3A_1302, %select_n3A_1283 : vector<128x128xf32>
    %select_n3A_1305 = arith.select %lt3A_1304, %select_n3A_1302, %select_n3A_1283 : vector<128x128xi1>, vector<128x128xf32>
    %select_n3A_1306 = arith.select %lt3A_1304, %select_n3A_1303, %select_n3A_1284 : vector<128x128xi1>, vector<128x128xi32>
    %select_n3A_1307 = arith.select %lt3A_1304, %select_n3A_1283, %select_n3A_1302 : vector<128x128xi1>, vector<128x128xf32>
    %select_n3A_1308 = arith.select %lt3A_1304, %select_n3A_1284, %select_n3A_1303 : vector<128x128xi1>, vector<128x128xi32>
    %lt3A_1309 = arith.cmpf olt, %select_n3A_1307, %select_n3A_1288 : vector<128x128xf32>
    %select_n3A_1310 = arith.select %lt3A_1309, %select_n3A_1307, %select_n3A_1288 : vector<128x128xi1>, vector<128x128xf32>
    %select_n3A_1311 = arith.select %lt3A_1309, %select_n3A_1308, %select_n3A_1289 : vector<128x128xi1>, vector<128x128xi32>
    %select_n3A_1312 = arith.select %lt3A_1309, %select_n3A_1288, %select_n3A_1307 : vector<128x128xi1>, vector<128x128xf32>
    %select_n3A_1313 = arith.select %lt3A_1309, %select_n3A_1289, %select_n3A_1308 : vector<128x128xi1>, vector<128x128xi32>
    %lt3A_1314 = arith.cmpf olt, %select_n3A_1312, %select_n3A_1293 : vector<128x128xf32>
    %select_n3A_1315 = arith.select %lt3A_1314, %select_n3A_1312, %select_n3A_1293 : vector<128x128xi1>, vector<128x128xf32>
    %select_n3A_1316 = arith.select %lt3A_1314, %select_n3A_1313, %select_n3A_1294 : vector<128x128xi1>, vector<128x128xi32>
    %slice3A_1317 = vector.extract_strided_slice %sqrt3A {offsets = [0, 7552], sizes = [128, 128], strides = [1, 1]} : vector<128x8192xf32> to vector<128x128xf32>
    %add3A_1318 = arith.constant 7552 : i32
    %add3A_1319 = vector.broadcast %add3A_1318 : i32 to vector<128x128xi32>
    %add3A_1320 = arith.addi %iota3A, %add3A_1319 : vector<128x128xi32>
    %lt3A_1321 = arith.cmpf olt, %slice3A_1317, %select_n3A_1300 : vector<128x128xf32>
    %select_n3A_1322 = arith.select %lt3A_1321, %slice3A_1317, %select_n3A_1300 : vector<128x128xi1>, vector<128x128xf32>
    %select_n3A_1323 = arith.select %lt3A_1321, %add3A_1320, %select_n3A_1301 : vector<128x128xi1>, vector<128x128xi32>
    %select_n3A_1324 = arith.select %lt3A_1321, %select_n3A_1300, %slice3A_1317 : vector<128x128xi1>, vector<128x128xf32>
    %select_n3A_1325 = arith.select %lt3A_1321, %select_n3A_1301, %add3A_1320 : vector<128x128xi1>, vector<128x128xi32>
    %lt3A_1326 = arith.cmpf olt, %select_n3A_1324, %select_n3A_1305 : vector<128x128xf32>
    %select_n3A_1327 = arith.select %lt3A_1326, %select_n3A_1324, %select_n3A_1305 : vector<128x128xi1>, vector<128x128xf32>
    %select_n3A_1328 = arith.select %lt3A_1326, %select_n3A_1325, %select_n3A_1306 : vector<128x128xi1>, vector<128x128xi32>
    %select_n3A_1329 = arith.select %lt3A_1326, %select_n3A_1305, %select_n3A_1324 : vector<128x128xi1>, vector<128x128xf32>
    %select_n3A_1330 = arith.select %lt3A_1326, %select_n3A_1306, %select_n3A_1325 : vector<128x128xi1>, vector<128x128xi32>
    %lt3A_1331 = arith.cmpf olt, %select_n3A_1329, %select_n3A_1310 : vector<128x128xf32>
    %select_n3A_1332 = arith.select %lt3A_1331, %select_n3A_1329, %select_n3A_1310 : vector<128x128xi1>, vector<128x128xf32>
    %select_n3A_1333 = arith.select %lt3A_1331, %select_n3A_1330, %select_n3A_1311 : vector<128x128xi1>, vector<128x128xi32>
    %select_n3A_1334 = arith.select %lt3A_1331, %select_n3A_1310, %select_n3A_1329 : vector<128x128xi1>, vector<128x128xf32>
    %select_n3A_1335 = arith.select %lt3A_1331, %select_n3A_1311, %select_n3A_1330 : vector<128x128xi1>, vector<128x128xi32>
    %lt3A_1336 = arith.cmpf olt, %select_n3A_1334, %select_n3A_1315 : vector<128x128xf32>
    %select_n3A_1337 = arith.select %lt3A_1336, %select_n3A_1334, %select_n3A_1315 : vector<128x128xi1>, vector<128x128xf32>
    %select_n3A_1338 = arith.select %lt3A_1336, %select_n3A_1335, %select_n3A_1316 : vector<128x128xi1>, vector<128x128xi32>
    %slice3A_1339 = vector.extract_strided_slice %sqrt3A {offsets = [0, 7680], sizes = [128, 128], strides = [1, 1]} : vector<128x8192xf32> to vector<128x128xf32>
    %add3A_1340 = arith.constant 7680 : i32
    %add3A_1341 = vector.broadcast %add3A_1340 : i32 to vector<128x128xi32>
    %add3A_1342 = arith.addi %iota3A, %add3A_1341 : vector<128x128xi32>
    %lt3A_1343 = arith.cmpf olt, %slice3A_1339, %select_n3A_1322 : vector<128x128xf32>
    %select_n3A_1344 = arith.select %lt3A_1343, %slice3A_1339, %select_n3A_1322 : vector<128x128xi1>, vector<128x128xf32>
    %select_n3A_1345 = arith.select %lt3A_1343, %add3A_1342, %select_n3A_1323 : vector<128x128xi1>, vector<128x128xi32>
    %select_n3A_1346 = arith.select %lt3A_1343, %select_n3A_1322, %slice3A_1339 : vector<128x128xi1>, vector<128x128xf32>
    %select_n3A_1347 = arith.select %lt3A_1343, %select_n3A_1323, %add3A_1342 : vector<128x128xi1>, vector<128x128xi32>
    %lt3A_1348 = arith.cmpf olt, %select_n3A_1346, %select_n3A_1327 : vector<128x128xf32>
    %select_n3A_1349 = arith.select %lt3A_1348, %select_n3A_1346, %select_n3A_1327 : vector<128x128xi1>, vector<128x128xf32>
    %select_n3A_1350 = arith.select %lt3A_1348, %select_n3A_1347, %select_n3A_1328 : vector<128x128xi1>, vector<128x128xi32>
    %select_n3A_1351 = arith.select %lt3A_1348, %select_n3A_1327, %select_n3A_1346 : vector<128x128xi1>, vector<128x128xf32>
    %select_n3A_1352 = arith.select %lt3A_1348, %select_n3A_1328, %select_n3A_1347 : vector<128x128xi1>, vector<128x128xi32>
    %lt3A_1353 = arith.cmpf olt, %select_n3A_1351, %select_n3A_1332 : vector<128x128xf32>
    %select_n3A_1354 = arith.select %lt3A_1353, %select_n3A_1351, %select_n3A_1332 : vector<128x128xi1>, vector<128x128xf32>
    %select_n3A_1355 = arith.select %lt3A_1353, %select_n3A_1352, %select_n3A_1333 : vector<128x128xi1>, vector<128x128xi32>
    %select_n3A_1356 = arith.select %lt3A_1353, %select_n3A_1332, %select_n3A_1351 : vector<128x128xi1>, vector<128x128xf32>
    %select_n3A_1357 = arith.select %lt3A_1353, %select_n3A_1333, %select_n3A_1352 : vector<128x128xi1>, vector<128x128xi32>
    %lt3A_1358 = arith.cmpf olt, %select_n3A_1356, %select_n3A_1337 : vector<128x128xf32>
    %select_n3A_1359 = arith.select %lt3A_1358, %select_n3A_1356, %select_n3A_1337 : vector<128x128xi1>, vector<128x128xf32>
    %select_n3A_1360 = arith.select %lt3A_1358, %select_n3A_1357, %select_n3A_1338 : vector<128x128xi1>, vector<128x128xi32>
    %slice3A_1361 = vector.extract_strided_slice %sqrt3A {offsets = [0, 7808], sizes = [128, 128], strides = [1, 1]} : vector<128x8192xf32> to vector<128x128xf32>
    %add3A_1362 = arith.constant 7808 : i32
    %add3A_1363 = vector.broadcast %add3A_1362 : i32 to vector<128x128xi32>
    %add3A_1364 = arith.addi %iota3A, %add3A_1363 : vector<128x128xi32>
    %lt3A_1365 = arith.cmpf olt, %slice3A_1361, %select_n3A_1344 : vector<128x128xf32>
    %select_n3A_1366 = arith.select %lt3A_1365, %slice3A_1361, %select_n3A_1344 : vector<128x128xi1>, vector<128x128xf32>
    %select_n3A_1367 = arith.select %lt3A_1365, %add3A_1364, %select_n3A_1345 : vector<128x128xi1>, vector<128x128xi32>
    %select_n3A_1368 = arith.select %lt3A_1365, %select_n3A_1344, %slice3A_1361 : vector<128x128xi1>, vector<128x128xf32>
    %select_n3A_1369 = arith.select %lt3A_1365, %select_n3A_1345, %add3A_1364 : vector<128x128xi1>, vector<128x128xi32>
    %lt3A_1370 = arith.cmpf olt, %select_n3A_1368, %select_n3A_1349 : vector<128x128xf32>
    %select_n3A_1371 = arith.select %lt3A_1370, %select_n3A_1368, %select_n3A_1349 : vector<128x128xi1>, vector<128x128xf32>
    %select_n3A_1372 = arith.select %lt3A_1370, %select_n3A_1369, %select_n3A_1350 : vector<128x128xi1>, vector<128x128xi32>
    %select_n3A_1373 = arith.select %lt3A_1370, %select_n3A_1349, %select_n3A_1368 : vector<128x128xi1>, vector<128x128xf32>
    %select_n3A_1374 = arith.select %lt3A_1370, %select_n3A_1350, %select_n3A_1369 : vector<128x128xi1>, vector<128x128xi32>
    %lt3A_1375 = arith.cmpf olt, %select_n3A_1373, %select_n3A_1354 : vector<128x128xf32>
    %select_n3A_1376 = arith.select %lt3A_1375, %select_n3A_1373, %select_n3A_1354 : vector<128x128xi1>, vector<128x128xf32>
    %select_n3A_1377 = arith.select %lt3A_1375, %select_n3A_1374, %select_n3A_1355 : vector<128x128xi1>, vector<128x128xi32>
    %select_n3A_1378 = arith.select %lt3A_1375, %select_n3A_1354, %select_n3A_1373 : vector<128x128xi1>, vector<128x128xf32>
    %select_n3A_1379 = arith.select %lt3A_1375, %select_n3A_1355, %select_n3A_1374 : vector<128x128xi1>, vector<128x128xi32>
    %lt3A_1380 = arith.cmpf olt, %select_n3A_1378, %select_n3A_1359 : vector<128x128xf32>
    %select_n3A_1381 = arith.select %lt3A_1380, %select_n3A_1378, %select_n3A_1359 : vector<128x128xi1>, vector<128x128xf32>
    %select_n3A_1382 = arith.select %lt3A_1380, %select_n3A_1379, %select_n3A_1360 : vector<128x128xi1>, vector<128x128xi32>
    %slice3A_1383 = vector.extract_strided_slice %sqrt3A {offsets = [0, 7936], sizes = [128, 128], strides = [1, 1]} : vector<128x8192xf32> to vector<128x128xf32>
    %add3A_1384 = arith.constant 7936 : i32
    %add3A_1385 = vector.broadcast %add3A_1384 : i32 to vector<128x128xi32>
    %add3A_1386 = arith.addi %iota3A, %add3A_1385 : vector<128x128xi32>
    %lt3A_1387 = arith.cmpf olt, %slice3A_1383, %select_n3A_1366 : vector<128x128xf32>
    %select_n3A_1388 = arith.select %lt3A_1387, %slice3A_1383, %select_n3A_1366 : vector<128x128xi1>, vector<128x128xf32>
    %select_n3A_1389 = arith.select %lt3A_1387, %add3A_1386, %select_n3A_1367 : vector<128x128xi1>, vector<128x128xi32>
    %select_n3A_1390 = arith.select %lt3A_1387, %select_n3A_1366, %slice3A_1383 : vector<128x128xi1>, vector<128x128xf32>
    %select_n3A_1391 = arith.select %lt3A_1387, %select_n3A_1367, %add3A_1386 : vector<128x128xi1>, vector<128x128xi32>
    %lt3A_1392 = arith.cmpf olt, %select_n3A_1390, %select_n3A_1371 : vector<128x128xf32>
    %select_n3A_1393 = arith.select %lt3A_1392, %select_n3A_1390, %select_n3A_1371 : vector<128x128xi1>, vector<128x128xf32>
    %select_n3A_1394 = arith.select %lt3A_1392, %select_n3A_1391, %select_n3A_1372 : vector<128x128xi1>, vector<128x128xi32>
    %select_n3A_1395 = arith.select %lt3A_1392, %select_n3A_1371, %select_n3A_1390 : vector<128x128xi1>, vector<128x128xf32>
    %select_n3A_1396 = arith.select %lt3A_1392, %select_n3A_1372, %select_n3A_1391 : vector<128x128xi1>, vector<128x128xi32>
    %lt3A_1397 = arith.cmpf olt, %select_n3A_1395, %select_n3A_1376 : vector<128x128xf32>
    %select_n3A_1398 = arith.select %lt3A_1397, %select_n3A_1395, %select_n3A_1376 : vector<128x128xi1>, vector<128x128xf32>
    %select_n3A_1399 = arith.select %lt3A_1397, %select_n3A_1396, %select_n3A_1377 : vector<128x128xi1>, vector<128x128xi32>
    %select_n3A_1400 = arith.select %lt3A_1397, %select_n3A_1376, %select_n3A_1395 : vector<128x128xi1>, vector<128x128xf32>
    %select_n3A_1401 = arith.select %lt3A_1397, %select_n3A_1377, %select_n3A_1396 : vector<128x128xi1>, vector<128x128xi32>
    %lt3A_1402 = arith.cmpf olt, %select_n3A_1400, %select_n3A_1381 : vector<128x128xf32>
    %select_n3A_1403 = arith.select %lt3A_1402, %select_n3A_1400, %select_n3A_1381 : vector<128x128xi1>, vector<128x128xf32>
    %select_n3A_1404 = arith.select %lt3A_1402, %select_n3A_1401, %select_n3A_1382 : vector<128x128xi1>, vector<128x128xi32>
    %slice3A_1405 = vector.extract_strided_slice %sqrt3A {offsets = [0, 8064], sizes = [128, 128], strides = [1, 1]} : vector<128x8192xf32> to vector<128x128xf32>
    %add3A_1406 = arith.constant 8064 : i32
    %add3A_1407 = vector.broadcast %add3A_1406 : i32 to vector<128x128xi32>
    %add3A_1408 = arith.addi %iota3A, %add3A_1407 : vector<128x128xi32>
    %lt3A_1409 = arith.cmpf olt, %slice3A_1405, %select_n3A_1388 : vector<128x128xf32>
    %select_n3A_1410 = arith.select %lt3A_1409, %slice3A_1405, %select_n3A_1388 : vector<128x128xi1>, vector<128x128xf32>
    %select_n3A_1411 = arith.select %lt3A_1409, %add3A_1408, %select_n3A_1389 : vector<128x128xi1>, vector<128x128xi32>
    %select_n3A_1412 = arith.select %lt3A_1409, %select_n3A_1388, %slice3A_1405 : vector<128x128xi1>, vector<128x128xf32>
    %select_n3A_1413 = arith.select %lt3A_1409, %select_n3A_1389, %add3A_1408 : vector<128x128xi1>, vector<128x128xi32>
    %lt3A_1414 = arith.cmpf olt, %select_n3A_1412, %select_n3A_1393 : vector<128x128xf32>
    %select_n3A_1415 = arith.select %lt3A_1414, %select_n3A_1412, %select_n3A_1393 : vector<128x128xi1>, vector<128x128xf32>
    %select_n3A_1416 = arith.select %lt3A_1414, %select_n3A_1413, %select_n3A_1394 : vector<128x128xi1>, vector<128x128xi32>
    %select_n3A_1417 = arith.select %lt3A_1414, %select_n3A_1393, %select_n3A_1412 : vector<128x128xi1>, vector<128x128xf32>
    %select_n3A_1418 = arith.select %lt3A_1414, %select_n3A_1394, %select_n3A_1413 : vector<128x128xi1>, vector<128x128xi32>
    %lt3A_1419 = arith.cmpf olt, %select_n3A_1417, %select_n3A_1398 : vector<128x128xf32>
    %select_n3A_1420 = arith.select %lt3A_1419, %select_n3A_1417, %select_n3A_1398 : vector<128x128xi1>, vector<128x128xf32>
    %select_n3A_1421 = arith.select %lt3A_1419, %select_n3A_1418, %select_n3A_1399 : vector<128x128xi1>, vector<128x128xi32>
    %select_n3A_1422 = arith.select %lt3A_1419, %select_n3A_1398, %select_n3A_1417 : vector<128x128xi1>, vector<128x128xf32>
    %select_n3A_1423 = arith.select %lt3A_1419, %select_n3A_1399, %select_n3A_1418 : vector<128x128xi1>, vector<128x128xi32>
    %lt3A_1424 = arith.cmpf olt, %select_n3A_1422, %select_n3A_1403 : vector<128x128xf32>
    %select_n3A_1425 = arith.select %lt3A_1424, %select_n3A_1422, %select_n3A_1403 : vector<128x128xi1>, vector<128x128xf32>
    %select_n3A_1426 = arith.select %lt3A_1424, %select_n3A_1423, %select_n3A_1404 : vector<128x128xi1>, vector<128x128xi32>
    %concatenate3A = tpu.concatenate %select_n3A_1410, %select_n3A_1415, %select_n3A_1420, %select_n3A_1425 in 1 : vector<128x128xf32>, vector<128x128xf32>, vector<128x128xf32>, vector<128x128xf32> -> vector<128x512xf32>
    %concatenate3A_1427 = tpu.concatenate %select_n3A_1411, %select_n3A_1416, %select_n3A_1421, %select_n3A_1426 in 1 : vector<128x128xi32>, vector<128x128xi32>, vector<128x128xi32>, vector<128x128xi32> -> vector<128x512xi32>
    %reduce_min3A = arith.constant dense<0x7F800000> : vector<128xf32>
    %reduce_min3A_1428 = vector.multi_reduction <minimumf>, %concatenate3A, %reduce_min3A [1] : vector<128x512xf32> to vector<128xf32>
    %broadcast_in_dim3A_1429 = vector.shape_cast %reduce_min3A_1428 : vector<128xf32> to vector<128x1xf32>
    %eq3A = vector.broadcast %broadcast_in_dim3A_1429 : vector<128x1xf32> to vector<128x512xf32>
    %eq3A_1430 = arith.cmpf oeq, %concatenate3A, %eq3A : vector<128x512xf32>
    %jit3A = arith.constant 1073741824 : i32
    %broadcast_in_dim3A_1431 = vector.broadcast %jit3A : i32 to vector<128x512xi32>
    %select_n3A_1432 = arith.select %eq3A_1430, %concatenate3A_1427, %broadcast_in_dim3A_1431 : vector<128x512xi1>, vector<128x512xi32>
    %reduce_min3A_1433 = arith.constant dense<2147483647> : vector<128xi32>
    %reduce_min3A_1434 = vector.multi_reduction <minsi>, %select_n3A_1432, %reduce_min3A_1433 [1] : vector<128x512xi32> to vector<128xi32>
    %broadcast_in_dim3A_1435 = vector.shape_cast %reduce_min3A_1434 : vector<128xi32> to vector<128x1xi32>
    %eq3A_1436 = vector.broadcast %broadcast_in_dim3A_1435 : vector<128x1xi32> to vector<128x512xi32>
    %eq3A_1437 = arith.cmpi eq, %concatenate3A_1427, %eq3A_1436 : vector<128x512xi32>
    %jit3A_1438 = arith.constant 0x7F800000 : f32
    %broadcast_in_dim3A_1439 = vector.broadcast %jit3A_1438 : f32 to vector<128x512xf32>
    %select_n3A_1440 = arith.select %eq3A_1437, %broadcast_in_dim3A_1439, %concatenate3A : vector<128x512xi1>, vector<128x512xf32>
    %reduce_min3A_1441 = arith.constant dense<0x7F800000> : vector<128xf32>
    %reduce_min3A_1442 = vector.multi_reduction <minimumf>, %select_n3A_1440, %reduce_min3A_1441 [1] : vector<128x512xf32> to vector<128xf32>
    %broadcast_in_dim3A_1443 = vector.shape_cast %reduce_min3A_1442 : vector<128xf32> to vector<128x1xf32>
    %eq3A_1444 = vector.broadcast %broadcast_in_dim3A_1443 : vector<128x1xf32> to vector<128x512xf32>
    %eq3A_1445 = arith.cmpf oeq, %select_n3A_1440, %eq3A_1444 : vector<128x512xf32>
    %jit3A_1446 = arith.constant 1073741824 : i32
    %broadcast_in_dim3A_1447 = vector.broadcast %jit3A_1446 : i32 to vector<128x512xi32>
    %select_n3A_1448 = arith.select %eq3A_1445, %concatenate3A_1427, %broadcast_in_dim3A_1447 : vector<128x512xi1>, vector<128x512xi32>
    %reduce_min3A_1449 = arith.constant dense<2147483647> : vector<128xi32>
    %reduce_min3A_1450 = vector.multi_reduction <minsi>, %select_n3A_1448, %reduce_min3A_1449 [1] : vector<128x512xi32> to vector<128xi32>
    %broadcast_in_dim3A_1451 = vector.shape_cast %reduce_min3A_1450 : vector<128xi32> to vector<128x1xi32>
    %eq3A_1452 = vector.broadcast %broadcast_in_dim3A_1451 : vector<128x1xi32> to vector<128x512xi32>
    %eq3A_1453 = arith.cmpi eq, %concatenate3A_1427, %eq3A_1452 : vector<128x512xi32>
    %jit3A_1454 = arith.constant 0x7F800000 : f32
    %broadcast_in_dim3A_1455 = vector.broadcast %jit3A_1454 : f32 to vector<128x512xf32>
    %select_n3A_1456 = arith.select %eq3A_1453, %broadcast_in_dim3A_1455, %select_n3A_1440 : vector<128x512xi1>, vector<128x512xf32>
    %reduce_min3A_1457 = arith.constant dense<0x7F800000> : vector<128xf32>
    %reduce_min3A_1458 = vector.multi_reduction <minimumf>, %select_n3A_1456, %reduce_min3A_1457 [1] : vector<128x512xf32> to vector<128xf32>
    %broadcast_in_dim3A_1459 = vector.shape_cast %reduce_min3A_1458 : vector<128xf32> to vector<128x1xf32>
    %eq3A_1460 = vector.broadcast %broadcast_in_dim3A_1459 : vector<128x1xf32> to vector<128x512xf32>
    %eq3A_1461 = arith.cmpf oeq, %select_n3A_1456, %eq3A_1460 : vector<128x512xf32>
    %jit3A_1462 = arith.constant 1073741824 : i32
    %broadcast_in_dim3A_1463 = vector.broadcast %jit3A_1462 : i32 to vector<128x512xi32>
    %select_n3A_1464 = arith.select %eq3A_1461, %concatenate3A_1427, %broadcast_in_dim3A_1463 : vector<128x512xi1>, vector<128x512xi32>
    %reduce_min3A_1465 = arith.constant dense<2147483647> : vector<128xi32>
    %reduce_min3A_1466 = vector.multi_reduction <minsi>, %select_n3A_1464, %reduce_min3A_1465 [1] : vector<128x512xi32> to vector<128xi32>
    %broadcast_in_dim3A_1467 = vector.shape_cast %reduce_min3A_1466 : vector<128xi32> to vector<128x1xi32>
    %eq3A_1468 = vector.broadcast %broadcast_in_dim3A_1467 : vector<128x1xi32> to vector<128x512xi32>
    %eq3A_1469 = arith.cmpi eq, %concatenate3A_1427, %eq3A_1468 : vector<128x512xi32>
    %jit3A_1470 = arith.constant 0x7F800000 : f32
    %broadcast_in_dim3A_1471 = vector.broadcast %jit3A_1470 : f32 to vector<128x512xf32>
    %select_n3A_1472 = arith.select %eq3A_1469, %broadcast_in_dim3A_1471, %select_n3A_1456 : vector<128x512xi1>, vector<128x512xf32>
    %reduce_min3A_1473 = arith.constant dense<0x7F800000> : vector<128xf32>
    %reduce_min3A_1474 = vector.multi_reduction <minimumf>, %select_n3A_1472, %reduce_min3A_1473 [1] : vector<128x512xf32> to vector<128xf32>
    %broadcast_in_dim3A_1475 = vector.shape_cast %reduce_min3A_1474 : vector<128xf32> to vector<128x1xf32>
    %eq3A_1476 = vector.broadcast %broadcast_in_dim3A_1475 : vector<128x1xf32> to vector<128x512xf32>
    %eq3A_1477 = arith.cmpf oeq, %select_n3A_1472, %eq3A_1476 : vector<128x512xf32>
    %jit3A_1478 = arith.constant 1073741824 : i32
    %broadcast_in_dim3A_1479 = vector.broadcast %jit3A_1478 : i32 to vector<128x512xi32>
    %select_n3A_1480 = arith.select %eq3A_1477, %concatenate3A_1427, %broadcast_in_dim3A_1479 : vector<128x512xi1>, vector<128x512xi32>
    %reduce_min3A_1481 = arith.constant dense<2147483647> : vector<128xi32>
    %reduce_min3A_1482 = vector.multi_reduction <minsi>, %select_n3A_1480, %reduce_min3A_1481 [1] : vector<128x512xi32> to vector<128xi32>
    %broadcast_in_dim3A_1483 = vector.shape_cast %reduce_min3A_1482 : vector<128xi32> to vector<128x1xi32>
    %eq3A_1484 = vector.broadcast %broadcast_in_dim3A_1483 : vector<128x1xi32> to vector<128x512xi32>
    %eq3A_1485 = arith.cmpi eq, %concatenate3A_1427, %eq3A_1484 : vector<128x512xi32>
    %jit3A_1486 = arith.constant 0x7F800000 : f32
    %broadcast_in_dim3A_1487 = vector.broadcast %jit3A_1486 : f32 to vector<128x512xf32>
    %select_n3A_1488 = arith.select %eq3A_1485, %broadcast_in_dim3A_1487, %select_n3A_1472 : vector<128x512xi1>, vector<128x512xf32>
    %reduce_min3A_1489 = arith.constant dense<0x7F800000> : vector<128xf32>
    %reduce_min3A_1490 = vector.multi_reduction <minimumf>, %select_n3A_1488, %reduce_min3A_1489 [1] : vector<128x512xf32> to vector<128xf32>
    %broadcast_in_dim3A_1491 = vector.shape_cast %reduce_min3A_1490 : vector<128xf32> to vector<128x1xf32>
    %eq3A_1492 = vector.broadcast %broadcast_in_dim3A_1491 : vector<128x1xf32> to vector<128x512xf32>
    %eq3A_1493 = arith.cmpf oeq, %select_n3A_1488, %eq3A_1492 : vector<128x512xf32>
    %jit3A_1494 = arith.constant 1073741824 : i32
    %broadcast_in_dim3A_1495 = vector.broadcast %jit3A_1494 : i32 to vector<128x512xi32>
    %select_n3A_1496 = arith.select %eq3A_1493, %concatenate3A_1427, %broadcast_in_dim3A_1495 : vector<128x512xi1>, vector<128x512xi32>
    %reduce_min3A_1497 = arith.constant dense<2147483647> : vector<128xi32>
    %reduce_min3A_1498 = vector.multi_reduction <minsi>, %select_n3A_1496, %reduce_min3A_1497 [1] : vector<128x512xi32> to vector<128xi32>
    %broadcast_in_dim3A_1499 = vector.shape_cast %reduce_min3A_1498 : vector<128xi32> to vector<128x1xi32>
    %eq3A_1500 = vector.broadcast %broadcast_in_dim3A_1499 : vector<128x1xi32> to vector<128x512xi32>
    %eq3A_1501 = arith.cmpi eq, %concatenate3A_1427, %eq3A_1500 : vector<128x512xi32>
    %jit3A_1502 = arith.constant 0x7F800000 : f32
    %broadcast_in_dim3A_1503 = vector.broadcast %jit3A_1502 : f32 to vector<128x512xf32>
    %select_n3A_1504 = arith.select %eq3A_1501, %broadcast_in_dim3A_1503, %select_n3A_1488 : vector<128x512xi1>, vector<128x512xf32>
    %reduce_min3A_1505 = arith.constant dense<0x7F800000> : vector<128xf32>
    %reduce_min3A_1506 = vector.multi_reduction <minimumf>, %select_n3A_1504, %reduce_min3A_1505 [1] : vector<128x512xf32> to vector<128xf32>
    %broadcast_in_dim3A_1507 = vector.shape_cast %reduce_min3A_1506 : vector<128xf32> to vector<128x1xf32>
    %eq3A_1508 = vector.broadcast %broadcast_in_dim3A_1507 : vector<128x1xf32> to vector<128x512xf32>
    %eq3A_1509 = arith.cmpf oeq, %select_n3A_1504, %eq3A_1508 : vector<128x512xf32>
    %jit3A_1510 = arith.constant 1073741824 : i32
    %broadcast_in_dim3A_1511 = vector.broadcast %jit3A_1510 : i32 to vector<128x512xi32>
    %select_n3A_1512 = arith.select %eq3A_1509, %concatenate3A_1427, %broadcast_in_dim3A_1511 : vector<128x512xi1>, vector<128x512xi32>
    %reduce_min3A_1513 = arith.constant dense<2147483647> : vector<128xi32>
    %reduce_min3A_1514 = vector.multi_reduction <minsi>, %select_n3A_1512, %reduce_min3A_1513 [1] : vector<128x512xi32> to vector<128xi32>
    %broadcast_in_dim3A_1515 = vector.shape_cast %reduce_min3A_1514 : vector<128xi32> to vector<128x1xi32>
    %eq3A_1516 = vector.broadcast %broadcast_in_dim3A_1515 : vector<128x1xi32> to vector<128x512xi32>
    %eq3A_1517 = arith.cmpi eq, %concatenate3A_1427, %eq3A_1516 : vector<128x512xi32>
    %jit3A_1518 = arith.constant 0x7F800000 : f32
    %broadcast_in_dim3A_1519 = vector.broadcast %jit3A_1518 : f32 to vector<128x512xf32>
    %select_n3A_1520 = arith.select %eq3A_1517, %broadcast_in_dim3A_1519, %select_n3A_1504 : vector<128x512xi1>, vector<128x512xf32>
    %reduce_min3A_1521 = arith.constant dense<0x7F800000> : vector<128xf32>
    %reduce_min3A_1522 = vector.multi_reduction <minimumf>, %select_n3A_1520, %reduce_min3A_1521 [1] : vector<128x512xf32> to vector<128xf32>
    %broadcast_in_dim3A_1523 = vector.shape_cast %reduce_min3A_1522 : vector<128xf32> to vector<128x1xf32>
    %eq3A_1524 = vector.broadcast %broadcast_in_dim3A_1523 : vector<128x1xf32> to vector<128x512xf32>
    %eq3A_1525 = arith.cmpf oeq, %select_n3A_1520, %eq3A_1524 : vector<128x512xf32>
    %jit3A_1526 = arith.constant 1073741824 : i32
    %broadcast_in_dim3A_1527 = vector.broadcast %jit3A_1526 : i32 to vector<128x512xi32>
    %select_n3A_1528 = arith.select %eq3A_1525, %concatenate3A_1427, %broadcast_in_dim3A_1527 : vector<128x512xi1>, vector<128x512xi32>
    %reduce_min3A_1529 = arith.constant dense<2147483647> : vector<128xi32>
    %reduce_min3A_1530 = vector.multi_reduction <minsi>, %select_n3A_1528, %reduce_min3A_1529 [1] : vector<128x512xi32> to vector<128xi32>
    %broadcast_in_dim3A_1531 = vector.shape_cast %reduce_min3A_1530 : vector<128xi32> to vector<128x1xi32>
    %eq3A_1532 = vector.broadcast %broadcast_in_dim3A_1531 : vector<128x1xi32> to vector<128x512xi32>
    %eq3A_1533 = arith.cmpi eq, %concatenate3A_1427, %eq3A_1532 : vector<128x512xi32>
    %jit3A_1534 = arith.constant 0x7F800000 : f32
    %broadcast_in_dim3A_1535 = vector.broadcast %jit3A_1534 : f32 to vector<128x512xf32>
    %select_n3A_1536 = arith.select %eq3A_1533, %broadcast_in_dim3A_1535, %select_n3A_1520 : vector<128x512xi1>, vector<128x512xf32>
    %reduce_min3A_1537 = arith.constant dense<0x7F800000> : vector<128xf32>
    %reduce_min3A_1538 = vector.multi_reduction <minimumf>, %select_n3A_1536, %reduce_min3A_1537 [1] : vector<128x512xf32> to vector<128xf32>
    %broadcast_in_dim3A_1539 = vector.shape_cast %reduce_min3A_1538 : vector<128xf32> to vector<128x1xf32>
    %eq3A_1540 = vector.broadcast %broadcast_in_dim3A_1539 : vector<128x1xf32> to vector<128x512xf32>
    %eq3A_1541 = arith.cmpf oeq, %select_n3A_1536, %eq3A_1540 : vector<128x512xf32>
    %jit3A_1542 = arith.constant 1073741824 : i32
    %broadcast_in_dim3A_1543 = vector.broadcast %jit3A_1542 : i32 to vector<128x512xi32>
    %select_n3A_1544 = arith.select %eq3A_1541, %concatenate3A_1427, %broadcast_in_dim3A_1543 : vector<128x512xi1>, vector<128x512xi32>
    %reduce_min3A_1545 = arith.constant dense<2147483647> : vector<128xi32>
    %reduce_min3A_1546 = vector.multi_reduction <minsi>, %select_n3A_1544, %reduce_min3A_1545 [1] : vector<128x512xi32> to vector<128xi32>
    %broadcast_in_dim3A_1547 = vector.shape_cast %reduce_min3A_1546 : vector<128xi32> to vector<128x1xi32>
    %concatenate3A_1548 = tpu.concatenate %broadcast_in_dim3A_1435, %broadcast_in_dim3A_1451, %broadcast_in_dim3A_1467, %broadcast_in_dim3A_1483, %broadcast_in_dim3A_1499, %broadcast_in_dim3A_1515, %broadcast_in_dim3A_1531, %broadcast_in_dim3A_1547 in 1 : vector<128x1xi32>, vector<128x1xi32>, vector<128x1xi32>, vector<128x1xi32>, vector<128x1xi32>, vector<128x1xi32>, vector<128x1xi32>, vector<128x1xi32> -> vector<128x8xi32>
    %le3A = vector.broadcast %broadcast_in_dim3A_1539 : vector<128x1xf32> to vector<128x128xf32>
    %le3A_1549 = arith.cmpf ole, %select_n3A_1425, %le3A : vector<128x128xf32>
    %reduce_or3A = arith.constant 1.000000e+00 : f32
    %reduce_or3A_1550 = arith.constant 0.000000e+00 : f32
    %reduce_or3A_1551 = vector.broadcast %reduce_or3A : f32 to vector<128x128xf32>
    %reduce_or3A_1552 = vector.broadcast %reduce_or3A_1550 : f32 to vector<128x128xf32>
    %reduce_or3A_1553 = arith.select %le3A_1549, %reduce_or3A_1551, %reduce_or3A_1552 : vector<128x128xi1>, vector<128x128xf32>
    %reduce_or3A_1554 = vector.shape_cast %reduce_or3A_1553 : vector<128x128xf32> to vector<1x128x128xf32>
    %reduce_or3A_1555 = arith.constant dense<0xFF800000> : vector<1xf32>
    %reduce_or3A_1556 = vector.multi_reduction <maximumf>, %reduce_or3A_1554, %reduce_or3A_1555 [1, 2] : vector<1x128x128xf32> to vector<1xf32>
    %reduce_or3A_1557 = vector.shape_cast %reduce_or3A_1556 : vector<1xf32> to vector<1x1x1xf32>
    %reduce_or3A_1558 = vector.extract %reduce_or3A_1557[0, 0, 0] : f32 from vector<1x1x1xf32>
    %reduce_or3A_1559 = arith.constant 0.000000e+00 : f32
    %reduce_or3A_1560 = arith.cmpf ogt, %reduce_or3A_1558, %reduce_or3A_1559 : f32
    %not3A = arith.constant true
    %not3A_1561 = arith.xori %reduce_or3A_1560, %not3A : i1
    %convert_element_type3A = arith.extui %not3A_1561 : i1 to i32
    %cond3A = arith.constant 0 : i32
    %cond3A_1562 = arith.cmpi ne, %convert_element_type3A, %cond3A : i32
    scf.if %cond3A_1562 {
      %swap3A = arith.constant 0 : index
      %swap3A_1566 = arith.constant 0 : index
      %swap3A_1567 = vector.load %arg5[%swap3A, %swap3A_1566] : memref<128x8xi32, #tpu.memory_space<vmem>>, vector<128x8xi32>
      tpu.vector_store %arg5[%swap3A, %swap3A_1566], %concatenate3A_1548 {strides = array<i32>} : memref<128x8xi32, #tpu.memory_space<vmem>>, vector<128x8xi32>,
    } else {
    }
    %convert_element_type3A_1563 = arith.extui %reduce_or3A_1560 : i1 to i32
    %cond3A_1564 = arith.constant 0 : i32
    %cond3A_1565 = arith.cmpi ne, %convert_element_type3A_1563, %cond3A_1564 : i32
    scf.if %cond3A_1565 {
      %iota3A_1566 = tpu.iota {dimensions = array<i32: 1>} : vector<128x8192xi32>
      %reduce_min3A_1567 = arith.constant dense<0x7F800000> : vector<128xf32>
      %reduce_min3A_1568 = vector.multi_reduction <minimumf>, %sqrt3A, %reduce_min3A_1567 [1] : vector<128x8192xf32> to vector<128xf32>
      %broadcast_in_dim3A_1569 = vector.shape_cast %reduce_min3A_1568 : vector<128xf32> to vector<128x1xf32>
      %eq3A_1570 = vector.broadcast %broadcast_in_dim3A_1569 : vector<128x1xf32> to vector<128x8192xf32>
      %eq3A_1571 = arith.cmpf oeq, %sqrt3A, %eq3A_1570 : vector<128x8192xf32>
      %jit3A_1572 = arith.constant 1073741824 : i32
      %broadcast_in_dim3A_1573 = vector.broadcast %jit3A_1572 : i32 to vector<128x8192xi32>
      %select_n3A_1574 = arith.select %eq3A_1571, %iota3A_1566, %broadcast_in_dim3A_1573 : vector<128x8192xi1>, vector<128x8192xi32>
      %reduce_min3A_1575 = arith.constant dense<2147483647> : vector<128xi32>
      %reduce_min3A_1576 = vector.multi_reduction <minsi>, %select_n3A_1574, %reduce_min3A_1575 [1] : vector<128x8192xi32> to vector<128xi32>
      %broadcast_in_dim3A_1577 = vector.shape_cast %reduce_min3A_1576 : vector<128xi32> to vector<128x1xi32>
      %eq3A_1578 = vector.broadcast %broadcast_in_dim3A_1577 : vector<128x1xi32> to vector<128x8192xi32>
      %eq3A_1579 = arith.cmpi eq, %iota3A_1566, %eq3A_1578 : vector<128x8192xi32>
      %jit3A_1580 = arith.constant 0x7F800000 : f32
      %broadcast_in_dim3A_1581 = vector.broadcast %jit3A_1580 : f32 to vector<128x8192xf32>
      %select_n3A_1582 = arith.select %eq3A_1579, %broadcast_in_dim3A_1581, %sqrt3A : vector<128x8192xi1>, vector<128x8192xf32>
      %reduce_min3A_1583 = arith.constant dense<0x7F800000> : vector<128xf32>
      %reduce_min3A_1584 = vector.multi_reduction <minimumf>, %select_n3A_1582, %reduce_min3A_1583 [1] : vector<128x8192xf32> to vector<128xf32>
      %broadcast_in_dim3A_1585 = vector.shape_cast %reduce_min3A_1584 : vector<128xf32> to vector<128x1xf32>
      %eq3A_1586 = vector.broadcast %broadcast_in_dim3A_1585 : vector<128x1xf32> to vector<128x8192xf32>
      %eq3A_1587 = arith.cmpf oeq, %select_n3A_1582, %eq3A_1586 : vector<128x8192xf32>
      %jit3A_1588 = arith.constant 1073741824 : i32
      %broadcast_in_dim3A_1589 = vector.broadcast %jit3A_1588 : i32 to vector<128x8192xi32>
      %select_n3A_1590 = arith.select %eq3A_1587, %iota3A_1566, %broadcast_in_dim3A_1589 : vector<128x8192xi1>, vector<128x8192xi32>
      %reduce_min3A_1591 = arith.constant dense<2147483647> : vector<128xi32>
      %reduce_min3A_1592 = vector.multi_reduction <minsi>, %select_n3A_1590, %reduce_min3A_1591 [1] : vector<128x8192xi32> to vector<128xi32>
      %broadcast_in_dim3A_1593 = vector.shape_cast %reduce_min3A_1592 : vector<128xi32> to vector<128x1xi32>
      %eq3A_1594 = vector.broadcast %broadcast_in_dim3A_1593 : vector<128x1xi32> to vector<128x8192xi32>
      %eq3A_1595 = arith.cmpi eq, %iota3A_1566, %eq3A_1594 : vector<128x8192xi32>
      %jit3A_1596 = arith.constant 0x7F800000 : f32
      %broadcast_in_dim3A_1597 = vector.broadcast %jit3A_1596 : f32 to vector<128x8192xf32>
      %select_n3A_1598 = arith.select %eq3A_1595, %broadcast_in_dim3A_1597, %select_n3A_1582 : vector<128x8192xi1>, vector<128x8192xf32>
      %reduce_min3A_1599 = arith.constant dense<0x7F800000> : vector<128xf32>
      %reduce_min3A_1600 = vector.multi_reduction <minimumf>, %select_n3A_1598, %reduce_min3A_1599 [1] : vector<128x8192xf32> to vector<128xf32>
      %broadcast_in_dim3A_1601 = vector.shape_cast %reduce_min3A_1600 : vector<128xf32> to vector<128x1xf32>
      %eq3A_1602 = vector.broadcast %broadcast_in_dim3A_1601 : vector<128x1xf32> to vector<128x8192xf32>
      %eq3A_1603 = arith.cmpf oeq, %select_n3A_1598, %eq3A_1602 : vector<128x8192xf32>
      %jit3A_1604 = arith.constant 1073741824 : i32
      %broadcast_in_dim3A_1605 = vector.broadcast %jit3A_1604 : i32 to vector<128x8192xi32>
      %select_n3A_1606 = arith.select %eq3A_1603, %iota3A_1566, %broadcast_in_dim3A_1605 : vector<128x8192xi1>, vector<128x8192xi32>
      %reduce_min3A_1607 = arith.constant dense<2147483647> : vector<128xi32>
      %reduce_min3A_1608 = vector.multi_reduction <minsi>, %select_n3A_1606, %reduce_min3A_1607 [1] : vector<128x8192xi32> to vector<128xi32>
      %broadcast_in_dim3A_1609 = vector.shape_cast %reduce_min3A_1608 : vector<128xi32> to vector<128x1xi32>
      %eq3A_1610 = vector.broadcast %broadcast_in_dim3A_1609 : vector<128x1xi32> to vector<128x8192xi32>
      %eq3A_1611 = arith.cmpi eq, %iota3A_1566, %eq3A_1610 : vector<128x8192xi32>
      %jit3A_1612 = arith.constant 0x7F800000 : f32
      %broadcast_in_dim3A_1613 = vector.broadcast %jit3A_1612 : f32 to vector<128x8192xf32>
      %select_n3A_1614 = arith.select %eq3A_1611, %broadcast_in_dim3A_1613, %select_n3A_1598 : vector<128x8192xi1>, vector<128x8192xf32>
      %reduce_min3A_1615 = arith.constant dense<0x7F800000> : vector<128xf32>
      %reduce_min3A_1616 = vector.multi_reduction <minimumf>, %select_n3A_1614, %reduce_min3A_1615 [1] : vector<128x8192xf32> to vector<128xf32>
      %broadcast_in_dim3A_1617 = vector.shape_cast %reduce_min3A_1616 : vector<128xf32> to vector<128x1xf32>
      %eq3A_1618 = vector.broadcast %broadcast_in_dim3A_1617 : vector<128x1xf32> to vector<128x8192xf32>
      %eq3A_1619 = arith.cmpf oeq, %select_n3A_1614, %eq3A_1618 : vector<128x8192xf32>
      %jit3A_1620 = arith.constant 1073741824 : i32
      %broadcast_in_dim3A_1621 = vector.broadcast %jit3A_1620 : i32 to vector<128x8192xi32>
      %select_n3A_1622 = arith.select %eq3A_1619, %iota3A_1566, %broadcast_in_dim3A_1621 : vector<128x8192xi1>, vector<128x8192xi32>
      %reduce_min3A_1623 = arith.constant dense<2147483647> : vector<128xi32>
      %reduce_min3A_1624 = vector.multi_reduction <minsi>, %select_n3A_1622, %reduce_min3A_1623 [1] : vector<128x8192xi32> to vector<128xi32>
      %broadcast_in_dim3A_1625 = vector.shape_cast %reduce_min3A_1624 : vector<128xi32> to vector<128x1xi32>
      %eq3A_1626 = vector.broadcast %broadcast_in_dim3A_1625 : vector<128x1xi32> to vector<128x8192xi32>
      %eq3A_1627 = arith.cmpi eq, %iota3A_1566, %eq3A_1626 : vector<128x8192xi32>
      %jit3A_1628 = arith.constant 0x7F800000 : f32
      %broadcast_in_dim3A_1629 = vector.broadcast %jit3A_1628 : f32 to vector<128x8192xf32>
      %select_n3A_1630 = arith.select %eq3A_1627, %broadcast_in_dim3A_1629, %select_n3A_1614 : vector<128x8192xi1>, vector<128x8192xf32>
      %reduce_min3A_1631 = arith.constant dense<0x7F800000> : vector<128xf32>
      %reduce_min3A_1632 = vector.multi_reduction <minimumf>, %select_n3A_1630, %reduce_min3A_1631 [1] : vector<128x8192xf32> to vector<128xf32>
      %broadcast_in_dim3A_1633 = vector.shape_cast %reduce_min3A_1632 : vector<128xf32> to vector<128x1xf32>
      %eq3A_1634 = vector.broadcast %broadcast_in_dim3A_1633 : vector<128x1xf32> to vector<128x8192xf32>
      %eq3A_1635 = arith.cmpf oeq, %select_n3A_1630, %eq3A_1634 : vector<128x8192xf32>
      %jit3A_1636 = arith.constant 1073741824 : i32
      %broadcast_in_dim3A_1637 = vector.broadcast %jit3A_1636 : i32 to vector<128x8192xi32>
      %select_n3A_1638 = arith.select %eq3A_1635, %iota3A_1566, %broadcast_in_dim3A_1637 : vector<128x8192xi1>, vector<128x8192xi32>
      %reduce_min3A_1639 = arith.constant dense<2147483647> : vector<128xi32>
      %reduce_min3A_1640 = vector.multi_reduction <minsi>, %select_n3A_1638, %reduce_min3A_1639 [1] : vector<128x8192xi32> to vector<128xi32>
      %broadcast_in_dim3A_1641 = vector.shape_cast %reduce_min3A_1640 : vector<128xi32> to vector<128x1xi32>
      %eq3A_1642 = vector.broadcast %broadcast_in_dim3A_1641 : vector<128x1xi32> to vector<128x8192xi32>
      %eq3A_1643 = arith.cmpi eq, %iota3A_1566, %eq3A_1642 : vector<128x8192xi32>
      %jit3A_1644 = arith.constant 0x7F800000 : f32
      %broadcast_in_dim3A_1645 = vector.broadcast %jit3A_1644 : f32 to vector<128x8192xf32>
      %select_n3A_1646 = arith.select %eq3A_1643, %broadcast_in_dim3A_1645, %select_n3A_1630 : vector<128x8192xi1>, vector<128x8192xf32>
      %reduce_min3A_1647 = arith.constant dense<0x7F800000> : vector<128xf32>
      %reduce_min3A_1648 = vector.multi_reduction <minimumf>, %select_n3A_1646, %reduce_min3A_1647 [1] : vector<128x8192xf32> to vector<128xf32>
      %broadcast_in_dim3A_1649 = vector.shape_cast %reduce_min3A_1648 : vector<128xf32> to vector<128x1xf32>
      %eq3A_1650 = vector.broadcast %broadcast_in_dim3A_1649 : vector<128x1xf32> to vector<128x8192xf32>
      %eq3A_1651 = arith.cmpf oeq, %select_n3A_1646, %eq3A_1650 : vector<128x8192xf32>
      %jit3A_1652 = arith.constant 1073741824 : i32
      %broadcast_in_dim3A_1653 = vector.broadcast %jit3A_1652 : i32 to vector<128x8192xi32>
      %select_n3A_1654 = arith.select %eq3A_1651, %iota3A_1566, %broadcast_in_dim3A_1653 : vector<128x8192xi1>, vector<128x8192xi32>
      %reduce_min3A_1655 = arith.constant dense<2147483647> : vector<128xi32>
      %reduce_min3A_1656 = vector.multi_reduction <minsi>, %select_n3A_1654, %reduce_min3A_1655 [1] : vector<128x8192xi32> to vector<128xi32>
      %broadcast_in_dim3A_1657 = vector.shape_cast %reduce_min3A_1656 : vector<128xi32> to vector<128x1xi32>
      %eq3A_1658 = vector.broadcast %broadcast_in_dim3A_1657 : vector<128x1xi32> to vector<128x8192xi32>
      %eq3A_1659 = arith.cmpi eq, %iota3A_1566, %eq3A_1658 : vector<128x8192xi32>
      %jit3A_1660 = arith.constant 0x7F800000 : f32
      %broadcast_in_dim3A_1661 = vector.broadcast %jit3A_1660 : f32 to vector<128x8192xf32>
      %select_n3A_1662 = arith.select %eq3A_1659, %broadcast_in_dim3A_1661, %select_n3A_1646 : vector<128x8192xi1>, vector<128x8192xf32>
      %reduce_min3A_1663 = arith.constant dense<0x7F800000> : vector<128xf32>
      %reduce_min3A_1664 = vector.multi_reduction <minimumf>, %select_n3A_1662, %reduce_min3A_1663 [1] : vector<128x8192xf32> to vector<128xf32>
      %broadcast_in_dim3A_1665 = vector.shape_cast %reduce_min3A_1664 : vector<128xf32> to vector<128x1xf32>
      %eq3A_1666 = vector.broadcast %broadcast_in_dim3A_1665 : vector<128x1xf32> to vector<128x8192xf32>
      %eq3A_1667 = arith.cmpf oeq, %select_n3A_1662, %eq3A_1666 : vector<128x8192xf32>
      %jit3A_1668 = arith.constant 1073741824 : i32
      %broadcast_in_dim3A_1669 = vector.broadcast %jit3A_1668 : i32 to vector<128x8192xi32>
      %select_n3A_1670 = arith.select %eq3A_1667, %iota3A_1566, %broadcast_in_dim3A_1669 : vector<128x8192xi1>, vector<128x8192xi32>
      %reduce_min3A_1671 = arith.constant dense<2147483647> : vector<128xi32>
      %reduce_min3A_1672 = vector.multi_reduction <minsi>, %select_n3A_1670, %reduce_min3A_1671 [1] : vector<128x8192xi32> to vector<128xi32>
      %broadcast_in_dim3A_1673 = vector.shape_cast %reduce_min3A_1672 : vector<128xi32> to vector<128x1xi32>
      %eq3A_1674 = vector.broadcast %broadcast_in_dim3A_1673 : vector<128x1xi32> to vector<128x8192xi32>
      %eq3A_1675 = arith.cmpi eq, %iota3A_1566, %eq3A_1674 : vector<128x8192xi32>
      %jit3A_1676 = arith.constant 0x7F800000 : f32
      %broadcast_in_dim3A_1677 = vector.broadcast %jit3A_1676 : f32 to vector<128x8192xf32>
      %select_n3A_1678 = arith.select %eq3A_1675, %broadcast_in_dim3A_1677, %select_n3A_1662 : vector<128x8192xi1>, vector<128x8192xf32>
      %reduce_min3A_1679 = arith.constant dense<0x7F800000> : vector<128xf32>
      %reduce_min3A_1680 = vector.multi_reduction <minimumf>, %select_n3A_1678, %reduce_min3A_1679 [1] : vector<128x8192xf32> to vector<128xf32>
      %broadcast_in_dim3A_1681 = vector.shape_cast %reduce_min3A_1680 : vector<128xf32> to vector<128x1xf32>
      %eq3A_1682 = vector.broadcast %broadcast_in_dim3A_1681 : vector<128x1xf32> to vector<128x8192xf32>
      %eq3A_1683 = arith.cmpf oeq, %select_n3A_1678, %eq3A_1682 : vector<128x8192xf32>
      %jit3A_1684 = arith.constant 1073741824 : i32
      %broadcast_in_dim3A_1685 = vector.broadcast %jit3A_1684 : i32 to vector<128x8192xi32>
      %select_n3A_1686 = arith.select %eq3A_1683, %iota3A_1566, %broadcast_in_dim3A_1685 : vector<128x8192xi1>, vector<128x8192xi32>
      %reduce_min3A_1687 = arith.constant dense<2147483647> : vector<128xi32>
      %reduce_min3A_1688 = vector.multi_reduction <minsi>, %select_n3A_1686, %reduce_min3A_1687 [1] : vector<128x8192xi32> to vector<128xi32>
      %broadcast_in_dim3A_1689 = vector.shape_cast %reduce_min3A_1688 : vector<128xi32> to vector<128x1xi32>
      %concatenate3A_1690 = tpu.concatenate %broadcast_in_dim3A_1577, %broadcast_in_dim3A_1593, %broadcast_in_dim3A_1609, %broadcast_in_dim3A_1625, %broadcast_in_dim3A_1641, %broadcast_in_dim3A_1657, %broadcast_in_dim3A_1673, %broadcast_in_dim3A_1689 in 1 : vector<128x1xi32>, vector<128x1xi32>, vector<128x1xi32>, vector<128x1xi32>, vector<128x1xi32>, vector<128x1xi32>, vector<128x1xi32>, vector<128x1xi32> -> vector<128x8xi32>
      %swap3A = arith.constant 0 : index
      %swap3A_1691 = arith.constant 0 : index
      %swap3A_1692 = vector.load %arg5[%swap3A, %swap3A_1691] : memref<128x8xi32, #tpu.memory_space<vmem>>, vector<128x8xi32>
      tpu.vector_store %arg5[%swap3A, %swap3A_1691], %concatenate3A_1690 {strides = array<i32>} : memref<128x8xi32, #tpu.memory_space<vmem>>, vector<128x8xi32>,
    } else {
    }
    return
  }
  func.func @transform_0(%arg0: i32) -> (i32, i32) {
    %c0_i32 = arith.constant 0 : i32
    %c0_i32_0 = arith.constant 0 : i32
    return %arg0, %c0_i32 : i32, i32
  }
  func.func @transform_1(%arg0: i32) -> (i32, i32) {
    %c0_i32 = arith.constant 0 : i32
    %c0_i32_0 = arith.constant 0 : i32
    %c0_i32_1 = arith.constant 0 : i32
    return %c0_i32, %c0_i32_0 : i32, i32
  }
  func.func @transform_2(%arg0: i32) -> (i32, i32) {
    %c0_i32 = arith.constant 0 : i32
    %c0_i32_0 = arith.constant 0 : i32
    return %arg0, %c0_i32 : i32, i32
  }
  func.func @transform_3(%arg0: i32) -> (i32, i32) {
    %c0_i32 = arith.constant 0 : i32
    %c0_i32_0 = arith.constant 0 : i32
    %c0_i32_1 = arith.constant 0 : i32
    return %c0_i32, %c0_i32_0 : i32, i32
  }
  func.func @transform_4(%arg0: i32) -> (i32, i32) {
    %c0_i32 = arith.constant 0 : i32
    %c0_i32_0 = arith.constant 0 : i32
    return %arg0, %c0_i32 : i32, i32
  }
}

module attributes {stable_mosaic.version = 14 : i64} {
  func.func @_tr3_out_body(%arg0: i32, %arg1: memref<1024x512xf32, #tpu.memory_space<vmem>>, %arg2: memref<512x8x128xf32, #tpu.memory_space<vmem>>) attributes {dimension_semantics = [#tpu.dimension_semantics<arbitrary>], iteration_bounds = array<i64: 16>, scalar_prefetch = 0 : i64, scratch_operands = 0 : i64, tpu.core_type = #tpu.core_type<tc>, window_params = [{transform_indices = @transform_0, window_bounds = array<i64: 1024, 512>}, {transform_indices = @transform_1, window_bounds = array<i64: 512, 8, 128>}]} {
    %get3A = arith.constant 0 : index
    %get3A_0 = arith.constant 0 : index
    %get3A_1 = vector.load %arg1[%get3A, %get3A_0] : memref<1024x512xf32, #tpu.memory_space<vmem>>, vector<1024x512xf32>
    %transpose3A = tpu.transpose %get3A_1, [1, 0] : vector<1024x512xf32> -> vector<512x1024xf32>
    %reshape3A = vector.shape_cast %transpose3A : vector<512x1024xf32> to vector<512x8x128xf32>
    %swap3A = arith.constant 0 : index
    %swap3A_2 = arith.constant 0 : index
    %swap3A_3 = arith.constant 0 : index
    %swap3A_4 = vector.load %arg2[%swap3A, %swap3A_2, %swap3A_3] : memref<512x8x128xf32, #tpu.memory_space<vmem>>, vector<512x8x128xf32>
    tpu.vector_store %arg2[%swap3A, %swap3A_2, %swap3A_3], %reshape3A {strides = array<i32>} : memref<512x8x128xf32, #tpu.memory_space<vmem>>, vector<512x8x128xf32>,
    return
  }
  func.func @transform_0(%arg0: i32) -> (i32, i32) {
    %c0_i32 = arith.constant 0 : i32
    %c0_i32_0 = arith.constant 0 : i32
    return %c0_i32, %arg0 : i32, i32
  }
  func.func @transform_1(%arg0: i32) -> (i32, i32, i32) {
    %c0_i32 = arith.constant 0 : i32
    %c0_i32_0 = arith.constant 0 : i32
    %c0_i32_1 = arith.constant 0 : i32
    return %arg0, %c0_i32, %c0_i32_0 : i32, i32, i32
  }
}

module attributes {stable_mosaic.version = 14 : i64} {
  func.func @_tr3_in_body(%arg0: i32, %arg1: memref<512x8x128xf32, #tpu.memory_space<vmem>>, %arg2: memref<1024x512xf32, #tpu.memory_space<vmem>>) attributes {dimension_semantics = [#tpu.dimension_semantics<arbitrary>], iteration_bounds = array<i64: 128>, scalar_prefetch = 0 : i64, scratch_operands = 0 : i64, tpu.core_type = #tpu.core_type<tc>, window_params = [{transform_indices = @transform_0, window_bounds = array<i64: 512, 8, 128>}, {transform_indices = @transform_1, window_bounds = array<i64: 1024, 512>}]} {
    %get3A = arith.constant 0 : index
    %get3A_0 = arith.constant 0 : index
    %get3A_1 = arith.constant 0 : index
    %get3A_2 = vector.load %arg1[%get3A, %get3A_0, %get3A_1] : memref<512x8x128xf32, #tpu.memory_space<vmem>>, vector<512x8x128xf32>
    %reshape3A = vector.shape_cast %get3A_2 : vector<512x8x128xf32> to vector<512x1024xf32>
    %transpose3A = tpu.transpose %reshape3A, [1, 0] : vector<512x1024xf32> -> vector<1024x512xf32>
    %swap3A = arith.constant 0 : index
    %swap3A_3 = arith.constant 0 : index
    %swap3A_4 = vector.load %arg2[%swap3A, %swap3A_3] : memref<1024x512xf32, #tpu.memory_space<vmem>>, vector<1024x512xf32>
    tpu.vector_store %arg2[%swap3A, %swap3A_3], %transpose3A {strides = array<i32>} : memref<1024x512xf32, #tpu.memory_space<vmem>>, vector<1024x512xf32>,
    return
  }
  func.func @transform_0(%arg0: i32) -> (i32, i32, i32) {
    %c0_i32 = arith.constant 0 : i32
    %c0_i32_0 = arith.constant 0 : i32
    %c0_i32_1 = arith.constant 0 : i32
    return %arg0, %c0_i32, %c0_i32_0 : i32, i32, i32
  }
  func.func @transform_1(%arg0: i32) -> (i32, i32) {
    %c0_i32 = arith.constant 0 : i32
    %c0_i32_0 = arith.constant 0 : i32
    return %c0_i32, %arg0 : i32, i32
  }
}

</mosaic_0001>

<sc_bundles>
// kernel: kernel.7.cloned.1.call-start
scs
__scs_entry_jumppad:
0x0: {  	(pc) =	sbr.rel $0x88, $3  }
0x1: {  	(tag) =	ssettag $0x0;
	lr =	simm.s32 $0x1  }
0x2: {  	[smem:$0x3F9F] =	sst lr;
	_ =	strace $0xD0000000  }
0x3: {  	_ = 	snop  }
0x4: {  	_ = 	snop  }
0x5: {  	_ = 	snop  }
0x6: {  	_ = 	snop  }
0x7: {  	_ = 	snop  }
__scs_overlays_trampoline_lowered:
0x8: {  	[smem:$0x3FAE] =	sst s0  }
0x9: {  	[smem:$0x3FAF] =	sst s1  }
0xa: {  	[smem:$0x3FB0] =	sst s2  }
0xb: {  	[smem:$0x3FB1] =	sst s3  }
0xc: {  	[smem:$0x3FB2] =	sst s4  }
0xd: {  	[smem:$0x3FB3] =	sst s5  }
0xe: {  	[smem:$0x3FB4] =	sst s6  }
0xf: {  	[smem:$0x3FB5] =	sst s7  }
0x10: {  	[smem:$0x3FB6] =	sst s8  }
0x11: {  	[smem:$0x3FB7] =	sst s9;
	s0 =	simm.s32 @!p0 $0x0  }
0x12: {  	s1 =	sld [smem:$0x3F9D];
	s0 =	simm.s32 @p0 $0x1  }
0x13: {  	[smem:$0x3FB8] =	sst s0;
	s0 =	simm.s32 @!p1 $0x0  }
0x14: {  	s2 =	sld [smem:$0x3F9C];
	s0 =	simm.s32 @p1 $0x1  }
0x15: {  	[smem:$0x3FB9] =	sst s0;
	s0 =	simm.s32 @!p2 $0x0  }
0x16: {  	s3 =	sld [smem:$0x3FDB];
	s0 =	simm.s32 @p2 $0x1  }
0x17: {  	s4 =	simm.s32 $0x1BF5;
	[smem:$0x3FBB] =	sst s0  }
0x18: {  	s0 =	sld [smem:$0x3F9E];
	_ =	swait.ge [sflag:s4], $0x0  }
0x19: {  	s7 =	sld [smem:$0x3F9F]  }
0x1a: {  	s8 =	sadd.s32 $0xFFFFE003, lr  }
0x1b: {  	s9 =	sadd.s32 $0xFFFFFEF7, lr;
	s5 =	simm.s32 $0xFFFFFFFF;
	p2 =	slt.u32 s8, $0xFFFFF086  }
0x1c: {  	p1 =	slt.u32 s9, $0xF7A;
	s5 =	simm.s32 @!p2 $0x0  }
0x1d: {  	s5 =	simm.s32 @p1 $0x1;
	p0 =	seq.s32 s7, s2  }
0x1e: {  	s7 =	smul.u32 @!p0 $0xF7A, s2;
	p2 =	seq.s32 @!p0 s5, $0x0  }
0x1f: {  	s9 =	smul.u32 $0xF7A, s1;
	s8 =	simm.s32 @!p0 $0x1BF5;
	p2 =	por !p2, p0  }
0x20: {  	[sflag:s8] =	ssyncset.s32 @!p0 $0xFFFFF086;
	s6 =	sadd.s32 @!p0 s3, s7;
	s7 =	simm.s32 @!p0 $0x108  }
0x21: {  	s3 =	sadd.s32 s3, s9;
	s6 =	sadd.s32 @!p0 $0x88, s6;
	s7 =	simm.s32 @p2 $0x1082  }
0x22: {  	[simem:s7], [sflag:s8] =	dma.local @!p0 [hbm:s6], $0xF7A  }
0x23: {  	s9 =	sor.u32 $0xD0000000, s2;
	s6 =	simm.s32 $0x108;
	_ =	swait.ge @!p0 [sflag:s8], $0x0  }
0x24: {  	s3 =	sadd.s32 $0x88, s3;
	s6 =	simm.s32 @!p1 $0x1082;
	[sflag:s4] =	ssyncset.s32 $0xFFFFF086  }
0x25: {  	[simem:s6], [sflag:s4] =	dma.local [hbm:s3], $0xF7A  }
0x26: {  	[smem:$0x3F9F] =	sst s1;
	(tag) =	ssettag s2;
	_ =	strace s9  }
0x27: {  	s1 =	sld [smem:$0x3FAF]  }
0x28: {  	s2 =	sld [smem:$0x3FB0]  }
0x29: {  	s4 =	sld [smem:$0x3FB2]  }
0x2a: {  	p0 =	seq.s32 s5, $0x0;
	s5 =	sld [smem:$0x3FB3]  }
0x2b: {  	s6 =	sld [smem:$0x3FB4]  }
0x2c: {  	s7 =	sld [smem:$0x3FB5]  }
0x2d: {  	s3 =	simm.s32 $0x108;
	s8 =	sld [smem:$0x3FB6]  }
0x2e: {  	s3 =	simm.s32 @!p0 $0x1082;
	s9 =	sld [smem:$0x3FB7]  }
0x2f: {  	lr =	sadd.s32 s0, s3;
	s0 =	sld [smem:$0x3FAE]  }
0x30: {  	s3 =	sld [smem:$0x3FB1]  }
0x31: {  	[smem:$0x3FBA] =	sst s10  }
0x32: {  	s10 =	sld [smem:$0x3FB8];
	_ =	sdelay $0x3  }
0x33: {  	p0 =	seq.s32 s10, $0x1;
	s10 =	sld [smem:$0x3FBA];
	_ =	sdelay $0x3  }
0x34: {  	[smem:$0x3FBA] =	sst s10  }
0x35: {  	s10 =	sld [smem:$0x3FB9];
	_ =	sdelay $0x3  }
0x36: {  	p1 =	seq.s32 s10, $0x1;
	s10 =	sld [smem:$0x3FBA];
	_ =	sdelay $0x3  }
0x37: {  	[smem:$0x3FBA] =	sst s10  }
0x38: {  	s10 =	sld [smem:$0x3FBB]  }
0x39: {  	_ = 	snop;
	(pc) =	sbr.ind lr, $3  }
0x3a: {  	_ = 	snop  }
0x3b: {  	_ = 	snop  }
0x3c: {  	p2 =	seq.s32 s10, $0x1;
	s10 =	sld [smem:$0x3FBA]  }
0x3d: {  	_ =	shalt  }
0x3e: {  	_ =	shalt  }
0x3f: {  	_ =	shalt  }
0x40: {  	_ =	shalt  }
0x41: {  	_ =	shalt  }
0x42: {  	_ =	shalt  }
0x43: {  	_ =	shalt  }
0x44: {  	_ =	shalt  }
0x45: {  	_ =	shalt  }
0x46: {  	_ =	shalt  }
0x47: {  	_ =	shalt  }
0x48: {  	_ =	shalt  }
0x49: {  	_ =	shalt  }
0x4a: {  	_ =	shalt  }
0x4b: {  	_ =	shalt  }
0x4c: {  	_ =	shalt  }
0x4d: {  	_ =	shalt  }
0x4e: {  	_ =	shalt  }
0x4f: {  	_ =	shalt  }
0x50: {  	_ =	shalt  }
0x51: {  	_ =	shalt  }
0x52: {  	_ =	shalt  }
0x53: {  	_ =	shalt  }
0x54: {  	_ =	shalt  }
0x55: {  	_ =	shalt  }
0x56: {  	_ =	shalt  }
0x57: {  	_ =	shalt  }
0x58: {  	_ =	shalt  }
0x59: {  	_ =	shalt  }
0x5a: {  	_ =	shalt  }
0x5b: {  	_ =	shalt  }
0x5c: {  	_ =	shalt  }
0x5d: {  	_ =	shalt  }
0x5e: {  	_ =	shalt  }
0x5f: {  	_ =	shalt  }
0x60: {  	_ =	shalt  }
0x61: {  	_ =	shalt  }
0x62: {  	_ =	shalt  }
0x63: {  	_ =	shalt  }
0x64: {  	_ =	shalt  }
0x65: {  	_ =	shalt  }
0x66: {  	_ =	shalt  }
0x67: {  	_ =	shalt  }
0x68: {  	_ =	shalt  }
0x69: {  	_ =	shalt  }
0x6a: {  	_ =	shalt  }
0x6b: {  	_ =	shalt  }
0x6c: {  	_ =	shalt  }
0x6d: {  	_ =	shalt  }
0x6e: {  	_ =	shalt  }
0x6f: {  	_ =	shalt  }
0x70: {  	_ =	shalt  }
0x71: {  	_ =	shalt  }
0x72: {  	_ =	shalt  }
0x73: {  	_ =	shalt  }
0x74: {  	_ =	shalt  }
0x75: {  	_ =	shalt  }
0x76: {  	_ =	shalt  }
0x77: {  	_ =	shalt  }
0x78: {  	_ =	shalt  }
0x79: {  	_ =	shalt  }
0x7a: {  	_ =	shalt  }
0x7b: {  	_ =	shalt  }
0x7c: {  	_ =	shalt  }
0x7d: {  	_ =	shalt  }
0x7e: {  	_ =	shalt  }
0x7f: {  	_ =	shalt  }
0x80: {  	_ =	shalt  }
0x81: {  	_ =	shalt  }
0x82: {  	_ =	shalt  }
0x83: {  	_ =	shalt  }
0x84: {  	_ =	shalt  }
0x85: {  	_ =	shalt  }
0x86: {  	_ =	shalt  }
0x87: {  	_ =	shalt  }
.Lfunc_end0:
.L_simem_size_0:
called_computation.2_lowered:
.L_overlay_start_0:
0x88: {  	s2 =	sld [smem:$0x3FD9]  }
0x89: {  	s3 =	sld [smem:$0x3FFE];
	_ =	sdelay $0x1  }
0x8a: {  	s1 =	srdreg.scid  }
0x8b: {  	s0 =	sand.u32 $0x1, s1  }
0x8c: {  	s17 =	sshll.u32 s0, $0xA;
	s2 =	sadd.s32 s3, s2  }
0x8d: {  	s2 =	sadd.s32 s2, s17  }
0x8e: {  	[smem:$0x3FC6] =	sst s2  }
0x8f: {  	_ = 	snop  }
0x90: {  	s2 =	sld [smem:$0x3FD0];
	(tm) =	ssettm $0x1  }
0x91: {  	s18 =	sld [smem:$0x3FFB];
	_ =	sdelay $0x3  }
0x92: {  	_ =	strace s18  }
0x93: {  	s3 =	sld [smem:$0x3FFC];
	_ =	sdelay $0x3  }
0x94: {  	_ =	strace s3  }
0x95: {  	s3 =	sld [smem:$0x3FFD];
	_ =	sdelay $0x3  }
0x96: {  	_ =	strace s3  }
0x97: {  	_ =	strace $0x8FFFFFFF  }
0x98: {  	s19 =	sld [smem:$0x3FDB];
	_ =	sdelay $0x1  }
0x99: {  	s4 =	simm.s32 $_scs_section_size  }
0x9a: {  	s5 =	simm.s32 $_size__tile_overlayer_lowered;
	s6 =	simm.s32 $_tile_overlayer_lowered  }
0x9b: {  	s22 =	simm.s32 $0x1BFF;
	s21 =	sshll.u32 s6, $0x1;
	s3 =	sadd.s32 s4, s19  }
0x9c: {  	s7 =	simm.s32 $0x0;
	s20 =	sshll.u32 s5, $0x1;
	s5 =	sadd.s32 s21, s3  }
0x9d: {  	[timem:s7], [sflag:s22] =	dma.local [hbm:s5], s20  }
0x9e: {  	_ =	swait.ge [sflag:s22], s20  }
0x9f: {  	s4 =	ssub.s32 $0x0, s20;
	[sflag:s22] =	ssyncset.done $0x0  }
0xa0: {  	[sflag:s22] =	ssyncadd.s32 s4;
	_ =	sdelay $0x1  }
0xa1: {  	s23 =	simm.s32 $0x1B8B  }
0xa2: {  	_ =	swait.ge [sflag:s23], $0x1  }
0xa3: {  	[sflag:s23] =	ssyncset.done $0x0  }
0xa4: {  	s25 =	simm.s32 $0x1B8E;
	s24 =	sld [smem:$0x3FFE];
	[sflag:s23] =	ssyncadd.s32 $0xFFFFFFFF  }
0xa5: {  	s26 =	simm.s32 $execute0_lowered;
	[smem:$0x3FD2] =	sst s25  }
0xa6: {  	s5 =	sshll.u32 s26, $0x1;
	_ =	strace $0x80000049;
	[dreg:$0x1] =	wrdreg $0xFFFFFFFF  }
0xa7: {  	s28 =	simm.s32 $_size_execute0_lowered;
	s3 =	sadd.s32 s3, s5;
	[dreg:$0x0] =	wrdreg $0x0  }
0xa8: {  	s5 =	sshll.u32 s28, $0x1;
	[dreg:$0x2] =	wrdreg s3  }
0xa9: {  	[dreg:$0x3] =	wrdreg s5  }
0xaa: {  	[dreg:$0x4] =	wrdreg $0xC0  }
0xab: {  	_ =	task [dreg:s7], $0x5FFFF  }
0xac: {  	[dreg:$0x1] =	wrdreg $0xFFFFFFFF  }
0xad: {  	[dreg:$0x0] =	wrdreg $0x60  }
0xae: {  	[dreg:$0x2] =	wrdreg s24  }
0xaf: {  	[dreg:$0x3] =	wrdreg s2  }
0xb0: {  	[dreg:$0x4] =	wrdreg $0x9  }
0xb1: {  	_ =	task.clear_ibuf [dreg:s7], $0x5FFFF;
	_ =	strace $0x90000049  }
0xb2: {  	s29 =	simm.s32 $0x9;
	_ =	strace $0x8000004B  }
0xb3: {  	_ =	swait.ge [sflag:s29], $0x1  }
0xb4: {  	[sflag:s29] =	ssyncadd.s32 $0xFFFFFFFF  }
0xb5: {  	_ =	strace $0x9000004B  }
0xb6: {  	_ =	sfence  }
0xb7: {  	s30 =	sld [smem:$0x0];
	_ =	sdelay $0x2  }
0xb8: {  	s31 =	sshll.u32 s1, $0xD;
	s1 =	sshrl.u32 s1, $0x2  }
0xb9: {  	s3 =	sand.u32 $0x4000, s31;
	s1 =	sadd.s32 s1, s30  }
0xba: {  	s0 =	sor.u32 s3, s0;
	s1 =	sshll.u32 s1, $0x11  }
0xbb: {  	s0 =	sor.u32 s1, s0  }
0xbc: {  	s0 =	sadd.s32 $0x8F2B, s0  }
0xbd: {  	[sflag:s0] =	ssyncadd.remote.s32 $0x1  }
0xbe: {  	_ =	sfence.sel $0xFFFF  }
0xbf: {  	[dreg:$0x0] =	wrdreg $0xFFFFFFFF;
	(pc) =	sbr.abs _section_cstart, $3  }
0xc0: {  	[dreg:$0x1] =	wrdreg $0xFFFFFFFF  }
0xc1: {  	_ =	task.clear_ibuf [dreg:s7], $0x2FFFF;
	_ =	strace $0x9FFFFFFF  }
0xc2: {  	(tm) =	ssettm $0x7FFFFFFF  }
0xc3: {  	_ =	shalt  }
tec
execute0_lowered:
.L_overlay_start_1:
0x0: {  	(tag) =	ssettag $0x1  }
0x1: {  	s4 =	rddreg [dreg:$0x0]  }
0x2: {  	s6 =	rddreg [dreg:$0x1];
	s2 =	srdreg.scid  }
0x3: {  	s0 =	rddreg [dreg:$0x2];
	s1 =	stileid.u32;
	s11 =	simm.s32 $0x800  }
0x4: {  	s12 =	simm.s32 $0x8800;
	s13 =	simm.s32 $0x1;
	s14 =	simm.s32 $0x2  }
0x5: {  	s15 =	simm.s32 $0x3;
	s16 =	simm.s32 $0x4;
	s17 =	simm.s32 $0x0  }
0x6: {  	s7 =	sand.u32 $0x1, s2;
	s2 =	simm.s32 $0x0;
	s3 =	sshll.u32 s1, $0xC  }
0x7: {  	s30 =	sshll.u32 s1, $0x13;
	s5 =	sshll.u32 s7, $0xB;
	[smem:$0x7FF] =	sst s2  }
0x8: {  	s8 =	ssub.s32 $0x2, s7;
	s31 =	sshll.u32 s7, $0x12;
	s5 =	sor.u32 s5, s3  }
0x9: {  	_ =	strace $0x8000004A;
	s10 =	sshrl.u32 s8, $0x1;
	s3 =	sadd.s32 $0x2A00, s4  }
0xa: {  	s9 =	sshrl.u32 s5, $0x3;
	s8 =	ssub.s32 s8, s10;
	s5 =	sshll.u32 s5, $0x7  }
0xb: {  	s10 =	simm.s32 $0x20;
	s4 =	sadd.s32 s9, s4;
	s5 =	sadd.s32 s6, s5  }
0xc: {  	s9 =	sadd.s32 s30, s6;
	s6 =	smax.u32 s8, $0x1;
	s4 =	sadd.s32 $0xA00, s4  }
0xd: {  	s7 =	sadd.s32 $0x1000, s5;
	s8 =	sadd.s32 s31, s9;
	s9 =	simm.s32 $0x5  }
.LBB2_1:
0xe: {  	[tilespmem:s2], [sflag:$0x5] =	stream.linear.gather [hbm4b:s4+s2], $0x800, $0x38;
	[tilespmem:$0x10800] =	vst v63  }
0xf: {  	_ =	swait.ge [sflag:s9], $0x800  }
0x10: {  	[sflag:s9] =	ssyncset.done $0x0  }
0x11: {  	[sflag:s9] =	ssyncadd.s32 $0xFFFFF800  }
0x12: {  	[tilespmem:s11], [sflag:$0x1] =	stream.indirect.gather [hbm4b:s3+s10], $0x400, s2, s10, $0xb8;
	[tilespmem:$0x10800] =	vst v63  }
0x13: {  	_ = 	snop  }
0x14: {  	[tilespmem:s12], [sflag:$0x2] =	stream.indirect.gather [hbm4b:s3+s10], $0x400, s10, s10, $0xb8;
	[tilespmem:$0x10800] =	vst v63  }
0x15: {  	_ =	swait.ge [sflag:s13], $0x8000  }
0x16: {  	[sflag:s13] =	ssyncset.done $0x0  }
0x17: {  	[sflag:s13] =	ssyncadd.s32 $0xFFFF8000  }
0x18: {  	[hbm4b:s5+s2] =	stream.linear.scatter [tilespmem:s11], [sflag:$0x3], $0x8000, $0x38;
	[tilespmem:$0x10800] =	vst v63  }
0x19: {  	_ =	swait.ge [sflag:s14], $0x8000  }
0x1a: {  	[sflag:s14] =	ssyncset.done $0x0  }
0x1b: {  	[sflag:s14] =	ssyncadd.s32 $0xFFFF8000  }
0x1c: {  	[hbm4b:s7+s2] =	stream.linear.scatter [tilespmem:s12], [sflag:$0x4], $0x8000, $0x38;
	[tilespmem:$0x10800] =	vst v63  }
0x1d: {  	_ =	swait.ge [sflag:s15], $0x8000  }
0x1e: {  	[sflag:s15] =	ssyncset.done $0x0  }
0x1f: {  	s18 =	simm.s32 $0x40;
	[sflag:s15] =	ssyncadd.s32 $0xFFFF8000  }
0x20: {  	[tilespmem:s11], [sflag:$0x1] =	stream.indirect.gather [hbm4b:s3+s10], $0x400, s18, s10, $0xb8;
	[tilespmem:$0x10800] =	vst v63  }
0x21: {  	_ =	swait.ge [sflag:s16], $0x8000  }
0x22: {  	[sflag:s16] =	ssyncset.done $0x0  }
0x23: {  	s30 =	simm.s32 $0x60;
	[sflag:s16] =	ssyncadd.s32 $0xFFFF8000  }
0x24: {  	[tilespmem:s12], [sflag:$0x2] =	stream.indirect.gather [hbm4b:s3+s10], $0x400, s30, s10, $0xb8;
	[tilespmem:$0x10800] =	vst v63  }
0x25: {  	_ =	swait.ge [sflag:s13], $0x8000  }
0x26: {  	s19 =	sadd.s32 $0x0, s8;
	[sflag:s13] =	ssyncset.done $0x0  }
0x27: {  	s31 =	sadd.s32 $0x2000, s19;
	[sflag:s13] =	ssyncadd.s32 $0xFFFF8000  }
0x28: {  	[hbm4b:s31+s2] =	stream.linear.scatter [tilespmem:s11], [sflag:$0x3], $0x8000, $0x38;
	[tilespmem:$0x10800] =	vst v63  }
0x29: {  	_ =	swait.ge [sflag:s14], $0x8000  }
0x2a: {  	s20 =	sadd.s32 $0x3000, s19;
	[sflag:s14] =	ssyncset.done $0x0  }
0x2b: {  	s19 =	simm.s32 $0xA0;
	s18 =	simm.s32 $0x2000;
	[sflag:s14] =	ssyncadd.s32 $0xFFFF8000  }
.LBB2_2:
0x2c: {  	[hbm4b:s20+s2] =	stream.linear.scatter [tilespmem:s12], [sflag:$0x4], $0x8000, $0x38;
	[tilespmem:$0x10800] =	vst v63  }
0x2d: {  	s20 =	smov.u32 s18  }
0x2e: {  	p0 =	sne.s32 s18, $0x3C000;
	s18 =	sadd.s32 $0x2000, s18;
	_ =	swait.ge [sflag:s15], $0x8000  }
0x2f: {  	[sflag:s15] =	ssyncset.done $0x0  }
0x30: {  	s21 =	sadd.s32 $0xFFFFFFE0, s19;
	[sflag:s15] =	ssyncadd.s32 $0xFFFF8000  }
0x31: {  	[tilespmem:s11], [sflag:$0x1] =	stream.indirect.gather [hbm4b:s3+s10], $0x400, s21, s10, $0xb8;
	[tilespmem:$0x10800] =	vst v63  }
0x32: {  	_ =	swait.ge [sflag:s16], $0x8000  }
0x33: {  	[sflag:s16] =	ssyncset.done $0x0  }
0x34: {  	[sflag:s16] =	ssyncadd.s32 $0xFFFF8000  }
0x35: {  	[tilespmem:s12], [sflag:$0x2] =	stream.indirect.gather [hbm4b:s3+s10], $0x400, s19, s10, $0xb8;
	[tilespmem:$0x10800] =	vst v63  }
0x36: {  	_ =	swait.ge [sflag:s13], $0x8000  }
0x37: {  	s20 =	sadd.s32 s20, s8;
	[sflag:s13] =	ssyncset.done $0x0  }
.Ltmp0:
0x38: {  	s21 =	sadd.s32 $0x2000, s20;
	[sflag:s13] =	ssyncadd.s32 $0xFFFF8000;
	(pc) =	sbr.rel @p0 .LBB2_2-.Ltmp0, $4  }
0x39: {  	[hbm4b:s21+s2] =	stream.linear.scatter [tilespmem:s11], [sflag:$0x3], $0x8000, $0x38;
	[tilespmem:$0x10800] =	vst v63  }
0x3a: {  	_ =	swait.ge [sflag:s14], $0x8000  }
0x3b: {  	[sflag:s14] =	ssyncset.done $0x0  }
0x3c: {  	s20 =	sadd.s32 $0x3000, s20;
	s19 =	sadd.s32 $0x40, s19;
	[sflag:s14] =	ssyncadd.s32 $0xFFFF8000  }
0x3d: {  	[hbm4b:s20+s2] =	stream.linear.scatter [tilespmem:s12], [sflag:$0x4], $0x8000, $0x38;
	[tilespmem:$0x10800] =	vst v63  }
0x3e: {  	s17 =	sadd.s32 $0x1, s17  }
0x3f: {  	_ =	swait.ge [sflag:s15], $0x8000;
	p0 =	sne.s32 s17, s6  }
.Ltmp1:
0x40: {  	[sflag:s15] =	ssyncset.done $0x0;
	(pc) =	sbr.rel @p0 .LBB2_1-.Ltmp1, $4  }
0x41: {  	[sflag:s15] =	ssyncadd.s32 $0xFFFF8000  }
0x42: {  	_ =	swait.ge [sflag:s16], $0x8000  }
0x43: {  	[sflag:s16] =	ssyncset.done $0x0  }
0x44: {  	[sflag:s16] =	ssyncadd.s32 $0xFFFF8000  }
0x45: {  	_ =	sfence.sel $0x180000  }
0x46: {  	[bflag:$0x0] =	sbarrier.arrive $0xFFFF  }
0x47: {  	p0 =	sne.s32 s1, $0x0;
	_ =	strace $0x9000004A  }
0x48: {  	s0 =	sadd.s32 @!p0 $0x100000, s0;
	[bflag:$0x2] =	sbarrier.arrive $0xFFFF  }
0x49: {  	[sflag:s0] =	ssyncadd.tile.s32 @!p0 $0x1;
	_ =	shalt  }
.Lfunc_end2:
_tile_overlayer_lowered:
.L_overlay_start_2:
0x4a: {  	(tag) =	ssettag $0x2  }
0x4b: {  	s0 =	rddreg [dreg:$0x0];
	s2 =	stileid.u32  }
0x4c: {  	s1 =	rddreg [dreg:$0x1];
	p0 =	sne.s32 s2, $0x0  }
0x4d: {  	s3 =	rddreg [dreg:$0x2];
	[bflag:$0x3] =	sbarrier.arrive $0xFFFF;
	s2 =	simm.s32 @!p0 $0x1C05  }
0x4e: {  	[timem:s3], [sflag:s2] =	dma.local @!p0 [hbm:s0], s1  }
0x4f: {  	s0 =	simm.s32 @!p0 $0x5  }
0x50: {  	_ =	swait.ge @!p0 [sflag:s0], s1  }
0x51: {  	s1 =	ssub.s32 @!p0 $0x0, s1;
	[sflag:s0] =	ssyncset.done @!p0 $0x0  }
0x52: {  	[sflag:s0] =	ssyncadd.s32 @!p0 s1  }
0x53: {  	[bflag:$0x3] =	sbarrier.arrive $0xFFFF  }
0x54: {  	_ =	shalt  }

// kernel: sparse-core-data-format-call.1.cloned.1.call-start
scs
called_computation.1_lowered:
.L_overlay_start_0:
0x0: {  	s2 =	sld [smem:$0x3FD9]  }
0x1: {  	s3 =	sld [smem:$0x3FFE];
	_ =	sdelay $0x1  }
0x2: {  	s1 =	srdreg.scid  }
0x3: {  	s0 =	sand.u32 $0x1, s1  }
0x4: {  	s19 =	sshll.u32 s0, $0xA;
	s2 =	sadd.s32 s3, s2  }
0x5: {  	s2 =	sadd.s32 s2, s19  }
0x6: {  	[smem:$0x3FC6] =	sst s2  }
0x7: {  	_ = 	snop  }
0x8: {  	s2 =	sld [smem:$0x3FC9]  }
0x9: {  	s20 =	sld [smem:$0x3FD0];
	(tm) =	ssettm $0x1  }
0xa: {  	s4 =	sld [smem:$0x3FFB];
	_ =	sdelay $0x3  }
0xb: {  	_ =	strace s4  }
0xc: {  	s4 =	sld [smem:$0x3FFC];
	_ =	sdelay $0x3  }
0xd: {  	_ =	strace s4  }
0xe: {  	s4 =	sld [smem:$0x3FFD];
	_ =	sdelay $0x3  }
0xf: {  	_ =	strace s4  }
0x10: {  	_ =	strace $0x8FFFFFFF  }
0x11: {  	s21 =	sld [smem:$0x3FDB];
	_ =	sdelay $0x1  }
0x12: {  	s5 =	simm.s32 $_scs_section_size  }
0x13: {  	s6 =	simm.s32 $_size__tile_overlayer_lowered;
	s7 =	simm.s32 $_tile_overlayer_lowered  }
0x14: {  	s24 =	simm.s32 $0x1BFF;
	s23 =	sshll.u32 s7, $0x1;
	s4 =	sadd.s32 s5, s21  }
0x15: {  	s8 =	simm.s32 $0x0;
	s22 =	sshll.u32 s6, $0x1;
	s6 =	sadd.s32 s23, s4  }
0x16: {  	[timem:s8], [sflag:s24] =	dma.local [hbm:s6], s22  }
0x17: {  	_ =	swait.ge [sflag:s24], s22  }
0x18: {  	s5 =	ssub.s32 $0x0, s22;
	[sflag:s24] =	ssyncset.done $0x0  }
0x19: {  	[sflag:s24] =	ssyncadd.s32 s5;
	_ =	sdelay $0x1  }
0x1a: {  	s25 =	simm.s32 $0x1B8B  }
0x1b: {  	_ =	swait.ge [sflag:s25], $0x1  }
0x1c: {  	[sflag:s25] =	ssyncset.done $0x0  }
0x1d: {  	s26 =	simm.s32 $0x1B8E;
	[sflag:s25] =	ssyncadd.s32 $0xFFFFFFFF  }
0x1e: {  	s27 =	simm.s32 $execute0_lowered;
	[smem:$0x3FD2] =	sst s26  }
0x1f: {  	s5 =	sshll.u32 s27, $0x1;
	_ =	strace $0x80000046;
	[dreg:$0x1] =	wrdreg $0xFFFFFFFF  }
0x20: {  	s28 =	simm.s32 $_size_execute0_lowered;
	s4 =	sadd.s32 s4, s5;
	[dreg:$0x0] =	wrdreg $0x0  }
0x21: {  	s5 =	sshll.u32 s28, $0x1;
	[dreg:$0x2] =	wrdreg s4  }
0x22: {  	[dreg:$0x3] =	wrdreg s5  }
0x23: {  	[dreg:$0x4] =	wrdreg $0xC0  }
0x24: {  	_ =	task [dreg:s8], $0x5FFFF  }
0x25: {  	[dreg:$0x1] =	wrdreg $0xFFFFFFFF  }
0x26: {  	[dreg:$0x0] =	wrdreg $0x60  }
0x27: {  	[dreg:$0x2] =	wrdreg s2  }
0x28: {  	[dreg:$0x3] =	wrdreg s20  }
0x29: {  	[dreg:$0x4] =	wrdreg $0x9  }
0x2a: {  	_ =	task.clear_ibuf [dreg:s8], $0x5FFFF;
	_ =	strace $0x90000046  }
0x2b: {  	s29 =	simm.s32 $0x9;
	_ =	strace $0x80000048  }
0x2c: {  	_ =	swait.ge [sflag:s29], $0x1  }
0x2d: {  	[sflag:s29] =	ssyncadd.s32 $0xFFFFFFFF  }
0x2e: {  	_ =	strace $0x90000048  }
0x2f: {  	_ =	sfence  }
0x30: {  	s30 =	sld [smem:$0x0];
	_ =	sdelay $0x2  }
0x31: {  	s31 =	sshll.u32 s1, $0xD;
	s1 =	sshrl.u32 s1, $0x2  }
0x32: {  	s3 =	sand.u32 $0x4000, s31;
	s1 =	sadd.s32 s1, s30  }
0x33: {  	s0 =	sor.u32 s3, s0;
	s1 =	sshll.u32 s1, $0x11  }
0x34: {  	s0 =	sor.u32 s1, s0  }
0x35: {  	s0 =	sadd.s32 $0x8F2B, s0  }
0x36: {  	[sflag:s0] =	ssyncadd.remote.s32 $0x1  }
0x37: {  	_ =	sfence.sel $0xFFFF  }
0x38: {  	[dreg:$0x0] =	wrdreg $0xFFFFFFFF;
	(pc) =	sbr.abs _section_cstart, $3  }
0x39: {  	[dreg:$0x1] =	wrdreg $0xFFFFFFFF  }
0x3a: {  	_ =	task.clear_ibuf [dreg:s8], $0x2FFFF;
	_ =	strace $0x9FFFFFFF  }
0x3b: {  	(tm) =	ssettm $0x7FFFFFFF  }
tec
execute0_lowered:
.L_overlay_start_1:
0x0: {  	(tag) =	ssettag $0x1  }
0x1: {  	s0 =	srdreg.scid  }
0x2: {  	s1 =	sshll.u32 s0, $0x4  }
0x3: {  	s0 =	stileid.u32;
	s1 =	sand.u32 $0x10, s1  }
0x4: {  	s2 =	rddreg [dreg:$0x0];
	s1 =	sor.u32 s0, s1  }
0x5: {  	s4 =	rddreg [dreg:$0x1];
	s7 =	simm.s32 $0x1;
	s3 =	sshll.u32 s1, $0x3  }
0x6: {  	s8 =	simm.s32 $0x2;
	s12 =	simm.s32 $0x0;
	s6 =	ssub.s32 $0x400, s3  }
0x7: {  	s13 =	simm.s32 $0x0;
	s9 =	simm.s32 $0x0;
	s5 =	sand.u32 $0xF8, s6  }
.Ltmp0:
0x8: {  	s11 =	simm.s32 $0x0;
	p0 =	sne.s32 s5, $0x0;
	(pc) =	sbr.rel .LBB1_1-.Ltmp0, $4  }
0x9: {  	s1 =	rddreg [dreg:$0x2];
	s6 =	sshrl.u32 s6, $0x8;
	s7 =	simm.s32 @!p0 $0x0  }
0xa: {  	_ =	strace $0x80000047;
	s5 =	simm.s32 $0x1;
	s6 =	sadd.s32 s7, s6  }
0xb: {  	s10 =	smov.u32 s3;
	[sflag:s5] =	ssyncpa.u1 $0x0;
	s6 =	sshll.u32 s6, $0x2  }
0xc: {  	[sflag:s8] =	ssyncpa.u1 $0x0;
	s8 =	simm.s32 $0x0;
	s7 =	sor.u32 $0x1, s6  }
.LBB1_7:
0xd: {  	s14 =	sadd.s32 $0x800, s9  }
0xe: {  	s12 =	sadd.s32 $0x100, s10;
	s16 =	smov.u32 s10;
	p1 =	sgt.s32 s14, $0x1FFF  }
0xf: {  	s16 =	smov.u32 @p1 s12  }
0x10: {  	s14 =	simm.s32 @p1 $0x0;
	p1 =	sgt.s32 s16, $0x3FF  }
0x11: {  	s16 =	smov.u32 @p1 s3;
	p1 =	sne.s32 s11, s7  }
.Ltmp1:
0x12: {  	p0 =	slt.u32 s11, $0x2;
	(pc) =	sbr.rel @!p1 .LBB1_8-.Ltmp1, $4  }
0x13: {  	s15 =	simm.s32 @!p0 $0x2  }
0x14: {  	s13 =	smov.u32 s10;
	s8 =	sadd.s32 $0x4000, s8;
	_ =	swait.ge @!p0 [sflag:s15], $0x4000  }
0x15: {  	s12 =	smov.u32 s9;
	[sflag:s15] =	ssyncset.done @!p0 $0x0;
	s9 =	smov.u32 s14  }
0x16: {  	s11 =	sadd.s32 $0x1, s11;
	[sflag:s15] =	ssyncadd.s32 @!p0 $0xFFFFC000;
	s10 =	smov.u32 s16  }
.LBB1_1:
0x17: {  	p0 =	sge.u32 s11, s6;
	s31 =	sadd.s32 $0xFFFFFFFF, s11  }
0x18: {  	s14 =	sxor.u32 @!p0 $0xFFFFFFFF, s11;
	s15 =	sshll.u32 @!p0 s10, $0xA;
	s16 =	sshrl.u32 @!p0 s9, $0x3  }
0x19: {  	s17 =	sand.u32 @!p0 $0x7, s9;
	s14 =	sshll.u32 @!p0 s14, $0xE;
	s16 =	sand.u32 @!p0 $0x3FF, s16  }
0x1a: {  	s15 =	sadd.s32 @!p0 s2, s15;
	s17 =	sshll.u32 @!p0 s17, $0x12;
	s14 =	sand.u32 @!p0 $0x4000, s14  }
0x1b: {  	s15 =	sadd.s32 @!p0 s16, s15;
	s16 =	sor.u32 @!p0 $0x800, s17;
	s17 =	simm.s32 @!p0 $0x2000  }
0x1c: {  	[tilespmem:s14], [sflag:$0x1] =	stream.strided.gather @!p0 [hbm4b:s15+s16], $0x4000, s17, s16, $0x38;
	[tilespmem:$0x10000] =	vst v63  }
0x1d: {  	p0 =	sge.u32 s31, s6  }
.Ltmp2:
0x1e: {  	_ = 	snop;
	(pc) =	sbr.rel @p0 .LBB1_7-.Ltmp2, $1  }
0x1f: {  	_ =	sdelay $0x3  }
0x20: {  	s14 =	sand.u32 $0x4000, s8  }
0x21: {  	_ =	swait.ge [sflag:s5], $0x4000;
	s17 =	sshll.u32 s11, $0xE;
	s15 =	sor.u32 $0x100, s14  }
0x22: {  	s16 =	sor.u32 $0x8800, s14;
	[sflag:s5] =	ssyncset.done $0x0;
	s31 =	sand.u32 $0x4000, s17  }
0x23: {  	s17 =	simm.s32 $0x0;
	[sflag:s5] =	ssyncadd.s32 $0xFFFFC000;
	s14 =	sor.u32 $0x8000, s31  }
.LBB1_3:
0x24: {  	v0 =	vld [tilespmem:s15+$0xF0]  }
0x25: {  	v1 =	vld [tilespmem:s15+$0xFFFFFF10]  }
0x26: {  	v2 =	vld [tilespmem:s15+$0xFFFFFF20]  }
0x27: {  	v3 =	vld [tilespmem:s15+$0xFFFFFF30]  }
0x28: {  	v4 =	vld [tilespmem:s15+$0xFFFFFF40]  }
0x29: {  	v5 =	vld [tilespmem:s15+$0xFFFFFF50];
	[tilespmem:s16+$0x470] =	vst v0  }
0x2a: {  	[tilespmem:s16+$0xFFFFF810] =	vst v1;
	v0 =	vld [tilespmem:s15+$0xFFFFFF60]  }
0x2b: {  	[tilespmem:s16+$0xFFFFF820] =	vst v2;
	v1 =	vld [tilespmem:s15+$0xFFFFFF70]  }
0x2c: {  	[tilespmem:s16+$0xFFFFF830] =	vst v3;
	v2 =	vld [tilespmem:s15+$0xFFFFFF80]  }
0x2d: {  	[tilespmem:s16+$0xFFFFF840] =	vst v4;
	v3 =	vld [tilespmem:s15+$0xFFFFFF90]  }
0x2e: {  	[tilespmem:s16+$0xFFFFF850] =	vst v5;
	v4 =	vld [tilespmem:s15+$0xFFFFFFA0]  }
0x2f: {  	v5 =	vld [tilespmem:s15+$0xA0];
	[tilespmem:s16+$0xFFFFF860] =	vst v0  }
0x30: {  	v0 =	vld [tilespmem:s15+$0xFFFFFFB0];
	[tilespmem:s16+$0xFFFFF870] =	vst v1  }
0x31: {  	v1 =	vld [tilespmem:s15+$0xFFFFFFC0];
	[tilespmem:s16+$0xFFFFFC00] =	vst v2  }
0x32: {  	[tilespmem:s16+$0xFFFFFC10] =	vst v3;
	v3 =	vld [tilespmem:s15+$0xFFFFFFE0]  }
0x33: {  	[tilespmem:s16+$0xFFFFFC20] =	vst v4;
	v4 =	vld [tilespmem:s15+$0xFFFFFFF0]  }
0x34: {  	v2 =	vld [tilespmem:s15+$0xFFFFFFD0];
	[tilespmem:s16+$0x420] =	vst v5  }
0x35: {  	[tilespmem:s16+$0xFFFFFC30] =	vst v0;
	v0 =	vld [tilespmem:s15+$0x0]  }
0x36: {  	[tilespmem:s16+$0xFFFFFC40] =	vst v1;
	v1 =	vld [tilespmem:s15+$0x10]  }
0x37: {  	[tilespmem:s16+$0xFFFFFC60] =	vst v3;
	v3 =	vld [tilespmem:s15+$0x30]  }
0x38: {  	[tilespmem:s16+$0xFFFFFC70] =	vst v4;
	v4 =	vld [tilespmem:s15+$0x40]  }
0x39: {  	[tilespmem:s16+$0xFFFFFC50] =	vst v2;
	v2 =	vld [tilespmem:s15+$0x20]  }
0x3a: {  	[tilespmem:s16+$0x0] =	vst v0;
	v0 =	vld [tilespmem:s15+$0x50]  }
0x3b: {  	[tilespmem:s16+$0x10] =	vst v1;
	v1 =	vld [tilespmem:s15+$0x60]  }
0x3c: {  	[tilespmem:s16+$0x30] =	vst v3;
	v3 =	vld [tilespmem:s15+$0x80]  }
0x3d: {  	[tilespmem:s16+$0x40] =	vst v4;
	v4 =	vld [tilespmem:s15+$0x90]  }
0x3e: {  	[tilespmem:s16+$0x20] =	vst v2;
	v2 =	vld [tilespmem:s15+$0x70]  }
0x3f: {  	[tilespmem:s16+$0x50] =	vst v0;
	v0 =	vld [tilespmem:s15+$0xB0]  }
0x40: {  	[tilespmem:s16+$0x60] =	vst v1;
	v1 =	vld [tilespmem:s15+$0xC0]  }
0x41: {  	[tilespmem:s16+$0x400] =	vst v3;
	v3 =	vld [tilespmem:s15+$0xD0]  }
0x42: {  	[tilespmem:s16+$0x410] =	vst v4;
	v4 =	vld [tilespmem:s15+$0xE0]  }
0x43: {  	s19 =	simm.s32 $0x0;
	s20 =	sadd.s32 $0x200, s15;
	s18 =	smov.u32 s16;
	[tilespmem:s16+$0x70] =	vst v2;
	v2 =	vld [tilespmem:s15+$0xFFFFFF00]  }
.LBB1_4:
0x44: {  	v5 =	vld [tilespmem:s20+$0xF0];
	s19 =	sadd.s32 $0x200, s19;
	[tilespmem:s18+$0x430] =	vst v0  }
0x45: {  	v0 =	vld [tilespmem:s20+$0xFFFFFF10];
	p0 =	slt.u32 s19, $0x600;
	[tilespmem:s18+$0x440] =	vst v1  }
0x46: {  	v1 =	vld [tilespmem:s20+$0xFFFFFF20];
	[tilespmem:s18+$0x450] =	vst v3  }
0x47: {  	v3 =	vld [tilespmem:s20+$0xFFFFFF30];
	[tilespmem:s18+$0x460] =	vst v4  }
0x48: {  	v4 =	vld [tilespmem:s20+$0xFFFFFF40];
	[tilespmem:s18+$0xFFFFF800] =	vst v2;
	s18 =	sadd.s32 $0x1000, s18  }
0x49: {  	v2 =	vld [tilespmem:s20+$0xFFFFFF50];
	[tilespmem:s18+$0x470] =	vst v5  }
0x4a: {  	[tilespmem:s18+$0xFFFFF810] =	vst v0;
	v0 =	vld [tilespmem:s20+$0xFFFFFF60]  }
0x4b: {  	[tilespmem:s18+$0xFFFFF820] =	vst v1;
	v1 =	vld [tilespmem:s20+$0xFFFFFF70]  }
0x4c: {  	[tilespmem:s18+$0xFFFFF830] =	vst v3;
	v3 =	vld [tilespmem:s20+$0xFFFFFF80]  }
0x4d: {  	[tilespmem:s18+$0xFFFFF840] =	vst v4;
	v4 =	vld [tilespmem:s20+$0xFFFFFF90]  }
0x4e: {  	[tilespmem:s18+$0xFFFFF850] =	vst v2;
	v2 =	vld [tilespmem:s20+$0xFFFFFFA0]  }
0x4f: {  	[tilespmem:s18+$0xFFFFF860] =	vst v0;
	v0 =	vld [tilespmem:s20+$0xFFFFFFB0]  }
0x50: {  	[tilespmem:s18+$0xFFFFF870] =	vst v1;
	v1 =	vld [tilespmem:s20+$0xFFFFFFC0]  }
0x51: {  	[tilespmem:s18+$0xFFFFFC00] =	vst v3;
	v3 =	vld [tilespmem:s20+$0xFFFFFFD0]  }
0x52: {  	[tilespmem:s18+$0xFFFFFC10] =	vst v4;
	v4 =	vld [tilespmem:s20+$0xFFFFFFE0]  }
0x53: {  	[tilespmem:s18+$0xFFFFFC20] =	vst v2;
	v2 =	vld [tilespmem:s20+$0xFFFFFFF0]  }
0x54: {  	[tilespmem:s18+$0xFFFFFC30] =	vst v0;
	v0 =	vld [tilespmem:s20+$0x0]  }
0x55: {  	[tilespmem:s18+$0xFFFFFC40] =	vst v1;
	v1 =	vld [tilespmem:s20+$0x10]  }
0x56: {  	[tilespmem:s18+$0xFFFFFC50] =	vst v3;
	v3 =	vld [tilespmem:s20+$0x20]  }
0x57: {  	[tilespmem:s18+$0xFFFFFC60] =	vst v4;
	v4 =	vld [tilespmem:s20+$0x30]  }
0x58: {  	[tilespmem:s18+$0xFFFFFC70] =	vst v2;
	v2 =	vld [tilespmem:s20+$0x40]  }
0x59: {  	[tilespmem:s18+$0x0] =	vst v0;
	v0 =	vld [tilespmem:s20+$0x50]  }
0x5a: {  	[tilespmem:s18+$0x10] =	vst v1;
	v1 =	vld [tilespmem:s20+$0x60]  }
0x5b: {  	[tilespmem:s18+$0x20] =	vst v3;
	v3 =	vld [tilespmem:s20+$0x70]  }
0x5c: {  	[tilespmem:s18+$0x30] =	vst v4;
	v4 =	vld [tilespmem:s20+$0x80]  }
0x5d: {  	[tilespmem:s18+$0x40] =	vst v2;
	v2 =	vld [tilespmem:s20+$0x90]  }
0x5e: {  	[tilespmem:s18+$0x50] =	vst v0;
	v5 =	vld [tilespmem:s20+$0xA0]  }
.Ltmp3:
0x5f: {  	[tilespmem:s18+$0x60] =	vst v1;
	v0 =	vld [tilespmem:s20+$0xB0];
	(pc) =	sbr.rel @p0 .LBB1_4-.Ltmp3, $4  }
0x60: {  	[tilespmem:s18+$0x70] =	vst v3;
	v1 =	vld [tilespmem:s20+$0xC0]  }
0x61: {  	[tilespmem:s18+$0x400] =	vst v4;
	v3 =	vld [tilespmem:s20+$0xD0]  }
0x62: {  	[tilespmem:s18+$0x410] =	vst v2;
	v4 =	vld [tilespmem:s20+$0xE0]  }
0x63: {  	v2 =	vld [tilespmem:s20+$0xFFFFFF00];
	[tilespmem:s18+$0x420] =	vst v5;
	s20 =	sadd.s32 $0x200, s20  }
0x64: {  	s17 =	sadd.s32 $0x1, s17  }
0x65: {  	p0 =	sne.s32 s17, $0x8  }
.Ltmp4:
0x66: {  	[tilespmem:s18+$0x430] =	vst v0;
	(pc) =	sbr.rel @p0 .LBB1_3-.Ltmp4, $4  }
0x67: {  	[tilespmem:s18+$0x440] =	vst v1  }
0x68: {  	[tilespmem:s18+$0x450] =	vst v3  }
0x69: {  	[tilespmem:s18+$0x460] =	vst v4  }
0x6a: {  	s15 =	sadd.s32 $0x800, s15;
	s16 =	sadd.s32 $0x80, s16;
	[tilespmem:s18+$0xFFFFF800] =	vst v2  }
0x6b: {  	s15 =	sand.u32 $0x78, s12;
	s16 =	sshll.u32 s13, $0xD;
	s29 =	sshll.u32 s13, $0x7  }
0x6c: {  	s17 =	sshll.u32 s12, $0x3;
	s16 =	sand.u32 $0x7F0000, s16;
	s13 =	sand.u32 $0x380, s29  }
0x6d: {  	s16 =	sadd.s32 s16, s17;
	s17 =	sand.u32 $0x1C00, s17;
	s13 =	sor.u32 s13, s15  }
.Ltmp5:
0x6e: {  	s30 =	sand.u32 $0x7FE000, s16;
	s13 =	sor.u32 s17, s13;
	(pc) =	sbr.rel .LBB1_7-.Ltmp5, $4  }
0x6f: {  	s13 =	sor.u32 s30, s13  }
0x70: {  	s13 =	sshrl.u32 s13, $0x3  }
0x71: {  	s31 =	sand.u32 $0x7, s12;
	s13 =	sadd.s32 s4, s13  }
0x72: {  	[hbm4b:s13+s31] =	stream.linear.scatter [tilespmem:s14], [sflag:$0x2], $0x4000, $0x38;
	[tilespmem:$0x10000] =	vst v63  }
.LBB1_8:
0x73: {  	_ =	sfence.sel $0x180000  }
0x74: {  	s2 =	simm.s32 $0x1;
	[bflag:$0x0] =	sbarrier.arrive $0xFFFF  }
0x75: {  	s31 =	simm.s32 $0x2;
	[sflag:s2] =	ssyncpa.u1 $0x1  }
0x76: {  	[sflag:s31] =	ssyncpa.u1 $0x1  }
0x77: {  	p0 =	sne.s32 s0, $0x0;
	_ =	strace $0x90000047  }
0x78: {  	s0 =	sadd.s32 @!p0 $0x100000, s1;
	[bflag:$0x2] =	sbarrier.arrive $0xFFFF  }
0x79: {  	[sflag:s0] =	ssyncadd.tile.s32 @!p0 $0x1;
	_ =	shalt  }
.Lfunc_end1:
_tile_overlayer_lowered:
.L_overlay_start_2:
0x7a: {  	(tag) =	ssettag $0x2  }
0x7b: {  	s0 =	rddreg [dreg:$0x0];
	s2 =	stileid.u32  }
0x7c: {  	s1 =	rddreg [dreg:$0x1];
	p0 =	sne.s32 s2, $0x0  }
0x7d: {  	s3 =	rddreg [dreg:$0x2];
	[bflag:$0x3] =	sbarrier.arrive $0xFFFF;
	s2 =	simm.s32 @!p0 $0x1C01  }
0x7e: {  	[timem:s3], [sflag:s2] =	dma.local @!p0 [hbm:s0], s1  }
0x7f: {  	s0 =	simm.s32 @!p0 $0x1  }
0x80: {  	_ =	swait.ge @!p0 [sflag:s0], s1  }
0x81: {  	s1 =	ssub.s32 @!p0 $0x0, s1;
	[sflag:s0] =	ssyncset.done @!p0 $0x0  }
0x82: {  	[sflag:s0] =	ssyncadd.s32 @!p0 s1  }
0x83: {  	[bflag:$0x3] =	sbarrier.arrive $0xFFFF  }
0x84: {  	_ =	shalt  }

// kernel: sparse-core-data-format-call.cloned.1.call-start
scs
called_computation_lowered:
.L_overlay_start_0:
0x0: {  	s2 =	sld [smem:$0x3FD9]  }
0x1: {  	s3 =	sld [smem:$0x3FFE];
	_ =	sdelay $0x1  }
0x2: {  	s1 =	srdreg.scid  }
0x3: {  	s0 =	sand.u32 $0x1, s1  }
0x4: {  	s18 =	sshll.u32 s0, $0xA;
	s2 =	sadd.s32 s3, s2  }
0x5: {  	s2 =	sadd.s32 s2, s18  }
0x6: {  	[smem:$0x3FC6] =	sst s2  }
0x7: {  	_ = 	snop  }
0x8: {  	s2 =	sld [smem:$0x3FD0];
	(tm) =	ssettm $0x1  }
0x9: {  	s19 =	sld [smem:$0x3FFB];
	_ =	sdelay $0x3  }
0xa: {  	_ =	strace s19  }
0xb: {  	s3 =	sld [smem:$0x3FFC];
	_ =	sdelay $0x3  }
0xc: {  	_ =	strace s3  }
0xd: {  	s3 =	sld [smem:$0x3FFD];
	_ =	sdelay $0x3  }
0xe: {  	_ =	strace s3  }
0xf: {  	_ =	strace $0x8FFFFFFF  }
0x10: {  	s20 =	sld [smem:$0x3FDB];
	_ =	sdelay $0x1  }
0x11: {  	s4 =	simm.s32 $_scs_section_size  }
0x12: {  	s5 =	simm.s32 $_size__tile_overlayer_lowered;
	s6 =	simm.s32 $_tile_overlayer_lowered  }
0x13: {  	s23 =	simm.s32 $0x1BFF;
	s22 =	sshll.u32 s6, $0x1;
	s3 =	sadd.s32 s4, s20  }
0x14: {  	s7 =	simm.s32 $0x0;
	s21 =	sshll.u32 s5, $0x1;
	s5 =	sadd.s32 s22, s3  }
0x15: {  	[timem:s7], [sflag:s23] =	dma.local [hbm:s5], s21  }
0x16: {  	_ =	swait.ge [sflag:s23], s21  }
0x17: {  	s4 =	ssub.s32 $0x0, s21;
	[sflag:s23] =	ssyncset.done $0x0  }
0x18: {  	[sflag:s23] =	ssyncadd.s32 s4;
	_ =	sdelay $0x1  }
0x19: {  	s24 =	simm.s32 $0x1B8B  }
0x1a: {  	_ =	swait.ge [sflag:s24], $0x1  }
0x1b: {  	[sflag:s24] =	ssyncset.done $0x0  }
0x1c: {  	s26 =	simm.s32 $0x1B8E;
	s25 =	sld [smem:$0x3FFE];
	[sflag:s24] =	ssyncadd.s32 $0xFFFFFFFF  }
0x1d: {  	s27 =	simm.s32 $execute0_lowered;
	[smem:$0x3FD2] =	sst s26  }
0x1e: {  	s5 =	sshll.u32 s27, $0x1;
	_ =	strace $0x8000004C;
	[dreg:$0x1] =	wrdreg $0xFFFFFFFF  }
0x1f: {  	s28 =	simm.s32 $_size_execute0_lowered;
	s3 =	sadd.s32 s3, s5;
	[dreg:$0x0] =	wrdreg $0x0  }
0x20: {  	s5 =	sshll.u32 s28, $0x1;
	[dreg:$0x2] =	wrdreg s3  }
0x21: {  	[dreg:$0x3] =	wrdreg s5  }
0x22: {  	[dreg:$0x4] =	wrdreg $0xC0  }
0x23: {  	_ =	task [dreg:s7], $0x5FFFF  }
0x24: {  	[dreg:$0x1] =	wrdreg $0xFFFFFFFF  }
0x25: {  	[dreg:$0x0] =	wrdreg $0x60  }
0x26: {  	[dreg:$0x2] =	wrdreg s25  }
0x27: {  	[dreg:$0x3] =	wrdreg s2  }
0x28: {  	[dreg:$0x4] =	wrdreg $0x9  }
0x29: {  	_ =	task.clear_ibuf [dreg:s7], $0x5FFFF;
	_ =	strace $0x9000004C  }
0x2a: {  	s29 =	simm.s32 $0x9;
	_ =	strace $0x8000004E  }
0x2b: {  	_ =	swait.ge [sflag:s29], $0x1  }
0x2c: {  	[sflag:s29] =	ssyncadd.s32 $0xFFFFFFFF  }
0x2d: {  	_ =	strace $0x9000004E  }
0x2e: {  	_ =	sfence  }
0x2f: {  	s30 =	sld [smem:$0x0];
	_ =	sdelay $0x2  }
0x30: {  	s31 =	sshll.u32 s1, $0xD;
	s1 =	sshrl.u32 s1, $0x2  }
0x31: {  	s3 =	sand.u32 $0x4000, s31;
	s1 =	sadd.s32 s1, s30  }
0x32: {  	s0 =	sor.u32 s3, s0;
	s1 =	sshll.u32 s1, $0x11  }
0x33: {  	s0 =	sor.u32 s1, s0  }
0x34: {  	s0 =	sadd.s32 $0x8F2B, s0  }
0x35: {  	[sflag:s0] =	ssyncadd.remote.s32 $0x1  }
0x36: {  	_ =	sfence.sel $0xFFFF  }
0x37: {  	[dreg:$0x0] =	wrdreg $0xFFFFFFFF;
	(pc) =	sbr.abs _section_cstart, $3  }
0x38: {  	[dreg:$0x1] =	wrdreg $0xFFFFFFFF  }
0x39: {  	_ =	task.clear_ibuf [dreg:s7], $0x2FFFF;
	_ =	strace $0x9FFFFFFF  }
0x3a: {  	(tm) =	ssettm $0x7FFFFFFF  }
0x3b: {  	_ =	shalt  }
tec
execute0_lowered:
.L_overlay_start_1:
0x0: {  	(tag) =	ssettag $0x1  }
0x1: {  	s0 =	srdreg.scid  }
0x2: {  	s1 =	sshll.u32 s0, $0x4  }
0x3: {  	s6 =	rddreg [dreg:$0x0];
	s0 =	stileid.u32;
	s1 =	sand.u32 $0x10, s1  }
0x4: {  	s3 =	rddreg [dreg:$0x1];
	s5 =	simm.s32 $0x1;
	s1 =	sor.u32 s0, s1  }
0x5: {  	s31 =	simm.s32 $0x2;
	s13 =	simm.s32 $0x0;
	s2 =	sshll.u32 s1, $0x3  }
0x6: {  	s8 =	simm.s32 $0x10000;
	s9 =	simm.s32 $0x0;
	s4 =	ssub.s32 $0x400, s2  }
0x7: {  	s14 =	simm.s32 $0x0;
	s10 =	simm.s32 $0x0;
	s30 =	sand.u32 $0xF8, s4  }
.Ltmp0:
0x8: {  	s12 =	simm.s32 $0x0;
	p0 =	sne.s32 s30, $0x0;
	(pc) =	sbr.rel .LBB1_1-.Ltmp0, $4  }
0x9: {  	s1 =	rddreg [dreg:$0x2];
	s7 =	sshrl.u32 s4, $0x8;
	s5 =	simm.s32 @!p0 $0x0  }
0xa: {  	_ =	strace $0x8000004D;
	s4 =	simm.s32 $0x1;
	s5 =	sadd.s32 s5, s7  }
0xb: {  	s6 =	sadd.s32 $0xA00, s6;
	[sflag:s4] =	ssyncpa.u1 $0x0;
	s5 =	sshll.u32 s5, $0x5  }
0xc: {  	s11 =	smov.u32 s2;
	[sflag:s31] =	ssyncpa.u1 $0x0;
	s7 =	sor.u32 $0x1, s5  }
.LBB1_7:
0xd: {  	s15 =	sadd.s32 $0x800, s10  }
0xe: {  	s13 =	sadd.s32 $0x100, s11;
	s17 =	smov.u32 s11;
	p1 =	sgt.s32 s15, $0xFFFF  }
0xf: {  	s17 =	smov.u32 @p1 s13  }
0x10: {  	s15 =	simm.s32 @p1 $0x0;
	p1 =	sgt.s32 s17, $0x3FF  }
0x11: {  	s17 =	smov.u32 @p1 s2;
	p1 =	sne.s32 s12, s7  }
.Ltmp1:
0x12: {  	p0 =	slt.u32 s12, $0x2;
	(pc) =	sbr.rel @!p1 .LBB1_8-.Ltmp1, $4  }
0x13: {  	s16 =	simm.s32 @!p0 $0x2  }
0x14: {  	s14 =	smov.u32 s11;
	s9 =	sadd.s32 $0x4000, s9;
	_ =	swait.ge @!p0 [sflag:s16], $0x4000  }
0x15: {  	s13 =	smov.u32 s10;
	[sflag:s16] =	ssyncset.done @!p0 $0x0;
	s10 =	smov.u32 s15  }
0x16: {  	s12 =	sadd.s32 $0x1, s12;
	[sflag:s16] =	ssyncadd.s32 @!p0 $0xFFFFC000;
	s11 =	smov.u32 s17  }
.LBB1_1:
0x17: {  	p0 =	sge.u32 s12, s5  }
0x18: {  	s15 =	sand.u32 @!p0 $0x78, s10;
	s16 =	sshll.u32 @!p0 s11, $0x10;
	s17 =	sshll.u32 @!p0 s11, $0x7  }
0x19: {  	s18 =	sshll.u32 @!p0 s10, $0x3;
	s16 =	sand.u32 @!p0 $0x3F80000, s16;
	s17 =	sand.u32 @!p0 $0x380, s17  }
0x1a: {  	s16 =	sadd.s32 @!p0 s16, s18;
	s18 =	sand.u32 @!p0 $0xFC00, s18;
	s15 =	sor.u32 @!p0 s17, s15  }
0x1b: {  	s16 =	sand.u32 @!p0 $0x3FF0000, s16;
	s15 =	sor.u32 @!p0 s18, s15  }
0x1c: {  	s17 =	sxor.u32 @!p0 $0xFFFFFFFF, s12;
	s15 =	sor.u32 @!p0 s16, s15  }
0x1d: {  	s31 =	sadd.s32 $0xFFFFFFFF, s12;
	s16 =	sshll.u32 @!p0 s17, $0xE;
	s15 =	sshrl.u32 @!p0 s15, $0x3  }
0x1e: {  	s17 =	sand.u32 @!p0 $0x7, s10;
	s16 =	sand.u32 @!p0 $0x4000, s16;
	s15 =	sadd.s32 @!p0 s6, s15  }
0x1f: {  	[tilespmem:s16], [sflag:$0x1] =	stream.linear.gather @!p0 [hbm4b:s15+s17], $0x4000, $0x38;
	[tilespmem:$0x10000] =	vst v63  }
0x20: {  	p0 =	sge.u32 s31, s5  }
.Ltmp2:
0x21: {  	_ = 	snop;
	(pc) =	sbr.rel @p0 .LBB1_7-.Ltmp2, $1  }
0x22: {  	_ =	sdelay $0x3  }
0x23: {  	s15 =	sand.u32 $0x4000, s9  }
0x24: {  	_ =	swait.ge [sflag:s4], $0x4000;
	s18 =	sshll.u32 s12, $0xE;
	s16 =	sor.u32 $0x8100, s15  }
0x25: {  	s17 =	sor.u32 $0x800, s15;
	[sflag:s4] =	ssyncset.done $0x0;
	s31 =	sand.u32 $0x4000, s18  }
0x26: {  	s18 =	simm.s32 $0x0;
	[sflag:s4] =	ssyncadd.s32 $0xFFFFC000;
	s15 =	sor.u32 $0x8000, s31  }
.LBB1_3:
0x27: {  	v0 =	vld [tilespmem:s17+$0x470]  }
0x28: {  	v1 =	vld [tilespmem:s17+$0xFFFFF810]  }
0x29: {  	v2 =	vld [tilespmem:s17+$0xFFFFF820]  }
0x2a: {  	v3 =	vld [tilespmem:s17+$0xFFFFF830]  }
0x2b: {  	v4 =	vld [tilespmem:s17+$0xFFFFF840]  }
0x2c: {  	v5 =	vld [tilespmem:s17+$0xFFFFF850];
	[tilespmem:s16+$0xF0] =	vst v0  }
0x2d: {  	[tilespmem:s16+$0xFFFFFF10] =	vst v1;
	v0 =	vld [tilespmem:s17+$0xFFFFF860]  }
0x2e: {  	[tilespmem:s16+$0xFFFFFF20] =	vst v2;
	v1 =	vld [tilespmem:s17+$0xFFFFF870]  }
0x2f: {  	[tilespmem:s16+$0xFFFFFF30] =	vst v3;
	v2 =	vld [tilespmem:s17+$0xFFFFFC00]  }
0x30: {  	[tilespmem:s16+$0xFFFFFF40] =	vst v4;
	v3 =	vld [tilespmem:s17+$0xFFFFFC10]  }
0x31: {  	[tilespmem:s16+$0xFFFFFF50] =	vst v5;
	v4 =	vld [tilespmem:s17+$0xFFFFFC20]  }
0x32: {  	v5 =	vld [tilespmem:s17+$0x420];
	[tilespmem:s16+$0xFFFFFF60] =	vst v0  }
0x33: {  	v0 =	vld [tilespmem:s17+$0xFFFFFC30];
	[tilespmem:s16+$0xFFFFFF70] =	vst v1  }
0x34: {  	v1 =	vld [tilespmem:s17+$0xFFFFFC40];
	[tilespmem:s16+$0xFFFFFF80] =	vst v2  }
0x35: {  	[tilespmem:s16+$0xFFFFFF90] =	vst v3;
	v3 =	vld [tilespmem:s17+$0xFFFFFC60]  }
0x36: {  	[tilespmem:s16+$0xFFFFFFA0] =	vst v4;
	v4 =	vld [tilespmem:s17+$0xFFFFFC70]  }
0x37: {  	v2 =	vld [tilespmem:s17+$0xFFFFFC50];
	[tilespmem:s16+$0xA0] =	vst v5  }
0x38: {  	[tilespmem:s16+$0xFFFFFFB0] =	vst v0;
	v0 =	vld [tilespmem:s17+$0x0]  }
0x39: {  	[tilespmem:s16+$0xFFFFFFC0] =	vst v1;
	v1 =	vld [tilespmem:s17+$0x10]  }
0x3a: {  	[tilespmem:s16+$0xFFFFFFE0] =	vst v3;
	v3 =	vld [tilespmem:s17+$0x30]  }
0x3b: {  	[tilespmem:s16+$0xFFFFFFF0] =	vst v4;
	v4 =	vld [tilespmem:s17+$0x40]  }
0x3c: {  	[tilespmem:s16+$0xFFFFFFD0] =	vst v2;
	v2 =	vld [tilespmem:s17+$0x20]  }
0x3d: {  	[tilespmem:s16+$0x0] =	vst v0;
	v0 =	vld [tilespmem:s17+$0x50]  }
0x3e: {  	[tilespmem:s16+$0x10] =	vst v1;
	v1 =	vld [tilespmem:s17+$0x60]  }
0x3f: {  	[tilespmem:s16+$0x30] =	vst v3;
	v3 =	vld [tilespmem:s17+$0x400]  }
0x40: {  	[tilespmem:s16+$0x40] =	vst v4;
	v4 =	vld [tilespmem:s17+$0x410]  }
0x41: {  	[tilespmem:s16+$0x20] =	vst v2;
	v2 =	vld [tilespmem:s17+$0x70]  }
0x42: {  	[tilespmem:s16+$0x50] =	vst v0;
	v0 =	vld [tilespmem:s17+$0x430]  }
0x43: {  	[tilespmem:s16+$0x60] =	vst v1;
	v1 =	vld [tilespmem:s17+$0x440]  }
0x44: {  	[tilespmem:s16+$0x80] =	vst v3;
	v3 =	vld [tilespmem:s17+$0x450]  }
0x45: {  	[tilespmem:s16+$0x90] =	vst v4;
	v4 =	vld [tilespmem:s17+$0x460]  }
0x46: {  	s20 =	simm.s32 $0x0;
	s21 =	sadd.s32 $0x1000, s17;
	s19 =	smov.u32 s16;
	[tilespmem:s16+$0x70] =	vst v2;
	v2 =	vld [tilespmem:s17+$0xFFFFF800]  }
.LBB1_4:
0x47: {  	v5 =	vld [tilespmem:s21+$0x470];
	s20 =	sadd.s32 $0x200, s20;
	[tilespmem:s19+$0xB0] =	vst v0  }
0x48: {  	v0 =	vld [tilespmem:s21+$0xFFFFF810];
	p0 =	slt.u32 s20, $0x600;
	[tilespmem:s19+$0xC0] =	vst v1  }
0x49: {  	v1 =	vld [tilespmem:s21+$0xFFFFF820];
	[tilespmem:s19+$0xD0] =	vst v3  }
0x4a: {  	v3 =	vld [tilespmem:s21+$0xFFFFF830];
	[tilespmem:s19+$0xE0] =	vst v4  }
0x4b: {  	v4 =	vld [tilespmem:s21+$0xFFFFF840];
	[tilespmem:s19+$0xFFFFFF00] =	vst v2;
	s19 =	sadd.s32 $0x200, s19  }
0x4c: {  	v2 =	vld [tilespmem:s21+$0xFFFFF850];
	[tilespmem:s19+$0xF0] =	vst v5  }
0x4d: {  	[tilespmem:s19+$0xFFFFFF10] =	vst v0;
	v0 =	vld [tilespmem:s21+$0xFFFFF860]  }
0x4e: {  	[tilespmem:s19+$0xFFFFFF20] =	vst v1;
	v1 =	vld [tilespmem:s21+$0xFFFFF870]  }
0x4f: {  	[tilespmem:s19+$0xFFFFFF30] =	vst v3;
	v3 =	vld [tilespmem:s21+$0xFFFFFC00]  }
0x50: {  	[tilespmem:s19+$0xFFFFFF40] =	vst v4;
	v4 =	vld [tilespmem:s21+$0xFFFFFC10]  }
0x51: {  	[tilespmem:s19+$0xFFFFFF50] =	vst v2;
	v2 =	vld [tilespmem:s21+$0xFFFFFC20]  }
0x52: {  	[tilespmem:s19+$0xFFFFFF60] =	vst v0;
	v0 =	vld [tilespmem:s21+$0xFFFFFC30]  }
0x53: {  	[tilespmem:s19+$0xFFFFFF70] =	vst v1;
	v1 =	vld [tilespmem:s21+$0xFFFFFC40]  }
0x54: {  	[tilespmem:s19+$0xFFFFFF80] =	vst v3;
	v3 =	vld [tilespmem:s21+$0xFFFFFC50]  }
0x55: {  	[tilespmem:s19+$0xFFFFFF90] =	vst v4;
	v4 =	vld [tilespmem:s21+$0xFFFFFC60]  }
0x56: {  	[tilespmem:s19+$0xFFFFFFA0] =	vst v2;
	v2 =	vld [tilespmem:s21+$0xFFFFFC70]  }
0x57: {  	[tilespmem:s19+$0xFFFFFFB0] =	vst v0;
	v0 =	vld [tilespmem:s21+$0x0]  }
0x58: {  	[tilespmem:s19+$0xFFFFFFC0] =	vst v1;
	v1 =	vld [tilespmem:s21+$0x10]  }
0x59: {  	[tilespmem:s19+$0xFFFFFFD0] =	vst v3;
	v3 =	vld [tilespmem:s21+$0x20]  }
0x5a: {  	[tilespmem:s19+$0xFFFFFFE0] =	vst v4;
	v4 =	vld [tilespmem:s21+$0x30]  }
0x5b: {  	[tilespmem:s19+$0xFFFFFFF0] =	vst v2;
	v2 =	vld [tilespmem:s21+$0x40]  }
0x5c: {  	[tilespmem:s19+$0x0] =	vst v0;
	v0 =	vld [tilespmem:s21+$0x50]  }
0x5d: {  	[tilespmem:s19+$0x10] =	vst v1;
	v1 =	vld [tilespmem:s21+$0x60]  }
0x5e: {  	[tilespmem:s19+$0x20] =	vst v3;
	v3 =	vld [tilespmem:s21+$0x70]  }
0x5f: {  	[tilespmem:s19+$0x30] =	vst v4;
	v4 =	vld [tilespmem:s21+$0x400]  }
0x60: {  	[tilespmem:s19+$0x40] =	vst v2;
	v2 =	vld [tilespmem:s21+$0x410]  }
0x61: {  	[tilespmem:s19+$0x50] =	vst v0;
	v5 =	vld [tilespmem:s21+$0x420]  }
.Ltmp3:
0x62: {  	[tilespmem:s19+$0x60] =	vst v1;
	v0 =	vld [tilespmem:s21+$0x430];
	(pc) =	sbr.rel @p0 .LBB1_4-.Ltmp3, $4  }
0x63: {  	[tilespmem:s19+$0x70] =	vst v3;
	v1 =	vld [tilespmem:s21+$0x440]  }
0x64: {  	[tilespmem:s19+$0x80] =	vst v4;
	v3 =	vld [tilespmem:s21+$0x450]  }
0x65: {  	[tilespmem:s19+$0x90] =	vst v2;
	v4 =	vld [tilespmem:s21+$0x460]  }
0x66: {  	v2 =	vld [tilespmem:s21+$0xFFFFF800];
	[tilespmem:s19+$0xA0] =	vst v5;
	s21 =	sadd.s32 $0x1000, s21  }
0x67: {  	s18 =	sadd.s32 $0x1, s18  }
0x68: {  	p0 =	sne.s32 s18, $0x8  }
.Ltmp4:
0x69: {  	[tilespmem:s19+$0xB0] =	vst v0;
	(pc) =	sbr.rel @p0 .LBB1_3-.Ltmp4, $4  }
0x6a: {  	[tilespmem:s19+$0xC0] =	vst v1  }
0x6b: {  	[tilespmem:s19+$0xD0] =	vst v3  }
0x6c: {  	[tilespmem:s19+$0xE0] =	vst v4  }
0x6d: {  	s16 =	sadd.s32 $0x800, s16;
	s17 =	sadd.s32 $0x80, s17;
	[tilespmem:s19+$0xFFFFFF00] =	vst v2  }
.Ltmp5:
0x6e: {  	(pc) =	sbr.rel .LBB1_7-.Ltmp5, $4  }
0x6f: {  	s14 =	sshll.u32 s14, $0xD;
	s16 =	sshrl.u32 s13, $0x3;
	s31 =	sand.u32 $0x7, s13  }
0x70: {  	s16 =	sand.u32 $0x1FFF, s16;
	s14 =	sadd.s32 s3, s14;
	s13 =	sshll.u32 s31, $0x12  }
0x71: {  	s14 =	sadd.s32 s16, s14;
	s13 =	sor.u32 $0x800, s13  }
0x72: {  	[hbm4b:s14+s13] =	stream.strided.scatter [tilespmem:s15], [sflag:$0x2], $0x4000, s8, s13, $0x38;
	[tilespmem:$0x10000] =	vst v63  }
.LBB1_8:
0x73: {  	_ =	sfence.sel $0x180000  }
0x74: {  	s2 =	simm.s32 $0x1;
	[bflag:$0x0] =	sbarrier.arrive $0xFFFF  }
0x75: {  	s31 =	simm.s32 $0x2;
	[sflag:s2] =	ssyncpa.u1 $0x1  }
0x76: {  	[sflag:s31] =	ssyncpa.u1 $0x1  }
0x77: {  	p0 =	sne.s32 s0, $0x0;
	_ =	strace $0x9000004D  }
0x78: {  	s0 =	sadd.s32 @!p0 $0x100000, s1;
	[bflag:$0x2] =	sbarrier.arrive $0xFFFF  }
0x79: {  	[sflag:s0] =	ssyncadd.tile.s32 @!p0 $0x1;
	_ =	shalt  }
.Lfunc_end1:
_tile_overlayer_lowered:
.L_overlay_start_2:
0x7a: {  	(tag) =	ssettag $0x2  }
0x7b: {  	s0 =	rddreg [dreg:$0x0];
	s2 =	stileid.u32  }
0x7c: {  	s1 =	rddreg [dreg:$0x1];
	p0 =	sne.s32 s2, $0x0  }
0x7d: {  	s3 =	rddreg [dreg:$0x2];
	[bflag:$0x3] =	sbarrier.arrive $0xFFFF;
	s2 =	simm.s32 @!p0 $0x1C01  }
0x7e: {  	[timem:s3], [sflag:s2] =	dma.local @!p0 [hbm:s0], s1  }
0x7f: {  	s0 =	simm.s32 @!p0 $0x1  }
0x80: {  	_ =	swait.ge @!p0 [sflag:s0], s1  }
0x81: {  	s1 =	ssub.s32 @!p0 $0x0, s1;
	[sflag:s0] =	ssyncset.done @!p0 $0x0  }
0x82: {  	[sflag:s0] =	ssyncadd.s32 @!p0 s1  }
0x83: {  	[bflag:$0x3] =	sbarrier.arrive $0xFFFF  }
0x84: {  	_ =	shalt  }

</sc_bundles>
